<compile_context>
chip_gen: v7x
topology: tpu7x:2x2x1
jax: 0.10.2.dev20260603
libtpu: 0.0.44.dev20260713+nightly
codegen_flags: <defaults>
</compile_context>

<pallas_src>
import functools

import jax
import jax.numpy as jnp
from jax import lax
from jax.experimental import pallas as pl
from jax.experimental.pallas import tpu as pltpu
from jax.experimental.pallas import tpu_sc as plsc

GAMMA_ = 1.05

N_POINTS = 131072
N_BOXES = 256
K_SLOTS = 128
NFEAT = 5
L = 16
NC = 2
NS = 16
NW = NC * NS
BOXES_PER_W = N_BOXES // NW
CHUNK = 4096
NCHUNKS = N_POINTS // CHUNK
BLOCK_VREGS = 16
BLOCK = BLOCK_VREGS * L
BLOCKS = CHUNK // BLOCK
TBL_W = 8
IDXBUF = K_SLOTS + BLOCK
PARAM_PAD = N_BOXES + L


def _sc_body(flat_hbm, cx_hbm, cy_hbm, t_hbm, out_hbm, tbla_hbm, tblb_hbm,
             raw5, spxy, buf0, buf1, xtmp, ytmp, tb8,
             cxv, cyv, tv, idxv, idxg, rows, cnt_s, infl_s, qctr, done_s,
             sem0, sem1):
    cid = lax.axis_index("c")
    sid = lax.axis_index("s")
    wid = sid * NC + cid

    pltpu.sync_copy(cx_hbm, cxv)
    pltpu.sync_copy(cy_hbm, cyv)
    pltpu.sync_copy(t_hbm, tv)

    lanes = lax.iota(jnp.int32, L)
    zero_v = jnp.zeros((L,), jnp.int32)
    one_v = jnp.full((L,), 1, jnp.int32)

    @pl.when(sid == 0)
    def _():
        qctr[0] = jnp.int32(0)

    for half in range(NCHUNKS // NS):
        seg = sid * (NCHUNKS // NS) + half
        pltpu.sync_copy(
            flat_hbm.at[pl.ds(seg * CHUNK * NFEAT, CHUNK * NFEAT)], raw5)

        def dein(v, _c):
            rl = v * L + lanes
            rl5 = rl * NFEAT
            vals = []
            for c in range(NFEAT):
                vc = plsc.load_gather(raw5, [rl5 + c])
                plsc.store_scatter(tb8, [rl, zero_v + c], vc)
                vals.append(vc)
            xtmp[pl.ds(v * L, L)] = vals[0]
            ytmp[pl.ds(v * L, L)] = vals[1]
            return _c

        lax.fori_loop(0, CHUNK // L, dein, 0)
        pltpu.sync_copy(xtmp, spxy.at[seg, 0])
        pltpu.sync_copy(ytmp, spxy.at[seg, 1])

        @pl.when(cid == 0)
        def _(seg=seg):
            pltpu.sync_copy(tb8, tbla_hbm.at[pl.ds(seg * CHUNK, CHUNK)])

        @pl.when(cid == 1)
        def _(seg=seg):
            pltpu.sync_copy(tb8, tblb_hbm.at[pl.ds(seg * CHUNK, CHUNK)])

    plsc.subcore_barrier()

    bufs = (buf0, buf1)
    sems = (sem0, sem1)

    def start(c, parity):
        src = spxy.at[c]
        if parity == 0:
            pltpu.async_copy(src, bufs[0], sems[0])
        else:
            pltpu.async_copy(src, bufs[1], sems[1])

    def wait(c, parity):
        src = spxy.at[c]
        pltpu.make_async_copy(src, bufs[parity], sems[parity]).wait()

    nbox_sc = N_BOXES // NC
    zf = jnp.zeros((L,), jnp.float32)

    def process_box(n):
        pbox = cid * nbox_sc + n
        cx = cxv[pl.ds(pbox, L)][0]
        cy = cyv[pl.ds(pbox, L)][0]
        t = tv[pl.ds(pbox, L)][0]

        def init(kk, _c):
            idxv[pl.ds(kk * L, L)] = zero_v
            return _c

        lax.fori_loop(0, IDXBUF // L, init, 0)
        cnt_s[0] = jnp.int32(0)

        start(jnp.int32(0), 0)
        infl_s[0] = jnp.int32(0)

        def chunk_step(c, parity):
            bufc = bufs[parity]
            active = cnt_s[0] < K_SLOTS

            @pl.when(jnp.logical_and(active, infl_s[0] == c))
            def _():
                @pl.when(c + 1 < NCHUNKS)
                def _():
                    start(c + 1, 1 - parity)

                wait(c, parity)
                infl_s[0] = c + 1
                base = c * CHUNK
                qstop = K_SLOTS - 1

                def vcond(vc):
                    blk, acc = vc
                    return jnp.logical_and(blk < BLOCKS, acc[0] < qstop)

                def vbody(vc):
                    blk, acc = vc
                    for k in range(BLOCK_VREGS):
                        o = blk * BLOCK + k * L
                        rlanes = o + lanes
                        xs = bufc[0, pl.ds(o, L)]
                        ys = bufc[1, pl.ds(o, L)]
                        dx = xs - cx
                        dy = ys - cy
                        d2 = dx * dx + dy * dy
                        m = d2 <= t
                        mi = jnp.where(m, one_v, zero_v)
                        s = plsc.cumsum(mi)
                        pos = acc + s
                        idx = base + rlanes
                        plsc.store_scatter(idxv, [pos], idx, mask=m)
                        acc = acc + plsc.all_reduce_population_count(m)
                    return (blk + 1, acc)

                acc0 = zero_v + (cnt_s[0] - 1)
                _, acc = lax.while_loop(vcond, vbody, (jnp.int32(0), acc0))
                cnt_s[0] = acc[0] + 1

            @pl.when(jnp.logical_and(jnp.logical_not(active), infl_s[0] == c))
            def _():
                wait(c, parity)
                infl_s[0] = jnp.int32(-1)

        def chunk_body(c2, _c):
            chunk_step(2 * c2, 0)
            chunk_step(2 * c2 + 1, 1)
            return _c

        lax.fori_loop(0, NCHUNKS // 2, chunk_body, 0)

        def cp(kk, _c):
            idxg[pl.ds(kk * L, L)] = idxv[pl.ds(kk * L, L)]
            return _c

        lax.fori_loop(0, K_SLOTS // L, cp, 0)

        @pl.when(cid == 0)
        def _():
            pltpu.async_copy(tbla_hbm.at[idxg], rows, sem0).wait()

        @pl.when(cid == 1)
        def _():
            pltpu.async_copy(tblb_hbm.at[idxg], rows, sem0).wait()

        cnt = cnt_s[0]

        @pl.when(cnt < K_SLOTS)
        def _():
            cstop = zero_v + cnt * TBL_W

            def zbody(g, _c):
                flat = g * L + lanes
                mz = flat >= cstop
                row = lax.shift_right_logical(flat, 3)
                col = lax.bitwise_and(flat, jnp.full((L,), TBL_W - 1,
                                                     jnp.int32))
                plsc.store_scatter(rows, [row, col], zf, mask=mz)
                return _c

            lax.fori_loop(0, (K_SLOTS * TBL_W) // L, zbody, 0)

        pltpu.sync_copy(rows.at[:, pl.ds(0, NFEAT)], out_hbm.at[pbox])

    done_s[0] = jnp.int32(0)

    def box_trial(_it, _c):
        @pl.when(done_s[0] == 0)
        def _():
            n = plsc.fetch_and_add(qctr.at[0], 1, subcore_id=0)

            @pl.when(n >= nbox_sc)
            def _():
                done_s[0] = jnp.int32(1)

            @pl.when(n < nbox_sc)
            def _():
                process_box(n)

        return _c

    lax.fori_loop(0, nbox_sc, box_trial, 0)


@functools.partial(
    pl.kernel,
    out_type=(
        jax.ShapeDtypeStruct((N_BOXES, K_SLOTS, NFEAT), jnp.float32),
        jax.ShapeDtypeStruct((N_POINTS, TBL_W), jnp.float32),
        jax.ShapeDtypeStruct((N_POINTS, TBL_W), jnp.float32),
    ),
    mesh=plsc.VectorSubcoreMesh(core_axis_name="c", subcore_axis_name="s"),
    scratch_types=[
        pltpu.VMEM((CHUNK * NFEAT,), jnp.float32),
        pltpu.VMEM_SHARED((NCHUNKS, 2, CHUNK), jnp.float32),
        pltpu.VMEM((2, CHUNK), jnp.float32),
        pltpu.VMEM((2, CHUNK), jnp.float32),
        pltpu.VMEM((CHUNK,), jnp.float32),
        pltpu.VMEM((CHUNK,), jnp.float32),
        pltpu.VMEM((CHUNK, TBL_W), jnp.float32),
        pltpu.VMEM((PARAM_PAD,), jnp.float32),
        pltpu.VMEM((PARAM_PAD,), jnp.float32),
        pltpu.VMEM((PARAM_PAD,), jnp.float32),
        pltpu.VMEM((IDXBUF,), jnp.int32),
        pltpu.VMEM((K_SLOTS,), jnp.int32),
        pltpu.VMEM((K_SLOTS, TBL_W), jnp.float32),
        pltpu.SMEM((1,), jnp.int32),
        pltpu.SMEM((1,), jnp.int32),
        pltpu.SMEM((1,), jnp.int32),
        pltpu.SMEM((1,), jnp.int32),
        pltpu.SemaphoreType.DMA,
        pltpu.SemaphoreType.DMA,
    ],
    compiler_params=pltpu.CompilerParams(
        needs_layout_passes=False, use_tc_tiling_on_sc=False
    ),
)
def _voxel_sample_sc(flat_hbm, cx_hbm, cy_hbm, t_hbm, out_hbm,
                     tbla_hbm, tblb_hbm, *scratch):
    _sc_body(flat_hbm, cx_hbm, cy_hbm, t_hbm, out_hbm, tbla_hbm, tblb_hbm,
             *scratch)


def _squared_threshold(r):
    t = r * r
    neg_inf = jnp.float32(-jnp.inf)
    pos_inf = jnp.float32(jnp.inf)
    for _ in range(8):
        t = jnp.where(jnp.sqrt(t) > r, jnp.nextafter(t, neg_inf), t)
    for _ in range(8):
        tn = jnp.nextafter(t, pos_inf)
        t = jnp.where(jnp.sqrt(tn) <= r, tn, t)
    return t


def kernel(cur_points, cur_boxes, num_sample):
    del num_sample
    flat = jnp.reshape(cur_points.astype(jnp.float32), (N_POINTS * NFEAT,))
    r = jnp.linalg.norm(cur_boxes[:, 3:5] / 2.0, axis=-1) * GAMMA_
    t = _squared_threshold(r.astype(jnp.float32))
    pad = jnp.zeros((PARAM_PAD - N_BOXES,), jnp.float32)
    cx = jnp.concatenate([cur_boxes[:, 0].astype(jnp.float32), pad])
    cy = jnp.concatenate([cur_boxes[:, 1].astype(jnp.float32), pad])
    t = jnp.concatenate([t, pad])
    out, _, _ = _voxel_sample_sc(flat, cx, cy, t)
    return out

# --- scband reference (transcript-rebuilt; emitter-appended) ---
"""Pipeline reference for scband-voxel-sampler-4123168604647 (READ-ONLY COPY).

The authoritative reference and input builder live on the scoring server;
editing this copy changes nothing except your own understanding.
"""

import jax, jax.numpy as jnp
import numpy as np

GAMMA = 1.05


def setup_inputs(seed: int = 0) -> dict:
    key = jax.random.key(seed)
    k1, k2 = jax.random.split(key)
    cur_points = jax.random.normal(k1, (131072, 5), dtype=jnp.float32)
    cur_boxes = jax.random.normal(k2, (256, 7), dtype=jnp.float32)
    return {"cur_points": cur_points, "cur_boxes": cur_boxes, "num_sample": 128}


def reference(cur_points, cur_boxes, num_sample):
    # cylindrical_pool: the core topk-masking kernel of VoxelSampler.forward
    gamma = GAMMA
    # radius per box from box extents (cols 3:5), scaled by gamma
    cur_radiis = jnp.linalg.norm(cur_boxes[:, 3:5] / 2.0, axis=-1) * gamma
    # pairwise 2D (cylindrical) distance between box centers and points: [B, N]
    dis = jnp.linalg.norm(cur_points[None, :, :2] - cur_boxes[:, None, :2], axis=2)
    point_mask = (dis <= cur_radiis[:, None]).astype(jnp.float32)
    # topk over the binary mask selects up to num_sample in-radius points per box
    sampled_mask, sampled_idx = jax.lax.top_k(point_mask, 128)
    # gather the selected points: [B, num_sample, C]
    sampled_points = jnp.take(cur_points, sampled_idx, axis=0)
    # zero out slots whose mask entry was 0 (fewer than num_sample points in radius)
    sampled_points = jnp.where(sampled_mask[..., None] == 0, 0.0 * num_sample, sampled_points)
    return sampled_points

if __name__ == "__main__":
    import jax
    _d = setup_inputs()
    print(jax.jit(kernel)(*tuple(_d.values())))

</pallas_src>

<mosaic_0001>
#map = affine_map<(d0, d1) -> (0)>
#map1 = affine_map<(d0, d1) -> (0, 0, 0)>
#map2 = affine_map<(d0, d1) -> (0, 0)>
module attributes {stable_mosaic.version = 14 : i64} {
  func.func @_voxel_sample_sc(%arg0: i32, %arg1: i32, %arg2: memref<655360xf32, #tpu.memory_space<hbm>>, %arg3: memref<272xf32, #tpu.memory_space<hbm>>, %arg4: memref<272xf32, #tpu.memory_space<hbm>>, %arg5: memref<272xf32, #tpu.memory_space<hbm>>, %arg6: memref<256x128x5xf32, #tpu.memory_space<hbm>>, %arg7: memref<131072x8xf32, #tpu.memory_space<hbm>>, %arg8: memref<131072x8xf32, #tpu.memory_space<hbm>>, %arg9: memref<20480xf32, #tpu.memory_space<vmem>>, %arg10: memref<32x2x4096xf32, #tpu.memory_space<vmem_shared>>, %arg11: memref<2x4096xf32, #tpu.memory_space<vmem>>, %arg12: memref<2x4096xf32, #tpu.memory_space<vmem>>, %arg13: memref<4096xf32, #tpu.memory_space<vmem>>, %arg14: memref<4096xf32, #tpu.memory_space<vmem>>, %arg15: memref<4096x8xf32, #tpu.memory_space<vmem>>, %arg16: memref<272xf32, #tpu.memory_space<vmem>>, %arg17: memref<272xf32, #tpu.memory_space<vmem>>, %arg18: memref<272xf32, #tpu.memory_space<vmem>>, %arg19: memref<384xi32, #tpu.memory_space<vmem>>, %arg20: memref<128xi32, #tpu.memory_space<vmem>>, %arg21: memref<128x8xf32, #tpu.memory_space<vmem>>, %arg22: memref<1xi32, #tpu.memory_space<smem>>, %arg23: memref<1xi32, #tpu.memory_space<smem>>, %arg24: memref<1xi32, #tpu.memory_space<smem>>, %arg25: memref<1xi32, #tpu.memory_space<smem>>, %arg26: memref<!tpu.dma_semaphore, #tpu.memory_space<semaphore_mem>>, %arg27: memref<!tpu.dma_semaphore, #tpu.memory_space<semaphore_mem>>) attributes {dimension_semantics = [#tpu.dimension_semantics<core_parallel>, #tpu.dimension_semantics<subcore_parallel>], iteration_bounds = array<i64: 2, 16>, scalar_prefetch = 0 : i64, scratch_operands = 19 : i64, tpu.core_type = #tpu.core_type<sc_vector_subcore>, window_params = [{transform_indices = #map}, {transform_indices = #map}, {transform_indices = #map}, {transform_indices = #map}, {transform_indices = #map1}, {transform_indices = #map2}, {transform_indices = #map2}]} {
    %mul3A = arith.constant 2 : i32
    %mul3A_0 = arith.muli %arg1, %mul3A : i32
    %add3A = arith.addi %mul3A_0, %arg0 : i32
    "tpu.region"() ({
      %run_scoped3A_67 = tpu.sem_alloc : memref<!tpu.dma_semaphore, #tpu.memory_space<semaphore_mem>>
      tpu.enqueue_dma source(%arg3 : memref<272xf32, #tpu.memory_space<hbm>>) target(%arg16 : memref<272xf32, #tpu.memory_space<vmem>>) target_semaphore(%run_scoped3A_67 : memref<!tpu.dma_semaphore, #tpu.memory_space<semaphore_mem>>)
      tpu.wait_dma2 semaphore(%run_scoped3A_67 : memref<!tpu.dma_semaphore, #tpu.memory_space<semaphore_mem>>) src(%arg3 : memref<272xf32, #tpu.memory_space<hbm>>) dst(%arg16 : memref<272xf32, #tpu.memory_space<vmem>>)
      tpu.yield
    }) : () -> ()
    "tpu.region"() ({
      %run_scoped3A_67 = tpu.sem_alloc : memref<!tpu.dma_semaphore, #tpu.memory_space<semaphore_mem>>
      tpu.enqueue_dma source(%arg4 : memref<272xf32, #tpu.memory_space<hbm>>) target(%arg17 : memref<272xf32, #tpu.memory_space<vmem>>) target_semaphore(%run_scoped3A_67 : memref<!tpu.dma_semaphore, #tpu.memory_space<semaphore_mem>>)
      tpu.wait_dma2 semaphore(%run_scoped3A_67 : memref<!tpu.dma_semaphore, #tpu.memory_space<semaphore_mem>>) src(%arg4 : memref<272xf32, #tpu.memory_space<hbm>>) dst(%arg17 : memref<272xf32, #tpu.memory_space<vmem>>)
      tpu.yield
    }) : () -> ()
    "tpu.region"() ({
      %run_scoped3A_67 = tpu.sem_alloc : memref<!tpu.dma_semaphore, #tpu.memory_space<semaphore_mem>>
      tpu.enqueue_dma source(%arg5 : memref<272xf32, #tpu.memory_space<hbm>>) target(%arg18 : memref<272xf32, #tpu.memory_space<vmem>>) target_semaphore(%run_scoped3A_67 : memref<!tpu.dma_semaphore, #tpu.memory_space<semaphore_mem>>)
      tpu.wait_dma2 semaphore(%run_scoped3A_67 : memref<!tpu.dma_semaphore, #tpu.memory_space<semaphore_mem>>) src(%arg5 : memref<272xf32, #tpu.memory_space<hbm>>) dst(%arg18 : memref<272xf32, #tpu.memory_space<vmem>>)
      tpu.yield
    }) : () -> ()
    %iota3A = tpu.iota {dimensions = array<i32: 0>} : vector<16xi32>
    %broadcast_in_dim3A = arith.constant 0 : i32
    %broadcast_in_dim3A_1 = vector.broadcast %broadcast_in_dim3A : i32 to vector<16xi32>
    %broadcast_in_dim3A_2 = arith.constant 1 : i32
    %broadcast_in_dim3A_3 = vector.broadcast %broadcast_in_dim3A_2 : i32 to vector<16xi32>
    %eq3A = arith.constant 0 : i32
    %eq3A_4 = arith.cmpi eq, %arg1, %eq3A : i32
    %convert_element_type3A = arith.extui %eq3A_4 : i1 to i32
    %cond3A = arith.constant 0 : i32
    %cond3A_5 = arith.cmpi ne, %convert_element_type3A, %cond3A : i32
    scf.if %cond3A_5 {
      %swap3A_67 = arith.constant 0 : i32
      %swap3A_68 = arith.constant 0 : i32
      %swap3A_69 = arith.index_cast %swap3A_68 : i32 to index
      %swap3A_70 = memref.load %arg24[%swap3A_69] : memref<1xi32, #tpu.memory_space<smem>>
      memref.store %swap3A_67, %arg24[%swap3A_69] : memref<1xi32, #tpu.memory_space<smem>>
    } else {
    }
    %mul3A_6 = arith.constant 2 : i32
    %mul3A_7 = arith.muli %arg1, %mul3A_6 : i32
    %add3A_8 = arith.constant 0 : i32
    %add3A_9 = arith.addi %mul3A_7, %add3A_8 : i32
    %mul3A_10 = arith.constant 4096 : i32
    %mul3A_11 = arith.muli %add3A_9, %mul3A_10 : i32
    %mul3A_12 = arith.constant 5 : i32
    %mul3A_13 = arith.muli %mul3A_11, %mul3A_12 : i32
    "tpu.region"() ({
      %run_scoped3A_67 = tpu.sem_alloc : memref<!tpu.dma_semaphore, #tpu.memory_space<semaphore_mem>>
      %dma_start3A = tpu.memref_slice %arg2[%mul3A_13] : memref<655360xf32, #tpu.memory_space<hbm>> -> memref<20480xf32, #tpu.memory_space<hbm>>
      %dma_start3A_68 = tpu.memref_slice %arg2[%mul3A_13] : memref<655360xf32, #tpu.memory_space<hbm>> -> memref<20480xf32, #tpu.memory_space<hbm>>
      tpu.enqueue_dma source(%dma_start3A_68 : memref<20480xf32, #tpu.memory_space<hbm>>) target(%arg9 : memref<20480xf32, #tpu.memory_space<vmem>>) target_semaphore(%run_scoped3A_67 : memref<!tpu.dma_semaphore, #tpu.memory_space<semaphore_mem>>)
      %dma_wait3A = tpu.memref_slice %arg2[%mul3A_13] : memref<655360xf32, #tpu.memory_space<hbm>> -> memref<20480xf32, #tpu.memory_space<hbm>>
      %dma_wait3A_69 = tpu.memref_slice %arg2[%mul3A_13] : memref<655360xf32, #tpu.memory_space<hbm>> -> memref<20480xf32, #tpu.memory_space<hbm>>
      tpu.wait_dma2 semaphore(%run_scoped3A_67 : memref<!tpu.dma_semaphore, #tpu.memory_space<semaphore_mem>>) src(%dma_wait3A_69 : memref<20480xf32, #tpu.memory_space<hbm>>) dst(%arg9 : memref<20480xf32, #tpu.memory_space<vmem>>)
      tpu.yield
    }) : () -> ()
    %scan3A = arith.constant 0 : i32
    %scan3A_14 = arith.constant 0 : i32
    %scan3A_15 = arith.constant 256 : i32
    %scan3A_16 = arith.addi %scan3A_14, %scan3A_15 : i32
    %scan3A_17 = arith.constant 1 : i32
    scf.for %scan3A_67 = %scan3A_14 to %scan3A_16 step %scan3A_17  : i32 {
      %mul3A_68 = arith.constant 16 : i32
      %mul3A_69 = arith.muli %scan3A_67, %mul3A_68 : i32
      %add3A_70 = vector.broadcast %mul3A_69 : i32 to vector<16xi32>
      %add3A_71 = arith.addi %add3A_70, %iota3A : vector<16xi32>
      %mul3A_72 = arith.constant 5 : i32
      %mul3A_73 = vector.broadcast %mul3A_72 : i32 to vector<16xi32>
      %mul3A_74 = arith.muli %add3A_71, %mul3A_73 : vector<16xi32>
      %add3A_75 = arith.constant 0 : i32
      %add3A_76 = vector.broadcast %add3A_75 : i32 to vector<16xi32>
      %add3A_77 = arith.addi %mul3A_74, %add3A_76 : vector<16xi32>
      %gather3A = tpu.vector_load_idx %arg9[%add3A_77] : memref<20480xf32, #tpu.memory_space<vmem>>[vector<16xi32>], vector<16xf32>,
      %add3A_78 = arith.constant 0 : i32
      %add3A_79 = vector.broadcast %add3A_78 : i32 to vector<16xi32>
      %add3A_80 = arith.addi %broadcast_in_dim3A_1, %add3A_79 : vector<16xi32>
      tpu.vector_store_idx %arg15[%add3A_71, %add3A_80], %gather3A : memref<4096x8xf32, #tpu.memory_space<vmem>>[vector<16xi32>, vector<16xi32>], vector<16xf32>,
      %add3A_81 = arith.constant 1 : i32
      %add3A_82 = vector.broadcast %add3A_81 : i32 to vector<16xi32>
      %add3A_83 = arith.addi %mul3A_74, %add3A_82 : vector<16xi32>
      %gather3A_84 = tpu.vector_load_idx %arg9[%add3A_83] : memref<20480xf32, #tpu.memory_space<vmem>>[vector<16xi32>], vector<16xf32>,
      %add3A_85 = arith.constant 1 : i32
      %add3A_86 = vector.broadcast %add3A_85 : i32 to vector<16xi32>
      %add3A_87 = arith.addi %broadcast_in_dim3A_1, %add3A_86 : vector<16xi32>
      tpu.vector_store_idx %arg15[%add3A_71, %add3A_87], %gather3A_84 : memref<4096x8xf32, #tpu.memory_space<vmem>>[vector<16xi32>, vector<16xi32>], vector<16xf32>,
      %add3A_88 = arith.constant 2 : i32
      %add3A_89 = vector.broadcast %add3A_88 : i32 to vector<16xi32>
      %add3A_90 = arith.addi %mul3A_74, %add3A_89 : vector<16xi32>
      %gather3A_91 = tpu.vector_load_idx %arg9[%add3A_90] : memref<20480xf32, #tpu.memory_space<vmem>>[vector<16xi32>], vector<16xf32>,
      %add3A_92 = arith.constant 2 : i32
      %add3A_93 = vector.broadcast %add3A_92 : i32 to vector<16xi32>
      %add3A_94 = arith.addi %broadcast_in_dim3A_1, %add3A_93 : vector<16xi32>
      tpu.vector_store_idx %arg15[%add3A_71, %add3A_94], %gather3A_91 : memref<4096x8xf32, #tpu.memory_space<vmem>>[vector<16xi32>, vector<16xi32>], vector<16xf32>,
      %add3A_95 = arith.constant 3 : i32
      %add3A_96 = vector.broadcast %add3A_95 : i32 to vector<16xi32>
      %add3A_97 = arith.addi %mul3A_74, %add3A_96 : vector<16xi32>
      %gather3A_98 = tpu.vector_load_idx %arg9[%add3A_97] : memref<20480xf32, #tpu.memory_space<vmem>>[vector<16xi32>], vector<16xf32>,
      %add3A_99 = arith.constant 3 : i32
      %add3A_100 = vector.broadcast %add3A_99 : i32 to vector<16xi32>
      %add3A_101 = arith.addi %broadcast_in_dim3A_1, %add3A_100 : vector<16xi32>
      tpu.vector_store_idx %arg15[%add3A_71, %add3A_101], %gather3A_98 : memref<4096x8xf32, #tpu.memory_space<vmem>>[vector<16xi32>, vector<16xi32>], vector<16xf32>,
      %add3A_102 = arith.constant 4 : i32
      %add3A_103 = vector.broadcast %add3A_102 : i32 to vector<16xi32>
      %add3A_104 = arith.addi %mul3A_74, %add3A_103 : vector<16xi32>
      %gather3A_105 = tpu.vector_load_idx %arg9[%add3A_104] : memref<20480xf32, #tpu.memory_space<vmem>>[vector<16xi32>], vector<16xf32>,
      %add3A_106 = arith.constant 4 : i32
      %add3A_107 = vector.broadcast %add3A_106 : i32 to vector<16xi32>
      %add3A_108 = arith.addi %broadcast_in_dim3A_1, %add3A_107 : vector<16xi32>
      tpu.vector_store_idx %arg15[%add3A_71, %add3A_108], %gather3A_105 : memref<4096x8xf32, #tpu.memory_space<vmem>>[vector<16xi32>, vector<16xi32>], vector<16xf32>,
      %mul3A_109 = arith.constant 16 : i32
      %mul3A_110 = arith.muli %scan3A_67, %mul3A_109 : i32
      %swap3A_111 = arith.index_cast %mul3A_110 : i32 to index
      %swap3A_112 = tpu.vector_load %arg13[%swap3A_111] {strides = array<i32>} : memref<4096xf32, #tpu.memory_space<vmem>>, vector<16xf32>,
      tpu.vector_store %arg13[%swap3A_111], %gather3A {strides = array<i32>} : memref<4096xf32, #tpu.memory_space<vmem>>, vector<16xf32>,
      %mul3A_113 = arith.constant 16 : i32
      %mul3A_114 = arith.muli %scan3A_67, %mul3A_113 : i32
      %swap3A_115 = arith.index_cast %mul3A_114 : i32 to index
      %swap3A_116 = tpu.vector_load %arg14[%swap3A_115] {strides = array<i32>} : memref<4096xf32, #tpu.memory_space<vmem>>, vector<16xf32>,
      tpu.vector_store %arg14[%swap3A_115], %gather3A_84 {strides = array<i32>} : memref<4096xf32, #tpu.memory_space<vmem>>, vector<16xf32>,
    }
    %scan3A_18 = arith.constant 256 : i32
    %run_scoped3A = arith.constant 0 : i32
    "tpu.region"() ({
      %run_scoped3A_67 = tpu.sem_alloc : memref<!tpu.dma_semaphore, #tpu.memory_space<semaphore_mem>>
      %dma_start3A = arith.constant 0 : i32
      %dma_start3A_68 = tpu.memref_slice %arg10[%add3A_9, %run_scoped3A, %dma_start3A] : memref<32x2x4096xf32, #tpu.memory_space<vmem_shared>> -> memref<1x1x4096xf32, #tpu.memory_space<vmem_shared>>
      %dma_start3A_69 = tpu.memref_squeeze %dma_start3A_68 : memref<1x1x4096xf32, #tpu.memory_space<vmem_shared>> -> memref<4096xf32, #tpu.memory_space<vmem_shared>>
      %dma_start3A_70 = arith.constant 0 : i32
      %dma_start3A_71 = tpu.memref_slice %arg10[%add3A_9, %run_scoped3A, %dma_start3A_70] : memref<32x2x4096xf32, #tpu.memory_space<vmem_shared>> -> memref<1x1x4096xf32, #tpu.memory_space<vmem_shared>>
      %dma_start3A_72 = tpu.memref_squeeze %dma_start3A_71 : memref<1x1x4096xf32, #tpu.memory_space<vmem_shared>> -> memref<4096xf32, #tpu.memory_space<vmem_shared>>
      tpu.enqueue_dma source(%arg13 : memref<4096xf32, #tpu.memory_space<vmem>>) target(%dma_start3A_72 : memref<4096xf32, #tpu.memory_space<vmem_shared>>) target_semaphore(%run_scoped3A_67 : memref<!tpu.dma_semaphore, #tpu.memory_space<semaphore_mem>>)
      %dma_wait3A = arith.constant 0 : i32
      %dma_wait3A_73 = tpu.memref_slice %arg10[%add3A_9, %run_scoped3A, %dma_wait3A] : memref<32x2x4096xf32, #tpu.memory_space<vmem_shared>> -> memref<1x1x4096xf32, #tpu.memory_space<vmem_shared>>
      %dma_wait3A_74 = tpu.memref_squeeze %dma_wait3A_73 : memref<1x1x4096xf32, #tpu.memory_space<vmem_shared>> -> memref<4096xf32, #tpu.memory_space<vmem_shared>>
      %dma_wait3A_75 = arith.constant 0 : i32
      %dma_wait3A_76 = tpu.memref_slice %arg10[%add3A_9, %run_scoped3A, %dma_wait3A_75] : memref<32x2x4096xf32, #tpu.memory_space<vmem_shared>> -> memref<1x1x4096xf32, #tpu.memory_space<vmem_shared>>
      %dma_wait3A_77 = tpu.memref_squeeze %dma_wait3A_76 : memref<1x1x4096xf32, #tpu.memory_space<vmem_shared>> -> memref<4096xf32, #tpu.memory_space<vmem_shared>>
      tpu.wait_dma2 semaphore(%run_scoped3A_67 : memref<!tpu.dma_semaphore, #tpu.memory_space<semaphore_mem>>) src(%arg13 : memref<4096xf32, #tpu.memory_space<vmem>>) dst(%dma_wait3A_77 : memref<4096xf32, #tpu.memory_space<vmem_shared>>)
      tpu.yield
    }) : () -> ()
    %run_scoped3A_19 = arith.constant 1 : i32
    "tpu.region"() ({
      %run_scoped3A_67 = tpu.sem_alloc : memref<!tpu.dma_semaphore, #tpu.memory_space<semaphore_mem>>
      %dma_start3A = arith.constant 0 : i32
      %dma_start3A_68 = tpu.memref_slice %arg10[%add3A_9, %run_scoped3A_19, %dma_start3A] : memref<32x2x4096xf32, #tpu.memory_space<vmem_shared>> -> memref<1x1x4096xf32, #tpu.memory_space<vmem_shared>>
      %dma_start3A_69 = tpu.memref_squeeze %dma_start3A_68 : memref<1x1x4096xf32, #tpu.memory_space<vmem_shared>> -> memref<4096xf32, #tpu.memory_space<vmem_shared>>
      %dma_start3A_70 = arith.constant 0 : i32
      %dma_start3A_71 = tpu.memref_slice %arg10[%add3A_9, %run_scoped3A_19, %dma_start3A_70] : memref<32x2x4096xf32, #tpu.memory_space<vmem_shared>> -> memref<1x1x4096xf32, #tpu.memory_space<vmem_shared>>
      %dma_start3A_72 = tpu.memref_squeeze %dma_start3A_71 : memref<1x1x4096xf32, #tpu.memory_space<vmem_shared>> -> memref<4096xf32, #tpu.memory_space<vmem_shared>>
      tpu.enqueue_dma source(%arg14 : memref<4096xf32, #tpu.memory_space<vmem>>) target(%dma_start3A_72 : memref<4096xf32, #tpu.memory_space<vmem_shared>>) target_semaphore(%run_scoped3A_67 : memref<!tpu.dma_semaphore, #tpu.memory_space<semaphore_mem>>)
      %dma_wait3A = arith.constant 0 : i32
      %dma_wait3A_73 = tpu.memref_slice %arg10[%add3A_9, %run_scoped3A_19, %dma_wait3A] : memref<32x2x4096xf32, #tpu.memory_space<vmem_shared>> -> memref<1x1x4096xf32, #tpu.memory_space<vmem_shared>>
      %dma_wait3A_74 = tpu.memref_squeeze %dma_wait3A_73 : memref<1x1x4096xf32, #tpu.memory_space<vmem_shared>> -> memref<4096xf32, #tpu.memory_space<vmem_shared>>
      %dma_wait3A_75 = arith.constant 0 : i32
      %dma_wait3A_76 = tpu.memref_slice %arg10[%add3A_9, %run_scoped3A_19, %dma_wait3A_75] : memref<32x2x4096xf32, #tpu.memory_space<vmem_shared>> -> memref<1x1x4096xf32, #tpu.memory_space<vmem_shared>>
      %dma_wait3A_77 = tpu.memref_squeeze %dma_wait3A_76 : memref<1x1x4096xf32, #tpu.memory_space<vmem_shared>> -> memref<4096xf32, #tpu.memory_space<vmem_shared>>
      tpu.wait_dma2 semaphore(%run_scoped3A_67 : memref<!tpu.dma_semaphore, #tpu.memory_space<semaphore_mem>>) src(%arg14 : memref<4096xf32, #tpu.memory_space<vmem>>) dst(%dma_wait3A_77 : memref<4096xf32, #tpu.memory_space<vmem_shared>>)
      tpu.yield
    }) : () -> ()
    %eq3A_20 = arith.constant 0 : i32
    %eq3A_21 = arith.cmpi eq, %arg0, %eq3A_20 : i32
    %convert_element_type3A_22 = arith.extui %eq3A_21 : i1 to i32
    %cond3A_23 = arith.constant 0 : i32
    %cond3A_24 = arith.cmpi ne, %convert_element_type3A_22, %cond3A_23 : i32
    scf.if %cond3A_24 {
      %mul3A_67 = arith.constant 4096 : i32
      %mul3A_68 = arith.muli %add3A_9, %mul3A_67 : i32
      "tpu.region"() ({
        %run_scoped3A_69 = tpu.sem_alloc : memref<!tpu.dma_semaphore, #tpu.memory_space<semaphore_mem>>
        %dma_start3A = arith.constant 0 : i32
        %dma_start3A_70 = tpu.memref_slice %arg7[%mul3A_68, %dma_start3A] : memref<131072x8xf32, #tpu.memory_space<hbm>> -> memref<4096x8xf32, #tpu.memory_space<hbm>>
        %dma_start3A_71 = arith.constant 0 : i32
        %dma_start3A_72 = tpu.memref_slice %arg7[%mul3A_68, %dma_start3A_71] : memref<131072x8xf32, #tpu.memory_space<hbm>> -> memref<4096x8xf32, #tpu.memory_space<hbm>>
        tpu.enqueue_dma source(%arg15 : memref<4096x8xf32, #tpu.memory_space<vmem>>) target(%dma_start3A_72 : memref<4096x8xf32, #tpu.memory_space<hbm>>) target_semaphore(%run_scoped3A_69 : memref<!tpu.dma_semaphore, #tpu.memory_space<semaphore_mem>>)
        %dma_wait3A = arith.constant 0 : i32
        %dma_wait3A_73 = tpu.memref_slice %arg7[%mul3A_68, %dma_wait3A] : memref<131072x8xf32, #tpu.memory_space<hbm>> -> memref<4096x8xf32, #tpu.memory_space<hbm>>
        %dma_wait3A_74 = arith.constant 0 : i32
        %dma_wait3A_75 = tpu.memref_slice %arg7[%mul3A_68, %dma_wait3A_74] : memref<131072x8xf32, #tpu.memory_space<hbm>> -> memref<4096x8xf32, #tpu.memory_space<hbm>>
        tpu.wait_dma2 semaphore(%run_scoped3A_69 : memref<!tpu.dma_semaphore, #tpu.memory_space<semaphore_mem>>) src(%arg15 : memref<4096x8xf32, #tpu.memory_space<vmem>>) dst(%dma_wait3A_75 : memref<4096x8xf32, #tpu.memory_space<hbm>>)
        tpu.yield
      }) : () -> ()
    } else {
    }
    %eq3A_25 = arith.constant 1 : i32
    %eq3A_26 = arith.cmpi eq, %arg0, %eq3A_25 : i32
    %convert_element_type3A_27 = arith.extui %eq3A_26 : i1 to i32
    %cond3A_28 = arith.constant 0 : i32
    %cond3A_29 = arith.cmpi ne, %convert_element_type3A_27, %cond3A_28 : i32
    scf.if %cond3A_29 {
      %mul3A_67 = arith.constant 4096 : i32
      %mul3A_68 = arith.muli %add3A_9, %mul3A_67 : i32
      "tpu.region"() ({
        %run_scoped3A_69 = tpu.sem_alloc : memref<!tpu.dma_semaphore, #tpu.memory_space<semaphore_mem>>
        %dma_start3A = arith.constant 0 : i32
        %dma_start3A_70 = tpu.memref_slice %arg8[%mul3A_68, %dma_start3A] : memref<131072x8xf32, #tpu.memory_space<hbm>> -> memref<4096x8xf32, #tpu.memory_space<hbm>>
        %dma_start3A_71 = arith.constant 0 : i32
        %dma_start3A_72 = tpu.memref_slice %arg8[%mul3A_68, %dma_start3A_71] : memref<131072x8xf32, #tpu.memory_space<hbm>> -> memref<4096x8xf32, #tpu.memory_space<hbm>>
        tpu.enqueue_dma source(%arg15 : memref<4096x8xf32, #tpu.memory_space<vmem>>) target(%dma_start3A_72 : memref<4096x8xf32, #tpu.memory_space<hbm>>) target_semaphore(%run_scoped3A_69 : memref<!tpu.dma_semaphore, #tpu.memory_space<semaphore_mem>>)
        %dma_wait3A = arith.constant 0 : i32
        %dma_wait3A_73 = tpu.memref_slice %arg8[%mul3A_68, %dma_wait3A] : memref<131072x8xf32, #tpu.memory_space<hbm>> -> memref<4096x8xf32, #tpu.memory_space<hbm>>
        %dma_wait3A_74 = arith.constant 0 : i32
        %dma_wait3A_75 = tpu.memref_slice %arg8[%mul3A_68, %dma_wait3A_74] : memref<131072x8xf32, #tpu.memory_space<hbm>> -> memref<4096x8xf32, #tpu.memory_space<hbm>>
        tpu.wait_dma2 semaphore(%run_scoped3A_69 : memref<!tpu.dma_semaphore, #tpu.memory_space<semaphore_mem>>) src(%arg15 : memref<4096x8xf32, #tpu.memory_space<vmem>>) dst(%dma_wait3A_75 : memref<4096x8xf32, #tpu.memory_space<hbm>>)
        tpu.yield
      }) : () -> ()
    } else {
    }
    %mul3A_30 = arith.constant 2 : i32
    %mul3A_31 = arith.muli %arg1, %mul3A_30 : i32
    %add3A_32 = arith.constant 1 : i32
    %add3A_33 = arith.addi %mul3A_31, %add3A_32 : i32
    %mul3A_34 = arith.constant 4096 : i32
    %mul3A_35 = arith.muli %add3A_33, %mul3A_34 : i32
    %mul3A_36 = arith.constant 5 : i32
    %mul3A_37 = arith.muli %mul3A_35, %mul3A_36 : i32
    "tpu.region"() ({
      %run_scoped3A_67 = tpu.sem_alloc : memref<!tpu.dma_semaphore, #tpu.memory_space<semaphore_mem>>
      %dma_start3A = tpu.memref_slice %arg2[%mul3A_37] : memref<655360xf32, #tpu.memory_space<hbm>> -> memref<20480xf32, #tpu.memory_space<hbm>>
      %dma_start3A_68 = tpu.memref_slice %arg2[%mul3A_37] : memref<655360xf32, #tpu.memory_space<hbm>> -> memref<20480xf32, #tpu.memory_space<hbm>>
      tpu.enqueue_dma source(%dma_start3A_68 : memref<20480xf32, #tpu.memory_space<hbm>>) target(%arg9 : memref<20480xf32, #tpu.memory_space<vmem>>) target_semaphore(%run_scoped3A_67 : memref<!tpu.dma_semaphore, #tpu.memory_space<semaphore_mem>>)
      %dma_wait3A = tpu.memref_slice %arg2[%mul3A_37] : memref<655360xf32, #tpu.memory_space<hbm>> -> memref<20480xf32, #tpu.memory_space<hbm>>
      %dma_wait3A_69 = tpu.memref_slice %arg2[%mul3A_37] : memref<655360xf32, #tpu.memory_space<hbm>> -> memref<20480xf32, #tpu.memory_space<hbm>>
      tpu.wait_dma2 semaphore(%run_scoped3A_67 : memref<!tpu.dma_semaphore, #tpu.memory_space<semaphore_mem>>) src(%dma_wait3A_69 : memref<20480xf32, #tpu.memory_space<hbm>>) dst(%arg9 : memref<20480xf32, #tpu.memory_space<vmem>>)
      tpu.yield
    }) : () -> ()
    %scan3A_38 = arith.constant 0 : i32
    %scan3A_39 = arith.constant 0 : i32
    %scan3A_40 = arith.constant 256 : i32
    %scan3A_41 = arith.addi %scan3A_39, %scan3A_40 : i32
    %scan3A_42 = arith.constant 1 : i32
    scf.for %scan3A_67 = %scan3A_39 to %scan3A_41 step %scan3A_42  : i32 {
      %mul3A_68 = arith.constant 16 : i32
      %mul3A_69 = arith.muli %scan3A_67, %mul3A_68 : i32
      %add3A_70 = vector.broadcast %mul3A_69 : i32 to vector<16xi32>
      %add3A_71 = arith.addi %add3A_70, %iota3A : vector<16xi32>
      %mul3A_72 = arith.constant 5 : i32
      %mul3A_73 = vector.broadcast %mul3A_72 : i32 to vector<16xi32>
      %mul3A_74 = arith.muli %add3A_71, %mul3A_73 : vector<16xi32>
      %add3A_75 = arith.constant 0 : i32
      %add3A_76 = vector.broadcast %add3A_75 : i32 to vector<16xi32>
      %add3A_77 = arith.addi %mul3A_74, %add3A_76 : vector<16xi32>
      %gather3A = tpu.vector_load_idx %arg9[%add3A_77] : memref<20480xf32, #tpu.memory_space<vmem>>[vector<16xi32>], vector<16xf32>,
      %add3A_78 = arith.constant 0 : i32
      %add3A_79 = vector.broadcast %add3A_78 : i32 to vector<16xi32>
      %add3A_80 = arith.addi %broadcast_in_dim3A_1, %add3A_79 : vector<16xi32>
      tpu.vector_store_idx %arg15[%add3A_71, %add3A_80], %gather3A : memref<4096x8xf32, #tpu.memory_space<vmem>>[vector<16xi32>, vector<16xi32>], vector<16xf32>,
      %add3A_81 = arith.constant 1 : i32
      %add3A_82 = vector.broadcast %add3A_81 : i32 to vector<16xi32>
      %add3A_83 = arith.addi %mul3A_74, %add3A_82 : vector<16xi32>
      %gather3A_84 = tpu.vector_load_idx %arg9[%add3A_83] : memref<20480xf32, #tpu.memory_space<vmem>>[vector<16xi32>], vector<16xf32>,
      %add3A_85 = arith.constant 1 : i32
      %add3A_86 = vector.broadcast %add3A_85 : i32 to vector<16xi32>
      %add3A_87 = arith.addi %broadcast_in_dim3A_1, %add3A_86 : vector<16xi32>
      tpu.vector_store_idx %arg15[%add3A_71, %add3A_87], %gather3A_84 : memref<4096x8xf32, #tpu.memory_space<vmem>>[vector<16xi32>, vector<16xi32>], vector<16xf32>,
      %add3A_88 = arith.constant 2 : i32
      %add3A_89 = vector.broadcast %add3A_88 : i32 to vector<16xi32>
      %add3A_90 = arith.addi %mul3A_74, %add3A_89 : vector<16xi32>
      %gather3A_91 = tpu.vector_load_idx %arg9[%add3A_90] : memref<20480xf32, #tpu.memory_space<vmem>>[vector<16xi32>], vector<16xf32>,
      %add3A_92 = arith.constant 2 : i32
      %add3A_93 = vector.broadcast %add3A_92 : i32 to vector<16xi32>
      %add3A_94 = arith.addi %broadcast_in_dim3A_1, %add3A_93 : vector<16xi32>
      tpu.vector_store_idx %arg15[%add3A_71, %add3A_94], %gather3A_91 : memref<4096x8xf32, #tpu.memory_space<vmem>>[vector<16xi32>, vector<16xi32>], vector<16xf32>,
      %add3A_95 = arith.constant 3 : i32
      %add3A_96 = vector.broadcast %add3A_95 : i32 to vector<16xi32>
      %add3A_97 = arith.addi %mul3A_74, %add3A_96 : vector<16xi32>
      %gather3A_98 = tpu.vector_load_idx %arg9[%add3A_97] : memref<20480xf32, #tpu.memory_space<vmem>>[vector<16xi32>], vector<16xf32>,
      %add3A_99 = arith.constant 3 : i32
      %add3A_100 = vector.broadcast %add3A_99 : i32 to vector<16xi32>
      %add3A_101 = arith.addi %broadcast_in_dim3A_1, %add3A_100 : vector<16xi32>
      tpu.vector_store_idx %arg15[%add3A_71, %add3A_101], %gather3A_98 : memref<4096x8xf32, #tpu.memory_space<vmem>>[vector<16xi32>, vector<16xi32>], vector<16xf32>,
      %add3A_102 = arith.constant 4 : i32
      %add3A_103 = vector.broadcast %add3A_102 : i32 to vector<16xi32>
      %add3A_104 = arith.addi %mul3A_74, %add3A_103 : vector<16xi32>
      %gather3A_105 = tpu.vector_load_idx %arg9[%add3A_104] : memref<20480xf32, #tpu.memory_space<vmem>>[vector<16xi32>], vector<16xf32>,
      %add3A_106 = arith.constant 4 : i32
      %add3A_107 = vector.broadcast %add3A_106 : i32 to vector<16xi32>
      %add3A_108 = arith.addi %broadcast_in_dim3A_1, %add3A_107 : vector<16xi32>
      tpu.vector_store_idx %arg15[%add3A_71, %add3A_108], %gather3A_105 : memref<4096x8xf32, #tpu.memory_space<vmem>>[vector<16xi32>, vector<16xi32>], vector<16xf32>,
      %mul3A_109 = arith.constant 16 : i32
      %mul3A_110 = arith.muli %scan3A_67, %mul3A_109 : i32
      %swap3A_111 = arith.index_cast %mul3A_110 : i32 to index
      %swap3A_112 = tpu.vector_load %arg13[%swap3A_111] {strides = array<i32>} : memref<4096xf32, #tpu.memory_space<vmem>>, vector<16xf32>,
      tpu.vector_store %arg13[%swap3A_111], %gather3A {strides = array<i32>} : memref<4096xf32, #tpu.memory_space<vmem>>, vector<16xf32>,
      %mul3A_113 = arith.constant 16 : i32
      %mul3A_114 = arith.muli %scan3A_67, %mul3A_113 : i32
      %swap3A_115 = arith.index_cast %mul3A_114 : i32 to index
      %swap3A_116 = tpu.vector_load %arg14[%swap3A_115] {strides = array<i32>} : memref<4096xf32, #tpu.memory_space<vmem>>, vector<16xf32>,
      tpu.vector_store %arg14[%swap3A_115], %gather3A_84 {strides = array<i32>} : memref<4096xf32, #tpu.memory_space<vmem>>, vector<16xf32>,
    }
    %scan3A_43 = arith.constant 256 : i32
    %run_scoped3A_44 = arith.constant 0 : i32
    "tpu.region"() ({
      %run_scoped3A_67 = tpu.sem_alloc : memref<!tpu.dma_semaphore, #tpu.memory_space<semaphore_mem>>
      %dma_start3A = arith.constant 0 : i32
      %dma_start3A_68 = tpu.memref_slice %arg10[%add3A_33, %run_scoped3A_44, %dma_start3A] : memref<32x2x4096xf32, #tpu.memory_space<vmem_shared>> -> memref<1x1x4096xf32, #tpu.memory_space<vmem_shared>>
      %dma_start3A_69 = tpu.memref_squeeze %dma_start3A_68 : memref<1x1x4096xf32, #tpu.memory_space<vmem_shared>> -> memref<4096xf32, #tpu.memory_space<vmem_shared>>
      %dma_start3A_70 = arith.constant 0 : i32
      %dma_start3A_71 = tpu.memref_slice %arg10[%add3A_33, %run_scoped3A_44, %dma_start3A_70] : memref<32x2x4096xf32, #tpu.memory_space<vmem_shared>> -> memref<1x1x4096xf32, #tpu.memory_space<vmem_shared>>
      %dma_start3A_72 = tpu.memref_squeeze %dma_start3A_71 : memref<1x1x4096xf32, #tpu.memory_space<vmem_shared>> -> memref<4096xf32, #tpu.memory_space<vmem_shared>>
      tpu.enqueue_dma source(%arg13 : memref<4096xf32, #tpu.memory_space<vmem>>) target(%dma_start3A_72 : memref<4096xf32, #tpu.memory_space<vmem_shared>>) target_semaphore(%run_scoped3A_67 : memref<!tpu.dma_semaphore, #tpu.memory_space<semaphore_mem>>)
      %dma_wait3A = arith.constant 0 : i32
      %dma_wait3A_73 = tpu.memref_slice %arg10[%add3A_33, %run_scoped3A_44, %dma_wait3A] : memref<32x2x4096xf32, #tpu.memory_space<vmem_shared>> -> memref<1x1x4096xf32, #tpu.memory_space<vmem_shared>>
      %dma_wait3A_74 = tpu.memref_squeeze %dma_wait3A_73 : memref<1x1x4096xf32, #tpu.memory_space<vmem_shared>> -> memref<4096xf32, #tpu.memory_space<vmem_shared>>
      %dma_wait3A_75 = arith.constant 0 : i32
      %dma_wait3A_76 = tpu.memref_slice %arg10[%add3A_33, %run_scoped3A_44, %dma_wait3A_75] : memref<32x2x4096xf32, #tpu.memory_space<vmem_shared>> -> memref<1x1x4096xf32, #tpu.memory_space<vmem_shared>>
      %dma_wait3A_77 = tpu.memref_squeeze %dma_wait3A_76 : memref<1x1x4096xf32, #tpu.memory_space<vmem_shared>> -> memref<4096xf32, #tpu.memory_space<vmem_shared>>
      tpu.wait_dma2 semaphore(%run_scoped3A_67 : memref<!tpu.dma_semaphore, #tpu.memory_space<semaphore_mem>>) src(%arg13 : memref<4096xf32, #tpu.memory_space<vmem>>) dst(%dma_wait3A_77 : memref<4096xf32, #tpu.memory_space<vmem_shared>>)
      tpu.yield
    }) : () -> ()
    %run_scoped3A_45 = arith.constant 1 : i32
    "tpu.region"() ({
      %run_scoped3A_67 = tpu.sem_alloc : memref<!tpu.dma_semaphore, #tpu.memory_space<semaphore_mem>>
      %dma_start3A = arith.constant 0 : i32
      %dma_start3A_68 = tpu.memref_slice %arg10[%add3A_33, %run_scoped3A_45, %dma_start3A] : memref<32x2x4096xf32, #tpu.memory_space<vmem_shared>> -> memref<1x1x4096xf32, #tpu.memory_space<vmem_shared>>
      %dma_start3A_69 = tpu.memref_squeeze %dma_start3A_68 : memref<1x1x4096xf32, #tpu.memory_space<vmem_shared>> -> memref<4096xf32, #tpu.memory_space<vmem_shared>>
      %dma_start3A_70 = arith.constant 0 : i32
      %dma_start3A_71 = tpu.memref_slice %arg10[%add3A_33, %run_scoped3A_45, %dma_start3A_70] : memref<32x2x4096xf32, #tpu.memory_space<vmem_shared>> -> memref<1x1x4096xf32, #tpu.memory_space<vmem_shared>>
      %dma_start3A_72 = tpu.memref_squeeze %dma_start3A_71 : memref<1x1x4096xf32, #tpu.memory_space<vmem_shared>> -> memref<4096xf32, #tpu.memory_space<vmem_shared>>
      tpu.enqueue_dma source(%arg14 : memref<4096xf32, #tpu.memory_space<vmem>>) target(%dma_start3A_72 : memref<4096xf32, #tpu.memory_space<vmem_shared>>) target_semaphore(%run_scoped3A_67 : memref<!tpu.dma_semaphore, #tpu.memory_space<semaphore_mem>>)
      %dma_wait3A = arith.constant 0 : i32
      %dma_wait3A_73 = tpu.memref_slice %arg10[%add3A_33, %run_scoped3A_45, %dma_wait3A] : memref<32x2x4096xf32, #tpu.memory_space<vmem_shared>> -> memref<1x1x4096xf32, #tpu.memory_space<vmem_shared>>
      %dma_wait3A_74 = tpu.memref_squeeze %dma_wait3A_73 : memref<1x1x4096xf32, #tpu.memory_space<vmem_shared>> -> memref<4096xf32, #tpu.memory_space<vmem_shared>>
      %dma_wait3A_75 = arith.constant 0 : i32
      %dma_wait3A_76 = tpu.memref_slice %arg10[%add3A_33, %run_scoped3A_45, %dma_wait3A_75] : memref<32x2x4096xf32, #tpu.memory_space<vmem_shared>> -> memref<1x1x4096xf32, #tpu.memory_space<vmem_shared>>
      %dma_wait3A_77 = tpu.memref_squeeze %dma_wait3A_76 : memref<1x1x4096xf32, #tpu.memory_space<vmem_shared>> -> memref<4096xf32, #tpu.memory_space<vmem_shared>>
      tpu.wait_dma2 semaphore(%run_scoped3A_67 : memref<!tpu.dma_semaphore, #tpu.memory_space<semaphore_mem>>) src(%arg14 : memref<4096xf32, #tpu.memory_space<vmem>>) dst(%dma_wait3A_77 : memref<4096xf32, #tpu.memory_space<vmem_shared>>)
      tpu.yield
    }) : () -> ()
    %eq3A_46 = arith.constant 0 : i32
    %eq3A_47 = arith.cmpi eq, %arg0, %eq3A_46 : i32
    %convert_element_type3A_48 = arith.extui %eq3A_47 : i1 to i32
    %cond3A_49 = arith.constant 0 : i32
    %cond3A_50 = arith.cmpi ne, %convert_element_type3A_48, %cond3A_49 : i32
    scf.if %cond3A_50 {
      %mul3A_67 = arith.constant 4096 : i32
      %mul3A_68 = arith.muli %add3A_33, %mul3A_67 : i32
      "tpu.region"() ({
        %run_scoped3A_69 = tpu.sem_alloc : memref<!tpu.dma_semaphore, #tpu.memory_space<semaphore_mem>>
        %dma_start3A = arith.constant 0 : i32
        %dma_start3A_70 = tpu.memref_slice %arg7[%mul3A_68, %dma_start3A] : memref<131072x8xf32, #tpu.memory_space<hbm>> -> memref<4096x8xf32, #tpu.memory_space<hbm>>
        %dma_start3A_71 = arith.constant 0 : i32
        %dma_start3A_72 = tpu.memref_slice %arg7[%mul3A_68, %dma_start3A_71] : memref<131072x8xf32, #tpu.memory_space<hbm>> -> memref<4096x8xf32, #tpu.memory_space<hbm>>
        tpu.enqueue_dma source(%arg15 : memref<4096x8xf32, #tpu.memory_space<vmem>>) target(%dma_start3A_72 : memref<4096x8xf32, #tpu.memory_space<hbm>>) target_semaphore(%run_scoped3A_69 : memref<!tpu.dma_semaphore, #tpu.memory_space<semaphore_mem>>)
        %dma_wait3A = arith.constant 0 : i32
        %dma_wait3A_73 = tpu.memref_slice %arg7[%mul3A_68, %dma_wait3A] : memref<131072x8xf32, #tpu.memory_space<hbm>> -> memref<4096x8xf32, #tpu.memory_space<hbm>>
        %dma_wait3A_74 = arith.constant 0 : i32
        %dma_wait3A_75 = tpu.memref_slice %arg7[%mul3A_68, %dma_wait3A_74] : memref<131072x8xf32, #tpu.memory_space<hbm>> -> memref<4096x8xf32, #tpu.memory_space<hbm>>
        tpu.wait_dma2 semaphore(%run_scoped3A_69 : memref<!tpu.dma_semaphore, #tpu.memory_space<semaphore_mem>>) src(%arg15 : memref<4096x8xf32, #tpu.memory_space<vmem>>) dst(%dma_wait3A_75 : memref<4096x8xf32, #tpu.memory_space<hbm>>)
        tpu.yield
      }) : () -> ()
    } else {
    }
    %eq3A_51 = arith.constant 1 : i32
    %eq3A_52 = arith.cmpi eq, %arg0, %eq3A_51 : i32
    %convert_element_type3A_53 = arith.extui %eq3A_52 : i1 to i32
    %cond3A_54 = arith.constant 0 : i32
    %cond3A_55 = arith.cmpi ne, %convert_element_type3A_53, %cond3A_54 : i32
    scf.if %cond3A_55 {
      %mul3A_67 = arith.constant 4096 : i32
      %mul3A_68 = arith.muli %add3A_33, %mul3A_67 : i32
      "tpu.region"() ({
        %run_scoped3A_69 = tpu.sem_alloc : memref<!tpu.dma_semaphore, #tpu.memory_space<semaphore_mem>>
        %dma_start3A = arith.constant 0 : i32
        %dma_start3A_70 = tpu.memref_slice %arg8[%mul3A_68, %dma_start3A] : memref<131072x8xf32, #tpu.memory_space<hbm>> -> memref<4096x8xf32, #tpu.memory_space<hbm>>
        %dma_start3A_71 = arith.constant 0 : i32
        %dma_start3A_72 = tpu.memref_slice %arg8[%mul3A_68, %dma_start3A_71] : memref<131072x8xf32, #tpu.memory_space<hbm>> -> memref<4096x8xf32, #tpu.memory_space<hbm>>
        tpu.enqueue_dma source(%arg15 : memref<4096x8xf32, #tpu.memory_space<vmem>>) target(%dma_start3A_72 : memref<4096x8xf32, #tpu.memory_space<hbm>>) target_semaphore(%run_scoped3A_69 : memref<!tpu.dma_semaphore, #tpu.memory_space<semaphore_mem>>)
        %dma_wait3A = arith.constant 0 : i32
        %dma_wait3A_73 = tpu.memref_slice %arg8[%mul3A_68, %dma_wait3A] : memref<131072x8xf32, #tpu.memory_space<hbm>> -> memref<4096x8xf32, #tpu.memory_space<hbm>>
        %dma_wait3A_74 = arith.constant 0 : i32
        %dma_wait3A_75 = tpu.memref_slice %arg8[%mul3A_68, %dma_wait3A_74] : memref<131072x8xf32, #tpu.memory_space<hbm>> -> memref<4096x8xf32, #tpu.memory_space<hbm>>
        tpu.wait_dma2 semaphore(%run_scoped3A_69 : memref<!tpu.dma_semaphore, #tpu.memory_space<semaphore_mem>>) src(%arg15 : memref<4096x8xf32, #tpu.memory_space<vmem>>) dst(%dma_wait3A_75 : memref<4096x8xf32, #tpu.memory_space<hbm>>)
        tpu.yield
      }) : () -> ()
    } else {
    }
    %barrier3A = arith.constant 0 : index
    tpu.barrier barrier_id(%barrier3A)
    %broadcast_in_dim3A_56 = arith.constant 0.000000e+00 : f32
    %broadcast_in_dim3A_57 = vector.broadcast %broadcast_in_dim3A_56 : f32 to vector<16xf32>
    %swap3A = arith.constant 0 : i32
    %swap3A_58 = arith.constant 0 : i32
    %swap3A_59 = arith.index_cast %swap3A_58 : i32 to index
    %swap3A_60 = memref.load %arg25[%swap3A_59] : memref<1xi32, #tpu.memory_space<smem>>
    memref.store %swap3A, %arg25[%swap3A_59] : memref<1xi32, #tpu.memory_space<smem>>
    %scan3A_61 = arith.constant 0 : i32
    %scan3A_62 = arith.constant 0 : i32
    %scan3A_63 = arith.constant 128 : i32
    %scan3A_64 = arith.addi %scan3A_62, %scan3A_63 : i32
    %scan3A_65 = arith.constant 1 : i32
    scf.for %scan3A_67 = %scan3A_62 to %scan3A_64 step %scan3A_65  : i32 {
      %get3A = arith.constant 0 : i32
      %get3A_68 = arith.index_cast %get3A : i32 to index
      %get3A_69 = memref.load %arg25[%get3A_68] : memref<1xi32, #tpu.memory_space<smem>>
      %eq3A_70 = arith.constant 0 : i32
      %eq3A_71 = arith.cmpi eq, %get3A_69, %eq3A_70 : i32
      %convert_element_type3A_72 = arith.extui %eq3A_71 : i1 to i32
      %cond3A_73 = arith.constant 0 : i32
      %cond3A_74 = arith.cmpi ne, %convert_element_type3A_72, %cond3A_73 : i32
      scf.if %cond3A_74 {
        %sc_fetch_and_add3A = arith.constant 1 : i32
        %sc_fetch_and_add3A_75 = arith.constant 0 : i32
        %sc_fetch_and_add3A_76 = arith.constant 0 : i32
        %sc_fetch_and_add3A_77 = tpu.fetch_and_add_sync %arg24[%sc_fetch_and_add3A_75], %sc_fetch_and_add3A, %sc_fetch_and_add3A_76 : memref<1xi32, #tpu.memory_space<smem>>, i32 -> i32
        %ge3A = arith.constant 128 : i32
        %ge3A_78 = arith.cmpi sge, %sc_fetch_and_add3A_77, %ge3A : i32
        %convert_element_type3A_79 = arith.extui %ge3A_78 : i1 to i32
        %cond3A_80 = arith.constant 0 : i32
        %cond3A_81 = arith.cmpi ne, %convert_element_type3A_79, %cond3A_80 : i32
        scf.if %cond3A_81 {
          %swap3A_86 = arith.constant 1 : i32
          %swap3A_87 = arith.constant 0 : i32
          %swap3A_88 = arith.index_cast %swap3A_87 : i32 to index
          %swap3A_89 = memref.load %arg25[%swap3A_88] : memref<1xi32, #tpu.memory_space<smem>>
          memref.store %swap3A_86, %arg25[%swap3A_88] : memref<1xi32, #tpu.memory_space<smem>>
        } else {
        }
        %lt3A = arith.constant 128 : i32
        %lt3A_82 = arith.cmpi slt, %sc_fetch_and_add3A_77, %lt3A : i32
        %convert_element_type3A_83 = arith.extui %lt3A_82 : i1 to i32
        %cond3A_84 = arith.constant 0 : i32
        %cond3A_85 = arith.cmpi ne, %convert_element_type3A_83, %cond3A_84 : i32
        scf.if %cond3A_85 {
          %mul3A_86 = arith.constant 128 : i32
          %mul3A_87 = arith.muli %arg0, %mul3A_86 : i32
          %add3A_88 = arith.addi %mul3A_87, %sc_fetch_and_add3A_77 : i32
          %get3A_89 = arith.index_cast %add3A_88 : i32 to index
          %get3A_90 = tpu.vector_load %arg16[%get3A_89] {strides = array<i32>} : memref<272xf32, #tpu.memory_space<vmem>>, vector<16xf32>,
          %slice3A = vector.extract_strided_slice %get3A_90 {offsets = [0], sizes = [1], strides = [1]} : vector<16xf32> to vector<1xf32>
          %squeeze3A = vector.extract %slice3A[0] : f32 from vector<1xf32>
          %get3A_91 = arith.index_cast %add3A_88 : i32 to index
          %get3A_92 = tpu.vector_load %arg17[%get3A_91] {strides = array<i32>} : memref<272xf32, #tpu.memory_space<vmem>>, vector<16xf32>,
          %slice3A_93 = vector.extract_strided_slice %get3A_92 {offsets = [0], sizes = [1], strides = [1]} : vector<16xf32> to vector<1xf32>
          %squeeze3A_94 = vector.extract %slice3A_93[0] : f32 from vector<1xf32>
          %get3A_95 = arith.index_cast %add3A_88 : i32 to index
          %get3A_96 = tpu.vector_load %arg18[%get3A_95] {strides = array<i32>} : memref<272xf32, #tpu.memory_space<vmem>>, vector<16xf32>,
          %slice3A_97 = vector.extract_strided_slice %get3A_96 {offsets = [0], sizes = [1], strides = [1]} : vector<16xf32> to vector<1xf32>
          %squeeze3A_98 = vector.extract %slice3A_97[0] : f32 from vector<1xf32>
          %scan3A_99 = arith.constant 0 : i32
          %scan3A_100 = arith.constant 0 : i32
          %scan3A_101 = arith.constant 24 : i32
          %scan3A_102 = arith.addi %scan3A_100, %scan3A_101 : i32
          %scan3A_103 = arith.constant 1 : i32
          scf.for %scan3A_151 = %scan3A_100 to %scan3A_102 step %scan3A_103  : i32 {
            %mul3A_152 = arith.constant 16 : i32
            %mul3A_153 = arith.muli %scan3A_151, %mul3A_152 : i32
            %swap3A_154 = arith.index_cast %mul3A_153 : i32 to index
            %swap3A_155 = tpu.vector_load %arg19[%swap3A_154] {strides = array<i32>} : memref<384xi32, #tpu.memory_space<vmem>>, vector<16xi32>,
            tpu.vector_store %arg19[%swap3A_154], %broadcast_in_dim3A_1 {strides = array<i32>} : memref<384xi32, #tpu.memory_space<vmem>>, vector<16xi32>,
          }
          %scan3A_104 = arith.constant 24 : i32
          %swap3A_105 = arith.constant 0 : i32
          %swap3A_106 = arith.constant 0 : i32
          %swap3A_107 = arith.index_cast %swap3A_106 : i32 to index
          %swap3A_108 = memref.load %arg22[%swap3A_107] : memref<1xi32, #tpu.memory_space<smem>>
          memref.store %swap3A_105, %arg22[%swap3A_107] : memref<1xi32, #tpu.memory_space<smem>>
          %dma_start3A = arith.constant 0 : i32
          %dma_start3A_109 = arith.constant 0 : i32
          %dma_start3A_110 = arith.constant 0 : i32
          %dma_start3A_111 = tpu.memref_slice %arg10[%dma_start3A, %dma_start3A_109, %dma_start3A_110] : memref<32x2x4096xf32, #tpu.memory_space<vmem_shared>> -> memref<1x2x4096xf32, #tpu.memory_space<vmem_shared>>
          %dma_start3A_112 = tpu.memref_squeeze %dma_start3A_111 : memref<1x2x4096xf32, #tpu.memory_space<vmem_shared>> -> memref<2x4096xf32, #tpu.memory_space<vmem_shared>>
          %dma_start3A_113 = arith.constant 0 : i32
          %dma_start3A_114 = arith.constant 0 : i32
          %dma_start3A_115 = tpu.memref_slice %arg10[%dma_start3A, %dma_start3A_113, %dma_start3A_114] : memref<32x2x4096xf32, #tpu.memory_space<vmem_shared>> -> memref<1x2x4096xf32, #tpu.memory_space<vmem_shared>>
          %dma_start3A_116 = tpu.memref_squeeze %dma_start3A_115 : memref<1x2x4096xf32, #tpu.memory_space<vmem_shared>> -> memref<2x4096xf32, #tpu.memory_space<vmem_shared>>
          tpu.enqueue_dma source(%dma_start3A_116 : memref<2x4096xf32, #tpu.memory_space<vmem_shared>>) target(%arg11 : memref<2x4096xf32, #tpu.memory_space<vmem>>) target_semaphore(%arg26 : memref<!tpu.dma_semaphore, #tpu.memory_space<semaphore_mem>>)
          %swap3A_117 = arith.constant 0 : i32
          %swap3A_118 = arith.constant 0 : i32
          %swap3A_119 = arith.index_cast %swap3A_118 : i32 to index
          %swap3A_120 = memref.load %arg23[%swap3A_119] : memref<1xi32, #tpu.memory_space<smem>>
          memref.store %swap3A_117, %arg23[%swap3A_119] : memref<1xi32, #tpu.memory_space<smem>>
          %scan3A_121 = arith.constant 0 : i32
          %scan3A_122 = arith.constant 0 : i32
          %scan3A_123 = arith.constant 16 : i32
          %scan3A_124 = arith.addi %scan3A_122, %scan3A_123 : i32
          %scan3A_125 = arith.constant 1 : i32
          scf.for %scan3A_151 = %scan3A_122 to %scan3A_124 step %scan3A_125  : i32 {
            %mul3A_152 = arith.constant 2 : i32
            %mul3A_153 = arith.muli %mul3A_152, %scan3A_151 : i32
            %get3A_154 = arith.constant 0 : i32
            %get3A_155 = arith.index_cast %get3A_154 : i32 to index
            %get3A_156 = memref.load %arg22[%get3A_155] : memref<1xi32, #tpu.memory_space<smem>>
            %lt3A_157 = arith.constant 128 : i32
            %lt3A_158 = arith.cmpi slt, %get3A_156, %lt3A_157 : i32
            %get3A_159 = arith.constant 0 : i32
            %get3A_160 = arith.index_cast %get3A_159 : i32 to index
            %get3A_161 = memref.load %arg23[%get3A_160] : memref<1xi32, #tpu.memory_space<smem>>
            %eq3A_162 = arith.cmpi eq, %get3A_161, %mul3A_153 : i32
            %and3A = arith.andi %lt3A_158, %eq3A_162 : i1
            %convert_element_type3A_163 = arith.extui %and3A : i1 to i32
            %cond3A_164 = arith.constant 0 : i32
            %cond3A_165 = arith.cmpi ne, %convert_element_type3A_163, %cond3A_164 : i32
            scf.if %cond3A_165 {
              %add3A_202 = arith.constant 1 : i32
              %add3A_203 = arith.addi %mul3A_153, %add3A_202 : i32
              %lt3A_204 = arith.constant 32 : i32
              %lt3A_205 = arith.cmpi slt, %add3A_203, %lt3A_204 : i32
              %convert_element_type3A_206 = arith.extui %lt3A_205 : i1 to i32
              %cond3A_207 = arith.constant 0 : i32
              %cond3A_208 = arith.cmpi ne, %convert_element_type3A_206, %cond3A_207 : i32
              scf.if %cond3A_208 {
                %add3A_237 = arith.constant 1 : i32
                %add3A_238 = arith.addi %mul3A_153, %add3A_237 : i32
                %dma_start3A_239 = arith.constant 0 : i32
                %dma_start3A_240 = arith.constant 0 : i32
                %dma_start3A_241 = tpu.memref_slice %arg10[%add3A_238, %dma_start3A_239, %dma_start3A_240] : memref<32x2x4096xf32, #tpu.memory_space<vmem_shared>> -> memref<1x2x4096xf32, #tpu.memory_space<vmem_shared>>
                %dma_start3A_242 = tpu.memref_squeeze %dma_start3A_241 : memref<1x2x4096xf32, #tpu.memory_space<vmem_shared>> -> memref<2x4096xf32, #tpu.memory_space<vmem_shared>>
                %dma_start3A_243 = arith.constant 0 : i32
                %dma_start3A_244 = arith.constant 0 : i32
                %dma_start3A_245 = tpu.memref_slice %arg10[%add3A_238, %dma_start3A_243, %dma_start3A_244] : memref<32x2x4096xf32, #tpu.memory_space<vmem_shared>> -> memref<1x2x4096xf32, #tpu.memory_space<vmem_shared>>
                %dma_start3A_246 = tpu.memref_squeeze %dma_start3A_245 : memref<1x2x4096xf32, #tpu.memory_space<vmem_shared>> -> memref<2x4096xf32, #tpu.memory_space<vmem_shared>>
                tpu.enqueue_dma source(%dma_start3A_246 : memref<2x4096xf32, #tpu.memory_space<vmem_shared>>) target(%arg12 : memref<2x4096xf32, #tpu.memory_space<vmem>>) target_semaphore(%arg27 : memref<!tpu.dma_semaphore, #tpu.memory_space<semaphore_mem>>)
              } else {
              }
              %dma_wait3A = arith.constant 0 : i32
              %dma_wait3A_209 = arith.constant 0 : i32
              %dma_wait3A_210 = tpu.memref_slice %arg10[%mul3A_153, %dma_wait3A, %dma_wait3A_209] : memref<32x2x4096xf32, #tpu.memory_space<vmem_shared>> -> memref<1x2x4096xf32, #tpu.memory_space<vmem_shared>>
              %dma_wait3A_211 = tpu.memref_squeeze %dma_wait3A_210 : memref<1x2x4096xf32, #tpu.memory_space<vmem_shared>> -> memref<2x4096xf32, #tpu.memory_space<vmem_shared>>
              %dma_wait3A_212 = arith.constant 0 : i32
              %dma_wait3A_213 = arith.constant 0 : i32
              %dma_wait3A_214 = tpu.memref_slice %arg10[%mul3A_153, %dma_wait3A_212, %dma_wait3A_213] : memref<32x2x4096xf32, #tpu.memory_space<vmem_shared>> -> memref<1x2x4096xf32, #tpu.memory_space<vmem_shared>>
              %dma_wait3A_215 = tpu.memref_squeeze %dma_wait3A_214 : memref<1x2x4096xf32, #tpu.memory_space<vmem_shared>> -> memref<2x4096xf32, #tpu.memory_space<vmem_shared>>
              tpu.wait_dma2 semaphore(%arg26 : memref<!tpu.dma_semaphore, #tpu.memory_space<semaphore_mem>>) src(%dma_wait3A_215 : memref<2x4096xf32, #tpu.memory_space<vmem_shared>>) dst(%arg11 : memref<2x4096xf32, #tpu.memory_space<vmem>>)
              %add3A_216 = arith.constant 1 : i32
              %add3A_217 = arith.addi %mul3A_153, %add3A_216 : i32
              %swap3A_218 = arith.constant 0 : i32
              %swap3A_219 = arith.index_cast %swap3A_218 : i32 to index
              %swap3A_220 = memref.load %arg23[%swap3A_219] : memref<1xi32, #tpu.memory_space<smem>>
              memref.store %add3A_217, %arg23[%swap3A_219] : memref<1xi32, #tpu.memory_space<smem>>
              %mul3A_221 = arith.constant 4096 : i32
              %mul3A_222 = arith.muli %mul3A_153, %mul3A_221 : i32
              %get3A_223 = arith.constant 0 : i32
              %get3A_224 = arith.index_cast %get3A_223 : i32 to index
              %get3A_225 = memref.load %arg22[%get3A_224] : memref<1xi32, #tpu.memory_space<smem>>
              %sub3A = arith.constant 1 : i32
              %sub3A_226 = arith.subi %get3A_225, %sub3A : i32
              %add3A_227 = vector.broadcast %sub3A_226 : i32 to vector<16xi32>
              %add3A_228 = arith.addi %broadcast_in_dim3A_1, %add3A_227 : vector<16xi32>
              %while3A = arith.constant 0 : i32
              %while3A_229:2 = scf.while (%while3A_237 = %while3A, %while3A_238 = %add3A_228) : (i32, vector<16xi32>) -> (i32, vector<16xi32>) {
                %lt3A_239 = arith.constant 16 : i32
                %lt3A_240 = arith.cmpi slt, %while3A_237, %lt3A_239 : i32
                %slice3A_241 = vector.extract_strided_slice %while3A_238 {offsets = [0], sizes = [1], strides = [1]} : vector<16xi32> to vector<1xi32>
                %squeeze3A_242 = vector.extract %slice3A_241[0] : i32 from vector<1xi32>
                %lt3A_243 = arith.constant 127 : i32
                %lt3A_244 = arith.cmpi slt, %squeeze3A_242, %lt3A_243 : i32
                %and3A_245 = arith.andi %lt3A_240, %lt3A_244 : i1
                scf.condition(%and3A_245) %while3A_237, %while3A_238 : i32, vector<16xi32>
              } do {
              ^bb0(%while3A_237: i32, %while3A_238: vector<16xi32>):
                %mul3A_239 = arith.constant 256 : i32
                %mul3A_240 = arith.muli %while3A_237, %mul3A_239 : i32
                %add3A_241 = arith.constant 0 : i32
                %add3A_242 = arith.addi %mul3A_240, %add3A_241 : i32
                %add3A_243 = vector.broadcast %add3A_242 : i32 to vector<16xi32>
                %add3A_244 = arith.addi %add3A_243, %iota3A : vector<16xi32>
                %get3A_245 = arith.constant 0 : i32
                %get3A_246 = arith.index_cast %get3A_245 : i32 to index
                %get3A_247 = arith.index_cast %add3A_242 : i32 to index
                %get3A_248 = tpu.vector_load %arg11[%get3A_246, %get3A_247] {strides = array<i32>} : memref<2x4096xf32, #tpu.memory_space<vmem>>, vector<16xf32>,
                %get3A_249 = arith.constant 1 : i32
                %get3A_250 = arith.index_cast %get3A_249 : i32 to index
                %get3A_251 = arith.index_cast %add3A_242 : i32 to index
                %get3A_252 = tpu.vector_load %arg11[%get3A_250, %get3A_251] {strides = array<i32>} : memref<2x4096xf32, #tpu.memory_space<vmem>>, vector<16xf32>,
                %sub3A_253 = vector.broadcast %squeeze3A : f32 to vector<16xf32>
                %sub3A_254 = arith.subf %get3A_248, %sub3A_253 : vector<16xf32>
                %sub3A_255 = vector.broadcast %squeeze3A_94 : f32 to vector<16xf32>
                %sub3A_256 = arith.subf %get3A_252, %sub3A_255 : vector<16xf32>
                %mul3A_257 = arith.mulf %sub3A_254, %sub3A_254 : vector<16xf32>
                %mul3A_258 = arith.mulf %sub3A_256, %sub3A_256 : vector<16xf32>
                %add3A_259 = arith.addf %mul3A_257, %mul3A_258 : vector<16xf32>
                %le3A = vector.broadcast %squeeze3A_98 : f32 to vector<16xf32>
                %le3A_260 = arith.cmpf ole, %add3A_259, %le3A : vector<16xf32>
                %select_n3A = arith.select %le3A_260, %broadcast_in_dim3A_3, %broadcast_in_dim3A_1 : vector<16xi1>, vector<16xi32>
                %broadcast_in_dim3A_261 = arith.constant true
                %broadcast_in_dim3A_262 = vector.broadcast %broadcast_in_dim3A_261 : i1 to vector<16xi1>
                %masked_cumsum3A = tpu.scan <sum>, %select_n3A masked %broadcast_in_dim3A_262 : vector<16xi32>, vector<16xi1> -> vector<16xi32>
                %add3A_263 = arith.addi %while3A_238, %masked_cumsum3A : vector<16xi32>
                %add3A_264 = vector.broadcast %mul3A_222 : i32 to vector<16xi32>
                %add3A_265 = arith.addi %add3A_264, %add3A_244 : vector<16xi32>
                tpu.vector_store_idx %arg19[%add3A_263], %add3A_265 masked %le3A_260 : memref<384xi32, #tpu.memory_space<vmem>>[vector<16xi32>], vector<16xi32>, vector<16xi1>
                %all_reduce_population_count3A = tpu.all_reduce %le3A_260 {dim = 0 : i64, kind = #tpu.reduction_kind<sum>} : vector<16xi1> -> vector<16xi32>
                %add3A_266 = arith.addi %while3A_238, %all_reduce_population_count3A : vector<16xi32>
                %mul3A_267 = arith.constant 256 : i32
                %mul3A_268 = arith.muli %while3A_237, %mul3A_267 : i32
                %add3A_269 = arith.constant 16 : i32
                %add3A_270 = arith.addi %mul3A_268, %add3A_269 : i32
                %add3A_271 = vector.broadcast %add3A_270 : i32 to vector<16xi32>
                %add3A_272 = arith.addi %add3A_271, %iota3A : vector<16xi32>
                %get3A_273 = arith.constant 0 : i32
                %get3A_274 = arith.index_cast %get3A_273 : i32 to index
                %get3A_275 = arith.index_cast %add3A_270 : i32 to index
                %get3A_276 = tpu.vector_load %arg11[%get3A_274, %get3A_275] {strides = array<i32>} : memref<2x4096xf32, #tpu.memory_space<vmem>>, vector<16xf32>,
                %get3A_277 = arith.constant 1 : i32
                %get3A_278 = arith.index_cast %get3A_277 : i32 to index
                %get3A_279 = arith.index_cast %add3A_270 : i32 to index
                %get3A_280 = tpu.vector_load %arg11[%get3A_278, %get3A_279] {strides = array<i32>} : memref<2x4096xf32, #tpu.memory_space<vmem>>, vector<16xf32>,
                %sub3A_281 = vector.broadcast %squeeze3A : f32 to vector<16xf32>
                %sub3A_282 = arith.subf %get3A_276, %sub3A_281 : vector<16xf32>
                %sub3A_283 = vector.broadcast %squeeze3A_94 : f32 to vector<16xf32>
                %sub3A_284 = arith.subf %get3A_280, %sub3A_283 : vector<16xf32>
                %mul3A_285 = arith.mulf %sub3A_282, %sub3A_282 : vector<16xf32>
                %mul3A_286 = arith.mulf %sub3A_284, %sub3A_284 : vector<16xf32>
                %add3A_287 = arith.addf %mul3A_285, %mul3A_286 : vector<16xf32>
                %le3A_288 = vector.broadcast %squeeze3A_98 : f32 to vector<16xf32>
                %le3A_289 = arith.cmpf ole, %add3A_287, %le3A_288 : vector<16xf32>
                %select_n3A_290 = arith.select %le3A_289, %broadcast_in_dim3A_3, %broadcast_in_dim3A_1 : vector<16xi1>, vector<16xi32>
                %broadcast_in_dim3A_291 = arith.constant true
                %broadcast_in_dim3A_292 = vector.broadcast %broadcast_in_dim3A_291 : i1 to vector<16xi1>
                %masked_cumsum3A_293 = tpu.scan <sum>, %select_n3A_290 masked %broadcast_in_dim3A_292 : vector<16xi32>, vector<16xi1> -> vector<16xi32>
                %add3A_294 = arith.addi %add3A_266, %masked_cumsum3A_293 : vector<16xi32>
                %add3A_295 = vector.broadcast %mul3A_222 : i32 to vector<16xi32>
                %add3A_296 = arith.addi %add3A_295, %add3A_272 : vector<16xi32>
                tpu.vector_store_idx %arg19[%add3A_294], %add3A_296 masked %le3A_289 : memref<384xi32, #tpu.memory_space<vmem>>[vector<16xi32>], vector<16xi32>, vector<16xi1>
                %all_reduce_population_count3A_297 = tpu.all_reduce %le3A_289 {dim = 0 : i64, kind = #tpu.reduction_kind<sum>} : vector<16xi1> -> vector<16xi32>
                %add3A_298 = arith.addi %add3A_266, %all_reduce_population_count3A_297 : vector<16xi32>
                %mul3A_299 = arith.constant 256 : i32
                %mul3A_300 = arith.muli %while3A_237, %mul3A_299 : i32
                %add3A_301 = arith.constant 32 : i32
                %add3A_302 = arith.addi %mul3A_300, %add3A_301 : i32
                %add3A_303 = vector.broadcast %add3A_302 : i32 to vector<16xi32>
                %add3A_304 = arith.addi %add3A_303, %iota3A : vector<16xi32>
                %get3A_305 = arith.constant 0 : i32
                %get3A_306 = arith.index_cast %get3A_305 : i32 to index
                %get3A_307 = arith.index_cast %add3A_302 : i32 to index
                %get3A_308 = tpu.vector_load %arg11[%get3A_306, %get3A_307] {strides = array<i32>} : memref<2x4096xf32, #tpu.memory_space<vmem>>, vector<16xf32>,
                %get3A_309 = arith.constant 1 : i32
                %get3A_310 = arith.index_cast %get3A_309 : i32 to index
                %get3A_311 = arith.index_cast %add3A_302 : i32 to index
                %get3A_312 = tpu.vector_load %arg11[%get3A_310, %get3A_311] {strides = array<i32>} : memref<2x4096xf32, #tpu.memory_space<vmem>>, vector<16xf32>,
                %sub3A_313 = vector.broadcast %squeeze3A : f32 to vector<16xf32>
                %sub3A_314 = arith.subf %get3A_308, %sub3A_313 : vector<16xf32>
                %sub3A_315 = vector.broadcast %squeeze3A_94 : f32 to vector<16xf32>
                %sub3A_316 = arith.subf %get3A_312, %sub3A_315 : vector<16xf32>
                %mul3A_317 = arith.mulf %sub3A_314, %sub3A_314 : vector<16xf32>
                %mul3A_318 = arith.mulf %sub3A_316, %sub3A_316 : vector<16xf32>
                %add3A_319 = arith.addf %mul3A_317, %mul3A_318 : vector<16xf32>
                %le3A_320 = vector.broadcast %squeeze3A_98 : f32 to vector<16xf32>
                %le3A_321 = arith.cmpf ole, %add3A_319, %le3A_320 : vector<16xf32>
                %select_n3A_322 = arith.select %le3A_321, %broadcast_in_dim3A_3, %broadcast_in_dim3A_1 : vector<16xi1>, vector<16xi32>
                %broadcast_in_dim3A_323 = arith.constant true
                %broadcast_in_dim3A_324 = vector.broadcast %broadcast_in_dim3A_323 : i1 to vector<16xi1>
                %masked_cumsum3A_325 = tpu.scan <sum>, %select_n3A_322 masked %broadcast_in_dim3A_324 : vector<16xi32>, vector<16xi1> -> vector<16xi32>
                %add3A_326 = arith.addi %add3A_298, %masked_cumsum3A_325 : vector<16xi32>
                %add3A_327 = vector.broadcast %mul3A_222 : i32 to vector<16xi32>
                %add3A_328 = arith.addi %add3A_327, %add3A_304 : vector<16xi32>
                tpu.vector_store_idx %arg19[%add3A_326], %add3A_328 masked %le3A_321 : memref<384xi32, #tpu.memory_space<vmem>>[vector<16xi32>], vector<16xi32>, vector<16xi1>
                %all_reduce_population_count3A_329 = tpu.all_reduce %le3A_321 {dim = 0 : i64, kind = #tpu.reduction_kind<sum>} : vector<16xi1> -> vector<16xi32>
                %add3A_330 = arith.addi %add3A_298, %all_reduce_population_count3A_329 : vector<16xi32>
                %mul3A_331 = arith.constant 256 : i32
                %mul3A_332 = arith.muli %while3A_237, %mul3A_331 : i32
                %add3A_333 = arith.constant 48 : i32
                %add3A_334 = arith.addi %mul3A_332, %add3A_333 : i32
                %add3A_335 = vector.broadcast %add3A_334 : i32 to vector<16xi32>
                %add3A_336 = arith.addi %add3A_335, %iota3A : vector<16xi32>
                %get3A_337 = arith.constant 0 : i32
                %get3A_338 = arith.index_cast %get3A_337 : i32 to index
                %get3A_339 = arith.index_cast %add3A_334 : i32 to index
                %get3A_340 = tpu.vector_load %arg11[%get3A_338, %get3A_339] {strides = array<i32>} : memref<2x4096xf32, #tpu.memory_space<vmem>>, vector<16xf32>,
                %get3A_341 = arith.constant 1 : i32
                %get3A_342 = arith.index_cast %get3A_341 : i32 to index
                %get3A_343 = arith.index_cast %add3A_334 : i32 to index
                %get3A_344 = tpu.vector_load %arg11[%get3A_342, %get3A_343] {strides = array<i32>} : memref<2x4096xf32, #tpu.memory_space<vmem>>, vector<16xf32>,
                %sub3A_345 = vector.broadcast %squeeze3A : f32 to vector<16xf32>
                %sub3A_346 = arith.subf %get3A_340, %sub3A_345 : vector<16xf32>
                %sub3A_347 = vector.broadcast %squeeze3A_94 : f32 to vector<16xf32>
                %sub3A_348 = arith.subf %get3A_344, %sub3A_347 : vector<16xf32>
                %mul3A_349 = arith.mulf %sub3A_346, %sub3A_346 : vector<16xf32>
                %mul3A_350 = arith.mulf %sub3A_348, %sub3A_348 : vector<16xf32>
                %add3A_351 = arith.addf %mul3A_349, %mul3A_350 : vector<16xf32>
                %le3A_352 = vector.broadcast %squeeze3A_98 : f32 to vector<16xf32>
                %le3A_353 = arith.cmpf ole, %add3A_351, %le3A_352 : vector<16xf32>
                %select_n3A_354 = arith.select %le3A_353, %broadcast_in_dim3A_3, %broadcast_in_dim3A_1 : vector<16xi1>, vector<16xi32>
                %broadcast_in_dim3A_355 = arith.constant true
                %broadcast_in_dim3A_356 = vector.broadcast %broadcast_in_dim3A_355 : i1 to vector<16xi1>
                %masked_cumsum3A_357 = tpu.scan <sum>, %select_n3A_354 masked %broadcast_in_dim3A_356 : vector<16xi32>, vector<16xi1> -> vector<16xi32>
                %add3A_358 = arith.addi %add3A_330, %masked_cumsum3A_357 : vector<16xi32>
                %add3A_359 = vector.broadcast %mul3A_222 : i32 to vector<16xi32>
                %add3A_360 = arith.addi %add3A_359, %add3A_336 : vector<16xi32>
                tpu.vector_store_idx %arg19[%add3A_358], %add3A_360 masked %le3A_353 : memref<384xi32, #tpu.memory_space<vmem>>[vector<16xi32>], vector<16xi32>, vector<16xi1>
                %all_reduce_population_count3A_361 = tpu.all_reduce %le3A_353 {dim = 0 : i64, kind = #tpu.reduction_kind<sum>} : vector<16xi1> -> vector<16xi32>
                %add3A_362 = arith.addi %add3A_330, %all_reduce_population_count3A_361 : vector<16xi32>
                %mul3A_363 = arith.constant 256 : i32
                %mul3A_364 = arith.muli %while3A_237, %mul3A_363 : i32
                %add3A_365 = arith.constant 64 : i32
                %add3A_366 = arith.addi %mul3A_364, %add3A_365 : i32
                %add3A_367 = vector.broadcast %add3A_366 : i32 to vector<16xi32>
                %add3A_368 = arith.addi %add3A_367, %iota3A : vector<16xi32>
                %get3A_369 = arith.constant 0 : i32
                %get3A_370 = arith.index_cast %get3A_369 : i32 to index
                %get3A_371 = arith.index_cast %add3A_366 : i32 to index
                %get3A_372 = tpu.vector_load %arg11[%get3A_370, %get3A_371] {strides = array<i32>} : memref<2x4096xf32, #tpu.memory_space<vmem>>, vector<16xf32>,
                %get3A_373 = arith.constant 1 : i32
                %get3A_374 = arith.index_cast %get3A_373 : i32 to index
                %get3A_375 = arith.index_cast %add3A_366 : i32 to index
                %get3A_376 = tpu.vector_load %arg11[%get3A_374, %get3A_375] {strides = array<i32>} : memref<2x4096xf32, #tpu.memory_space<vmem>>, vector<16xf32>,
                %sub3A_377 = vector.broadcast %squeeze3A : f32 to vector<16xf32>
                %sub3A_378 = arith.subf %get3A_372, %sub3A_377 : vector<16xf32>
                %sub3A_379 = vector.broadcast %squeeze3A_94 : f32 to vector<16xf32>
                %sub3A_380 = arith.subf %get3A_376, %sub3A_379 : vector<16xf32>
                %mul3A_381 = arith.mulf %sub3A_378, %sub3A_378 : vector<16xf32>
                %mul3A_382 = arith.mulf %sub3A_380, %sub3A_380 : vector<16xf32>
                %add3A_383 = arith.addf %mul3A_381, %mul3A_382 : vector<16xf32>
                %le3A_384 = vector.broadcast %squeeze3A_98 : f32 to vector<16xf32>
                %le3A_385 = arith.cmpf ole, %add3A_383, %le3A_384 : vector<16xf32>
                %select_n3A_386 = arith.select %le3A_385, %broadcast_in_dim3A_3, %broadcast_in_dim3A_1 : vector<16xi1>, vector<16xi32>
                %broadcast_in_dim3A_387 = arith.constant true
                %broadcast_in_dim3A_388 = vector.broadcast %broadcast_in_dim3A_387 : i1 to vector<16xi1>
                %masked_cumsum3A_389 = tpu.scan <sum>, %select_n3A_386 masked %broadcast_in_dim3A_388 : vector<16xi32>, vector<16xi1> -> vector<16xi32>
                %add3A_390 = arith.addi %add3A_362, %masked_cumsum3A_389 : vector<16xi32>
                %add3A_391 = vector.broadcast %mul3A_222 : i32 to vector<16xi32>
                %add3A_392 = arith.addi %add3A_391, %add3A_368 : vector<16xi32>
                tpu.vector_store_idx %arg19[%add3A_390], %add3A_392 masked %le3A_385 : memref<384xi32, #tpu.memory_space<vmem>>[vector<16xi32>], vector<16xi32>, vector<16xi1>
                %all_reduce_population_count3A_393 = tpu.all_reduce %le3A_385 {dim = 0 : i64, kind = #tpu.reduction_kind<sum>} : vector<16xi1> -> vector<16xi32>
                %add3A_394 = arith.addi %add3A_362, %all_reduce_population_count3A_393 : vector<16xi32>
                %mul3A_395 = arith.constant 256 : i32
                %mul3A_396 = arith.muli %while3A_237, %mul3A_395 : i32
                %add3A_397 = arith.constant 80 : i32
                %add3A_398 = arith.addi %mul3A_396, %add3A_397 : i32
                %add3A_399 = vector.broadcast %add3A_398 : i32 to vector<16xi32>
                %add3A_400 = arith.addi %add3A_399, %iota3A : vector<16xi32>
                %get3A_401 = arith.constant 0 : i32
                %get3A_402 = arith.index_cast %get3A_401 : i32 to index
                %get3A_403 = arith.index_cast %add3A_398 : i32 to index
                %get3A_404 = tpu.vector_load %arg11[%get3A_402, %get3A_403] {strides = array<i32>} : memref<2x4096xf32, #tpu.memory_space<vmem>>, vector<16xf32>,
                %get3A_405 = arith.constant 1 : i32
                %get3A_406 = arith.index_cast %get3A_405 : i32 to index
                %get3A_407 = arith.index_cast %add3A_398 : i32 to index
                %get3A_408 = tpu.vector_load %arg11[%get3A_406, %get3A_407] {strides = array<i32>} : memref<2x4096xf32, #tpu.memory_space<vmem>>, vector<16xf32>,
                %sub3A_409 = vector.broadcast %squeeze3A : f32 to vector<16xf32>
                %sub3A_410 = arith.subf %get3A_404, %sub3A_409 : vector<16xf32>
                %sub3A_411 = vector.broadcast %squeeze3A_94 : f32 to vector<16xf32>
                %sub3A_412 = arith.subf %get3A_408, %sub3A_411 : vector<16xf32>
                %mul3A_413 = arith.mulf %sub3A_410, %sub3A_410 : vector<16xf32>
                %mul3A_414 = arith.mulf %sub3A_412, %sub3A_412 : vector<16xf32>
                %add3A_415 = arith.addf %mul3A_413, %mul3A_414 : vector<16xf32>
                %le3A_416 = vector.broadcast %squeeze3A_98 : f32 to vector<16xf32>
                %le3A_417 = arith.cmpf ole, %add3A_415, %le3A_416 : vector<16xf32>
                %select_n3A_418 = arith.select %le3A_417, %broadcast_in_dim3A_3, %broadcast_in_dim3A_1 : vector<16xi1>, vector<16xi32>
                %broadcast_in_dim3A_419 = arith.constant true
                %broadcast_in_dim3A_420 = vector.broadcast %broadcast_in_dim3A_419 : i1 to vector<16xi1>
                %masked_cumsum3A_421 = tpu.scan <sum>, %select_n3A_418 masked %broadcast_in_dim3A_420 : vector<16xi32>, vector<16xi1> -> vector<16xi32>
                %add3A_422 = arith.addi %add3A_394, %masked_cumsum3A_421 : vector<16xi32>
                %add3A_423 = vector.broadcast %mul3A_222 : i32 to vector<16xi32>
                %add3A_424 = arith.addi %add3A_423, %add3A_400 : vector<16xi32>
                tpu.vector_store_idx %arg19[%add3A_422], %add3A_424 masked %le3A_417 : memref<384xi32, #tpu.memory_space<vmem>>[vector<16xi32>], vector<16xi32>, vector<16xi1>
                %all_reduce_population_count3A_425 = tpu.all_reduce %le3A_417 {dim = 0 : i64, kind = #tpu.reduction_kind<sum>} : vector<16xi1> -> vector<16xi32>
                %add3A_426 = arith.addi %add3A_394, %all_reduce_population_count3A_425 : vector<16xi32>
                %mul3A_427 = arith.constant 256 : i32
                %mul3A_428 = arith.muli %while3A_237, %mul3A_427 : i32
                %add3A_429 = arith.constant 96 : i32
                %add3A_430 = arith.addi %mul3A_428, %add3A_429 : i32
                %add3A_431 = vector.broadcast %add3A_430 : i32 to vector<16xi32>
                %add3A_432 = arith.addi %add3A_431, %iota3A : vector<16xi32>
                %get3A_433 = arith.constant 0 : i32
                %get3A_434 = arith.index_cast %get3A_433 : i32 to index
                %get3A_435 = arith.index_cast %add3A_430 : i32 to index
                %get3A_436 = tpu.vector_load %arg11[%get3A_434, %get3A_435] {strides = array<i32>} : memref<2x4096xf32, #tpu.memory_space<vmem>>, vector<16xf32>,
                %get3A_437 = arith.constant 1 : i32
                %get3A_438 = arith.index_cast %get3A_437 : i32 to index
                %get3A_439 = arith.index_cast %add3A_430 : i32 to index
                %get3A_440 = tpu.vector_load %arg11[%get3A_438, %get3A_439] {strides = array<i32>} : memref<2x4096xf32, #tpu.memory_space<vmem>>, vector<16xf32>,
                %sub3A_441 = vector.broadcast %squeeze3A : f32 to vector<16xf32>
                %sub3A_442 = arith.subf %get3A_436, %sub3A_441 : vector<16xf32>
                %sub3A_443 = vector.broadcast %squeeze3A_94 : f32 to vector<16xf32>
                %sub3A_444 = arith.subf %get3A_440, %sub3A_443 : vector<16xf32>
                %mul3A_445 = arith.mulf %sub3A_442, %sub3A_442 : vector<16xf32>
                %mul3A_446 = arith.mulf %sub3A_444, %sub3A_444 : vector<16xf32>
                %add3A_447 = arith.addf %mul3A_445, %mul3A_446 : vector<16xf32>
                %le3A_448 = vector.broadcast %squeeze3A_98 : f32 to vector<16xf32>
                %le3A_449 = arith.cmpf ole, %add3A_447, %le3A_448 : vector<16xf32>
                %select_n3A_450 = arith.select %le3A_449, %broadcast_in_dim3A_3, %broadcast_in_dim3A_1 : vector<16xi1>, vector<16xi32>
                %broadcast_in_dim3A_451 = arith.constant true
                %broadcast_in_dim3A_452 = vector.broadcast %broadcast_in_dim3A_451 : i1 to vector<16xi1>
                %masked_cumsum3A_453 = tpu.scan <sum>, %select_n3A_450 masked %broadcast_in_dim3A_452 : vector<16xi32>, vector<16xi1> -> vector<16xi32>
                %add3A_454 = arith.addi %add3A_426, %masked_cumsum3A_453 : vector<16xi32>
                %add3A_455 = vector.broadcast %mul3A_222 : i32 to vector<16xi32>
                %add3A_456 = arith.addi %add3A_455, %add3A_432 : vector<16xi32>
                tpu.vector_store_idx %arg19[%add3A_454], %add3A_456 masked %le3A_449 : memref<384xi32, #tpu.memory_space<vmem>>[vector<16xi32>], vector<16xi32>, vector<16xi1>
                %all_reduce_population_count3A_457 = tpu.all_reduce %le3A_449 {dim = 0 : i64, kind = #tpu.reduction_kind<sum>} : vector<16xi1> -> vector<16xi32>
                %add3A_458 = arith.addi %add3A_426, %all_reduce_population_count3A_457 : vector<16xi32>
                %mul3A_459 = arith.constant 256 : i32
                %mul3A_460 = arith.muli %while3A_237, %mul3A_459 : i32
                %add3A_461 = arith.constant 112 : i32
                %add3A_462 = arith.addi %mul3A_460, %add3A_461 : i32
                %add3A_463 = vector.broadcast %add3A_462 : i32 to vector<16xi32>
                %add3A_464 = arith.addi %add3A_463, %iota3A : vector<16xi32>
                %get3A_465 = arith.constant 0 : i32
                %get3A_466 = arith.index_cast %get3A_465 : i32 to index
                %get3A_467 = arith.index_cast %add3A_462 : i32 to index
                %get3A_468 = tpu.vector_load %arg11[%get3A_466, %get3A_467] {strides = array<i32>} : memref<2x4096xf32, #tpu.memory_space<vmem>>, vector<16xf32>,
                %get3A_469 = arith.constant 1 : i32
                %get3A_470 = arith.index_cast %get3A_469 : i32 to index
                %get3A_471 = arith.index_cast %add3A_462 : i32 to index
                %get3A_472 = tpu.vector_load %arg11[%get3A_470, %get3A_471] {strides = array<i32>} : memref<2x4096xf32, #tpu.memory_space<vmem>>, vector<16xf32>,
                %sub3A_473 = vector.broadcast %squeeze3A : f32 to vector<16xf32>
                %sub3A_474 = arith.subf %get3A_468, %sub3A_473 : vector<16xf32>
                %sub3A_475 = vector.broadcast %squeeze3A_94 : f32 to vector<16xf32>
                %sub3A_476 = arith.subf %get3A_472, %sub3A_475 : vector<16xf32>
                %mul3A_477 = arith.mulf %sub3A_474, %sub3A_474 : vector<16xf32>
                %mul3A_478 = arith.mulf %sub3A_476, %sub3A_476 : vector<16xf32>
                %add3A_479 = arith.addf %mul3A_477, %mul3A_478 : vector<16xf32>
                %le3A_480 = vector.broadcast %squeeze3A_98 : f32 to vector<16xf32>
                %le3A_481 = arith.cmpf ole, %add3A_479, %le3A_480 : vector<16xf32>
                %select_n3A_482 = arith.select %le3A_481, %broadcast_in_dim3A_3, %broadcast_in_dim3A_1 : vector<16xi1>, vector<16xi32>
                %broadcast_in_dim3A_483 = arith.constant true
                %broadcast_in_dim3A_484 = vector.broadcast %broadcast_in_dim3A_483 : i1 to vector<16xi1>
                %masked_cumsum3A_485 = tpu.scan <sum>, %select_n3A_482 masked %broadcast_in_dim3A_484 : vector<16xi32>, vector<16xi1> -> vector<16xi32>
                %add3A_486 = arith.addi %add3A_458, %masked_cumsum3A_485 : vector<16xi32>
                %add3A_487 = vector.broadcast %mul3A_222 : i32 to vector<16xi32>
                %add3A_488 = arith.addi %add3A_487, %add3A_464 : vector<16xi32>
                tpu.vector_store_idx %arg19[%add3A_486], %add3A_488 masked %le3A_481 : memref<384xi32, #tpu.memory_space<vmem>>[vector<16xi32>], vector<16xi32>, vector<16xi1>
                %all_reduce_population_count3A_489 = tpu.all_reduce %le3A_481 {dim = 0 : i64, kind = #tpu.reduction_kind<sum>} : vector<16xi1> -> vector<16xi32>
                %add3A_490 = arith.addi %add3A_458, %all_reduce_population_count3A_489 : vector<16xi32>
                %mul3A_491 = arith.constant 256 : i32
                %mul3A_492 = arith.muli %while3A_237, %mul3A_491 : i32
                %add3A_493 = arith.constant 128 : i32
                %add3A_494 = arith.addi %mul3A_492, %add3A_493 : i32
                %add3A_495 = vector.broadcast %add3A_494 : i32 to vector<16xi32>
                %add3A_496 = arith.addi %add3A_495, %iota3A : vector<16xi32>
                %get3A_497 = arith.constant 0 : i32
                %get3A_498 = arith.index_cast %get3A_497 : i32 to index
                %get3A_499 = arith.index_cast %add3A_494 : i32 to index
                %get3A_500 = tpu.vector_load %arg11[%get3A_498, %get3A_499] {strides = array<i32>} : memref<2x4096xf32, #tpu.memory_space<vmem>>, vector<16xf32>,
                %get3A_501 = arith.constant 1 : i32
                %get3A_502 = arith.index_cast %get3A_501 : i32 to index
                %get3A_503 = arith.index_cast %add3A_494 : i32 to index
                %get3A_504 = tpu.vector_load %arg11[%get3A_502, %get3A_503] {strides = array<i32>} : memref<2x4096xf32, #tpu.memory_space<vmem>>, vector<16xf32>,
                %sub3A_505 = vector.broadcast %squeeze3A : f32 to vector<16xf32>
                %sub3A_506 = arith.subf %get3A_500, %sub3A_505 : vector<16xf32>
                %sub3A_507 = vector.broadcast %squeeze3A_94 : f32 to vector<16xf32>
                %sub3A_508 = arith.subf %get3A_504, %sub3A_507 : vector<16xf32>
                %mul3A_509 = arith.mulf %sub3A_506, %sub3A_506 : vector<16xf32>
                %mul3A_510 = arith.mulf %sub3A_508, %sub3A_508 : vector<16xf32>
                %add3A_511 = arith.addf %mul3A_509, %mul3A_510 : vector<16xf32>
                %le3A_512 = vector.broadcast %squeeze3A_98 : f32 to vector<16xf32>
                %le3A_513 = arith.cmpf ole, %add3A_511, %le3A_512 : vector<16xf32>
                %select_n3A_514 = arith.select %le3A_513, %broadcast_in_dim3A_3, %broadcast_in_dim3A_1 : vector<16xi1>, vector<16xi32>
                %broadcast_in_dim3A_515 = arith.constant true
                %broadcast_in_dim3A_516 = vector.broadcast %broadcast_in_dim3A_515 : i1 to vector<16xi1>
                %masked_cumsum3A_517 = tpu.scan <sum>, %select_n3A_514 masked %broadcast_in_dim3A_516 : vector<16xi32>, vector<16xi1> -> vector<16xi32>
                %add3A_518 = arith.addi %add3A_490, %masked_cumsum3A_517 : vector<16xi32>
                %add3A_519 = vector.broadcast %mul3A_222 : i32 to vector<16xi32>
                %add3A_520 = arith.addi %add3A_519, %add3A_496 : vector<16xi32>
                tpu.vector_store_idx %arg19[%add3A_518], %add3A_520 masked %le3A_513 : memref<384xi32, #tpu.memory_space<vmem>>[vector<16xi32>], vector<16xi32>, vector<16xi1>
                %all_reduce_population_count3A_521 = tpu.all_reduce %le3A_513 {dim = 0 : i64, kind = #tpu.reduction_kind<sum>} : vector<16xi1> -> vector<16xi32>
                %add3A_522 = arith.addi %add3A_490, %all_reduce_population_count3A_521 : vector<16xi32>
                %mul3A_523 = arith.constant 256 : i32
                %mul3A_524 = arith.muli %while3A_237, %mul3A_523 : i32
                %add3A_525 = arith.constant 144 : i32
                %add3A_526 = arith.addi %mul3A_524, %add3A_525 : i32
                %add3A_527 = vector.broadcast %add3A_526 : i32 to vector<16xi32>
                %add3A_528 = arith.addi %add3A_527, %iota3A : vector<16xi32>
                %get3A_529 = arith.constant 0 : i32
                %get3A_530 = arith.index_cast %get3A_529 : i32 to index
                %get3A_531 = arith.index_cast %add3A_526 : i32 to index
                %get3A_532 = tpu.vector_load %arg11[%get3A_530, %get3A_531] {strides = array<i32>} : memref<2x4096xf32, #tpu.memory_space<vmem>>, vector<16xf32>,
                %get3A_533 = arith.constant 1 : i32
                %get3A_534 = arith.index_cast %get3A_533 : i32 to index
                %get3A_535 = arith.index_cast %add3A_526 : i32 to index
                %get3A_536 = tpu.vector_load %arg11[%get3A_534, %get3A_535] {strides = array<i32>} : memref<2x4096xf32, #tpu.memory_space<vmem>>, vector<16xf32>,
                %sub3A_537 = vector.broadcast %squeeze3A : f32 to vector<16xf32>
                %sub3A_538 = arith.subf %get3A_532, %sub3A_537 : vector<16xf32>
                %sub3A_539 = vector.broadcast %squeeze3A_94 : f32 to vector<16xf32>
                %sub3A_540 = arith.subf %get3A_536, %sub3A_539 : vector<16xf32>
                %mul3A_541 = arith.mulf %sub3A_538, %sub3A_538 : vector<16xf32>
                %mul3A_542 = arith.mulf %sub3A_540, %sub3A_540 : vector<16xf32>
                %add3A_543 = arith.addf %mul3A_541, %mul3A_542 : vector<16xf32>
                %le3A_544 = vector.broadcast %squeeze3A_98 : f32 to vector<16xf32>
                %le3A_545 = arith.cmpf ole, %add3A_543, %le3A_544 : vector<16xf32>
                %select_n3A_546 = arith.select %le3A_545, %broadcast_in_dim3A_3, %broadcast_in_dim3A_1 : vector<16xi1>, vector<16xi32>
                %broadcast_in_dim3A_547 = arith.constant true
                %broadcast_in_dim3A_548 = vector.broadcast %broadcast_in_dim3A_547 : i1 to vector<16xi1>
                %masked_cumsum3A_549 = tpu.scan <sum>, %select_n3A_546 masked %broadcast_in_dim3A_548 : vector<16xi32>, vector<16xi1> -> vector<16xi32>
                %add3A_550 = arith.addi %add3A_522, %masked_cumsum3A_549 : vector<16xi32>
                %add3A_551 = vector.broadcast %mul3A_222 : i32 to vector<16xi32>
                %add3A_552 = arith.addi %add3A_551, %add3A_528 : vector<16xi32>
                tpu.vector_store_idx %arg19[%add3A_550], %add3A_552 masked %le3A_545 : memref<384xi32, #tpu.memory_space<vmem>>[vector<16xi32>], vector<16xi32>, vector<16xi1>
                %all_reduce_population_count3A_553 = tpu.all_reduce %le3A_545 {dim = 0 : i64, kind = #tpu.reduction_kind<sum>} : vector<16xi1> -> vector<16xi32>
                %add3A_554 = arith.addi %add3A_522, %all_reduce_population_count3A_553 : vector<16xi32>
                %mul3A_555 = arith.constant 256 : i32
                %mul3A_556 = arith.muli %while3A_237, %mul3A_555 : i32
                %add3A_557 = arith.constant 160 : i32
                %add3A_558 = arith.addi %mul3A_556, %add3A_557 : i32
                %add3A_559 = vector.broadcast %add3A_558 : i32 to vector<16xi32>
                %add3A_560 = arith.addi %add3A_559, %iota3A : vector<16xi32>
                %get3A_561 = arith.constant 0 : i32
                %get3A_562 = arith.index_cast %get3A_561 : i32 to index
                %get3A_563 = arith.index_cast %add3A_558 : i32 to index
                %get3A_564 = tpu.vector_load %arg11[%get3A_562, %get3A_563] {strides = array<i32>} : memref<2x4096xf32, #tpu.memory_space<vmem>>, vector<16xf32>,
                %get3A_565 = arith.constant 1 : i32
                %get3A_566 = arith.index_cast %get3A_565 : i32 to index
                %get3A_567 = arith.index_cast %add3A_558 : i32 to index
                %get3A_568 = tpu.vector_load %arg11[%get3A_566, %get3A_567] {strides = array<i32>} : memref<2x4096xf32, #tpu.memory_space<vmem>>, vector<16xf32>,
                %sub3A_569 = vector.broadcast %squeeze3A : f32 to vector<16xf32>
                %sub3A_570 = arith.subf %get3A_564, %sub3A_569 : vector<16xf32>
                %sub3A_571 = vector.broadcast %squeeze3A_94 : f32 to vector<16xf32>
                %sub3A_572 = arith.subf %get3A_568, %sub3A_571 : vector<16xf32>
                %mul3A_573 = arith.mulf %sub3A_570, %sub3A_570 : vector<16xf32>
                %mul3A_574 = arith.mulf %sub3A_572, %sub3A_572 : vector<16xf32>
                %add3A_575 = arith.addf %mul3A_573, %mul3A_574 : vector<16xf32>
                %le3A_576 = vector.broadcast %squeeze3A_98 : f32 to vector<16xf32>
                %le3A_577 = arith.cmpf ole, %add3A_575, %le3A_576 : vector<16xf32>
                %select_n3A_578 = arith.select %le3A_577, %broadcast_in_dim3A_3, %broadcast_in_dim3A_1 : vector<16xi1>, vector<16xi32>
                %broadcast_in_dim3A_579 = arith.constant true
                %broadcast_in_dim3A_580 = vector.broadcast %broadcast_in_dim3A_579 : i1 to vector<16xi1>
                %masked_cumsum3A_581 = tpu.scan <sum>, %select_n3A_578 masked %broadcast_in_dim3A_580 : vector<16xi32>, vector<16xi1> -> vector<16xi32>
                %add3A_582 = arith.addi %add3A_554, %masked_cumsum3A_581 : vector<16xi32>
                %add3A_583 = vector.broadcast %mul3A_222 : i32 to vector<16xi32>
                %add3A_584 = arith.addi %add3A_583, %add3A_560 : vector<16xi32>
                tpu.vector_store_idx %arg19[%add3A_582], %add3A_584 masked %le3A_577 : memref<384xi32, #tpu.memory_space<vmem>>[vector<16xi32>], vector<16xi32>, vector<16xi1>
                %all_reduce_population_count3A_585 = tpu.all_reduce %le3A_577 {dim = 0 : i64, kind = #tpu.reduction_kind<sum>} : vector<16xi1> -> vector<16xi32>
                %add3A_586 = arith.addi %add3A_554, %all_reduce_population_count3A_585 : vector<16xi32>
                %mul3A_587 = arith.constant 256 : i32
                %mul3A_588 = arith.muli %while3A_237, %mul3A_587 : i32
                %add3A_589 = arith.constant 176 : i32
                %add3A_590 = arith.addi %mul3A_588, %add3A_589 : i32
                %add3A_591 = vector.broadcast %add3A_590 : i32 to vector<16xi32>
                %add3A_592 = arith.addi %add3A_591, %iota3A : vector<16xi32>
                %get3A_593 = arith.constant 0 : i32
                %get3A_594 = arith.index_cast %get3A_593 : i32 to index
                %get3A_595 = arith.index_cast %add3A_590 : i32 to index
                %get3A_596 = tpu.vector_load %arg11[%get3A_594, %get3A_595] {strides = array<i32>} : memref<2x4096xf32, #tpu.memory_space<vmem>>, vector<16xf32>,
                %get3A_597 = arith.constant 1 : i32
                %get3A_598 = arith.index_cast %get3A_597 : i32 to index
                %get3A_599 = arith.index_cast %add3A_590 : i32 to index
                %get3A_600 = tpu.vector_load %arg11[%get3A_598, %get3A_599] {strides = array<i32>} : memref<2x4096xf32, #tpu.memory_space<vmem>>, vector<16xf32>,
                %sub3A_601 = vector.broadcast %squeeze3A : f32 to vector<16xf32>
                %sub3A_602 = arith.subf %get3A_596, %sub3A_601 : vector<16xf32>
                %sub3A_603 = vector.broadcast %squeeze3A_94 : f32 to vector<16xf32>
                %sub3A_604 = arith.subf %get3A_600, %sub3A_603 : vector<16xf32>
                %mul3A_605 = arith.mulf %sub3A_602, %sub3A_602 : vector<16xf32>
                %mul3A_606 = arith.mulf %sub3A_604, %sub3A_604 : vector<16xf32>
                %add3A_607 = arith.addf %mul3A_605, %mul3A_606 : vector<16xf32>
                %le3A_608 = vector.broadcast %squeeze3A_98 : f32 to vector<16xf32>
                %le3A_609 = arith.cmpf ole, %add3A_607, %le3A_608 : vector<16xf32>
                %select_n3A_610 = arith.select %le3A_609, %broadcast_in_dim3A_3, %broadcast_in_dim3A_1 : vector<16xi1>, vector<16xi32>
                %broadcast_in_dim3A_611 = arith.constant true
                %broadcast_in_dim3A_612 = vector.broadcast %broadcast_in_dim3A_611 : i1 to vector<16xi1>
                %masked_cumsum3A_613 = tpu.scan <sum>, %select_n3A_610 masked %broadcast_in_dim3A_612 : vector<16xi32>, vector<16xi1> -> vector<16xi32>
                %add3A_614 = arith.addi %add3A_586, %masked_cumsum3A_613 : vector<16xi32>
                %add3A_615 = vector.broadcast %mul3A_222 : i32 to vector<16xi32>
                %add3A_616 = arith.addi %add3A_615, %add3A_592 : vector<16xi32>
                tpu.vector_store_idx %arg19[%add3A_614], %add3A_616 masked %le3A_609 : memref<384xi32, #tpu.memory_space<vmem>>[vector<16xi32>], vector<16xi32>, vector<16xi1>
                %all_reduce_population_count3A_617 = tpu.all_reduce %le3A_609 {dim = 0 : i64, kind = #tpu.reduction_kind<sum>} : vector<16xi1> -> vector<16xi32>
                %add3A_618 = arith.addi %add3A_586, %all_reduce_population_count3A_617 : vector<16xi32>
                %mul3A_619 = arith.constant 256 : i32
                %mul3A_620 = arith.muli %while3A_237, %mul3A_619 : i32
                %add3A_621 = arith.constant 192 : i32
                %add3A_622 = arith.addi %mul3A_620, %add3A_621 : i32
                %add3A_623 = vector.broadcast %add3A_622 : i32 to vector<16xi32>
                %add3A_624 = arith.addi %add3A_623, %iota3A : vector<16xi32>
                %get3A_625 = arith.constant 0 : i32
                %get3A_626 = arith.index_cast %get3A_625 : i32 to index
                %get3A_627 = arith.index_cast %add3A_622 : i32 to index
                %get3A_628 = tpu.vector_load %arg11[%get3A_626, %get3A_627] {strides = array<i32>} : memref<2x4096xf32, #tpu.memory_space<vmem>>, vector<16xf32>,
                %get3A_629 = arith.constant 1 : i32
                %get3A_630 = arith.index_cast %get3A_629 : i32 to index
                %get3A_631 = arith.index_cast %add3A_622 : i32 to index
                %get3A_632 = tpu.vector_load %arg11[%get3A_630, %get3A_631] {strides = array<i32>} : memref<2x4096xf32, #tpu.memory_space<vmem>>, vector<16xf32>,
                %sub3A_633 = vector.broadcast %squeeze3A : f32 to vector<16xf32>
                %sub3A_634 = arith.subf %get3A_628, %sub3A_633 : vector<16xf32>
                %sub3A_635 = vector.broadcast %squeeze3A_94 : f32 to vector<16xf32>
                %sub3A_636 = arith.subf %get3A_632, %sub3A_635 : vector<16xf32>
                %mul3A_637 = arith.mulf %sub3A_634, %sub3A_634 : vector<16xf32>
                %mul3A_638 = arith.mulf %sub3A_636, %sub3A_636 : vector<16xf32>
                %add3A_639 = arith.addf %mul3A_637, %mul3A_638 : vector<16xf32>
                %le3A_640 = vector.broadcast %squeeze3A_98 : f32 to vector<16xf32>
                %le3A_641 = arith.cmpf ole, %add3A_639, %le3A_640 : vector<16xf32>
                %select_n3A_642 = arith.select %le3A_641, %broadcast_in_dim3A_3, %broadcast_in_dim3A_1 : vector<16xi1>, vector<16xi32>
                %broadcast_in_dim3A_643 = arith.constant true
                %broadcast_in_dim3A_644 = vector.broadcast %broadcast_in_dim3A_643 : i1 to vector<16xi1>
                %masked_cumsum3A_645 = tpu.scan <sum>, %select_n3A_642 masked %broadcast_in_dim3A_644 : vector<16xi32>, vector<16xi1> -> vector<16xi32>
                %add3A_646 = arith.addi %add3A_618, %masked_cumsum3A_645 : vector<16xi32>
                %add3A_647 = vector.broadcast %mul3A_222 : i32 to vector<16xi32>
                %add3A_648 = arith.addi %add3A_647, %add3A_624 : vector<16xi32>
                tpu.vector_store_idx %arg19[%add3A_646], %add3A_648 masked %le3A_641 : memref<384xi32, #tpu.memory_space<vmem>>[vector<16xi32>], vector<16xi32>, vector<16xi1>
                %all_reduce_population_count3A_649 = tpu.all_reduce %le3A_641 {dim = 0 : i64, kind = #tpu.reduction_kind<sum>} : vector<16xi1> -> vector<16xi32>
                %add3A_650 = arith.addi %add3A_618, %all_reduce_population_count3A_649 : vector<16xi32>
                %mul3A_651 = arith.constant 256 : i32
                %mul3A_652 = arith.muli %while3A_237, %mul3A_651 : i32
                %add3A_653 = arith.constant 208 : i32
                %add3A_654 = arith.addi %mul3A_652, %add3A_653 : i32
                %add3A_655 = vector.broadcast %add3A_654 : i32 to vector<16xi32>
                %add3A_656 = arith.addi %add3A_655, %iota3A : vector<16xi32>
                %get3A_657 = arith.constant 0 : i32
                %get3A_658 = arith.index_cast %get3A_657 : i32 to index
                %get3A_659 = arith.index_cast %add3A_654 : i32 to index
                %get3A_660 = tpu.vector_load %arg11[%get3A_658, %get3A_659] {strides = array<i32>} : memref<2x4096xf32, #tpu.memory_space<vmem>>, vector<16xf32>,
                %get3A_661 = arith.constant 1 : i32
                %get3A_662 = arith.index_cast %get3A_661 : i32 to index
                %get3A_663 = arith.index_cast %add3A_654 : i32 to index
                %get3A_664 = tpu.vector_load %arg11[%get3A_662, %get3A_663] {strides = array<i32>} : memref<2x4096xf32, #tpu.memory_space<vmem>>, vector<16xf32>,
                %sub3A_665 = vector.broadcast %squeeze3A : f32 to vector<16xf32>
                %sub3A_666 = arith.subf %get3A_660, %sub3A_665 : vector<16xf32>
                %sub3A_667 = vector.broadcast %squeeze3A_94 : f32 to vector<16xf32>
                %sub3A_668 = arith.subf %get3A_664, %sub3A_667 : vector<16xf32>
                %mul3A_669 = arith.mulf %sub3A_666, %sub3A_666 : vector<16xf32>
                %mul3A_670 = arith.mulf %sub3A_668, %sub3A_668 : vector<16xf32>
                %add3A_671 = arith.addf %mul3A_669, %mul3A_670 : vector<16xf32>
                %le3A_672 = vector.broadcast %squeeze3A_98 : f32 to vector<16xf32>
                %le3A_673 = arith.cmpf ole, %add3A_671, %le3A_672 : vector<16xf32>
                %select_n3A_674 = arith.select %le3A_673, %broadcast_in_dim3A_3, %broadcast_in_dim3A_1 : vector<16xi1>, vector<16xi32>
                %broadcast_in_dim3A_675 = arith.constant true
                %broadcast_in_dim3A_676 = vector.broadcast %broadcast_in_dim3A_675 : i1 to vector<16xi1>
                %masked_cumsum3A_677 = tpu.scan <sum>, %select_n3A_674 masked %broadcast_in_dim3A_676 : vector<16xi32>, vector<16xi1> -> vector<16xi32>
                %add3A_678 = arith.addi %add3A_650, %masked_cumsum3A_677 : vector<16xi32>
                %add3A_679 = vector.broadcast %mul3A_222 : i32 to vector<16xi32>
                %add3A_680 = arith.addi %add3A_679, %add3A_656 : vector<16xi32>
                tpu.vector_store_idx %arg19[%add3A_678], %add3A_680 masked %le3A_673 : memref<384xi32, #tpu.memory_space<vmem>>[vector<16xi32>], vector<16xi32>, vector<16xi1>
                %all_reduce_population_count3A_681 = tpu.all_reduce %le3A_673 {dim = 0 : i64, kind = #tpu.reduction_kind<sum>} : vector<16xi1> -> vector<16xi32>
                %add3A_682 = arith.addi %add3A_650, %all_reduce_population_count3A_681 : vector<16xi32>
                %mul3A_683 = arith.constant 256 : i32
                %mul3A_684 = arith.muli %while3A_237, %mul3A_683 : i32
                %add3A_685 = arith.constant 224 : i32
                %add3A_686 = arith.addi %mul3A_684, %add3A_685 : i32
                %add3A_687 = vector.broadcast %add3A_686 : i32 to vector<16xi32>
                %add3A_688 = arith.addi %add3A_687, %iota3A : vector<16xi32>
                %get3A_689 = arith.constant 0 : i32
                %get3A_690 = arith.index_cast %get3A_689 : i32 to index
                %get3A_691 = arith.index_cast %add3A_686 : i32 to index
                %get3A_692 = tpu.vector_load %arg11[%get3A_690, %get3A_691] {strides = array<i32>} : memref<2x4096xf32, #tpu.memory_space<vmem>>, vector<16xf32>,
                %get3A_693 = arith.constant 1 : i32
                %get3A_694 = arith.index_cast %get3A_693 : i32 to index
                %get3A_695 = arith.index_cast %add3A_686 : i32 to index
                %get3A_696 = tpu.vector_load %arg11[%get3A_694, %get3A_695] {strides = array<i32>} : memref<2x4096xf32, #tpu.memory_space<vmem>>, vector<16xf32>,
                %sub3A_697 = vector.broadcast %squeeze3A : f32 to vector<16xf32>
                %sub3A_698 = arith.subf %get3A_692, %sub3A_697 : vector<16xf32>
                %sub3A_699 = vector.broadcast %squeeze3A_94 : f32 to vector<16xf32>
                %sub3A_700 = arith.subf %get3A_696, %sub3A_699 : vector<16xf32>
                %mul3A_701 = arith.mulf %sub3A_698, %sub3A_698 : vector<16xf32>
                %mul3A_702 = arith.mulf %sub3A_700, %sub3A_700 : vector<16xf32>
                %add3A_703 = arith.addf %mul3A_701, %mul3A_702 : vector<16xf32>
                %le3A_704 = vector.broadcast %squeeze3A_98 : f32 to vector<16xf32>
                %le3A_705 = arith.cmpf ole, %add3A_703, %le3A_704 : vector<16xf32>
                %select_n3A_706 = arith.select %le3A_705, %broadcast_in_dim3A_3, %broadcast_in_dim3A_1 : vector<16xi1>, vector<16xi32>
                %broadcast_in_dim3A_707 = arith.constant true
                %broadcast_in_dim3A_708 = vector.broadcast %broadcast_in_dim3A_707 : i1 to vector<16xi1>
                %masked_cumsum3A_709 = tpu.scan <sum>, %select_n3A_706 masked %broadcast_in_dim3A_708 : vector<16xi32>, vector<16xi1> -> vector<16xi32>
                %add3A_710 = arith.addi %add3A_682, %masked_cumsum3A_709 : vector<16xi32>
                %add3A_711 = vector.broadcast %mul3A_222 : i32 to vector<16xi32>
                %add3A_712 = arith.addi %add3A_711, %add3A_688 : vector<16xi32>
                tpu.vector_store_idx %arg19[%add3A_710], %add3A_712 masked %le3A_705 : memref<384xi32, #tpu.memory_space<vmem>>[vector<16xi32>], vector<16xi32>, vector<16xi1>
                %all_reduce_population_count3A_713 = tpu.all_reduce %le3A_705 {dim = 0 : i64, kind = #tpu.reduction_kind<sum>} : vector<16xi1> -> vector<16xi32>
                %add3A_714 = arith.addi %add3A_682, %all_reduce_population_count3A_713 : vector<16xi32>
                %mul3A_715 = arith.constant 256 : i32
                %mul3A_716 = arith.muli %while3A_237, %mul3A_715 : i32
                %add3A_717 = arith.constant 240 : i32
                %add3A_718 = arith.addi %mul3A_716, %add3A_717 : i32
                %add3A_719 = vector.broadcast %add3A_718 : i32 to vector<16xi32>
                %add3A_720 = arith.addi %add3A_719, %iota3A : vector<16xi32>
                %get3A_721 = arith.constant 0 : i32
                %get3A_722 = arith.index_cast %get3A_721 : i32 to index
                %get3A_723 = arith.index_cast %add3A_718 : i32 to index
                %get3A_724 = tpu.vector_load %arg11[%get3A_722, %get3A_723] {strides = array<i32>} : memref<2x4096xf32, #tpu.memory_space<vmem>>, vector<16xf32>,
                %get3A_725 = arith.constant 1 : i32
                %get3A_726 = arith.index_cast %get3A_725 : i32 to index
                %get3A_727 = arith.index_cast %add3A_718 : i32 to index
                %get3A_728 = tpu.vector_load %arg11[%get3A_726, %get3A_727] {strides = array<i32>} : memref<2x4096xf32, #tpu.memory_space<vmem>>, vector<16xf32>,
                %sub3A_729 = vector.broadcast %squeeze3A : f32 to vector<16xf32>
                %sub3A_730 = arith.subf %get3A_724, %sub3A_729 : vector<16xf32>
                %sub3A_731 = vector.broadcast %squeeze3A_94 : f32 to vector<16xf32>
                %sub3A_732 = arith.subf %get3A_728, %sub3A_731 : vector<16xf32>
                %mul3A_733 = arith.mulf %sub3A_730, %sub3A_730 : vector<16xf32>
                %mul3A_734 = arith.mulf %sub3A_732, %sub3A_732 : vector<16xf32>
                %add3A_735 = arith.addf %mul3A_733, %mul3A_734 : vector<16xf32>
                %le3A_736 = vector.broadcast %squeeze3A_98 : f32 to vector<16xf32>
                %le3A_737 = arith.cmpf ole, %add3A_735, %le3A_736 : vector<16xf32>
                %select_n3A_738 = arith.select %le3A_737, %broadcast_in_dim3A_3, %broadcast_in_dim3A_1 : vector<16xi1>, vector<16xi32>
                %broadcast_in_dim3A_739 = arith.constant true
                %broadcast_in_dim3A_740 = vector.broadcast %broadcast_in_dim3A_739 : i1 to vector<16xi1>
                %masked_cumsum3A_741 = tpu.scan <sum>, %select_n3A_738 masked %broadcast_in_dim3A_740 : vector<16xi32>, vector<16xi1> -> vector<16xi32>
                %add3A_742 = arith.addi %add3A_714, %masked_cumsum3A_741 : vector<16xi32>
                %add3A_743 = vector.broadcast %mul3A_222 : i32 to vector<16xi32>
                %add3A_744 = arith.addi %add3A_743, %add3A_720 : vector<16xi32>
                tpu.vector_store_idx %arg19[%add3A_742], %add3A_744 masked %le3A_737 : memref<384xi32, #tpu.memory_space<vmem>>[vector<16xi32>], vector<16xi32>, vector<16xi1>
                %all_reduce_population_count3A_745 = tpu.all_reduce %le3A_737 {dim = 0 : i64, kind = #tpu.reduction_kind<sum>} : vector<16xi1> -> vector<16xi32>
                %add3A_746 = arith.addi %add3A_714, %all_reduce_population_count3A_745 : vector<16xi32>
                %add3A_747 = arith.constant 1 : i32
                %add3A_748 = arith.addi %while3A_237, %add3A_747 : i32
                scf.yield %add3A_748, %add3A_746 : i32, vector<16xi32>
              }
              %slice3A_230 = vector.extract_strided_slice %while3A_229#1 {offsets = [0], sizes = [1], strides = [1]} : vector<16xi32> to vector<1xi32>
              %squeeze3A_231 = vector.extract %slice3A_230[0] : i32 from vector<1xi32>
              %add3A_232 = arith.constant 1 : i32
              %add3A_233 = arith.addi %squeeze3A_231, %add3A_232 : i32
              %swap3A_234 = arith.constant 0 : i32
              %swap3A_235 = arith.index_cast %swap3A_234 : i32 to index
              %swap3A_236 = memref.load %arg22[%swap3A_235] : memref<1xi32, #tpu.memory_space<smem>>
              memref.store %add3A_233, %arg22[%swap3A_235] : memref<1xi32, #tpu.memory_space<smem>>
            } else {
            }
            %not3A = arith.constant true
            %not3A_166 = arith.xori %lt3A_158, %not3A : i1
            %get3A_167 = arith.constant 0 : i32
            %get3A_168 = arith.index_cast %get3A_167 : i32 to index
            %get3A_169 = memref.load %arg23[%get3A_168] : memref<1xi32, #tpu.memory_space<smem>>
            %eq3A_170 = arith.cmpi eq, %get3A_169, %mul3A_153 : i32
            %and3A_171 = arith.andi %not3A_166, %eq3A_170 : i1
            %convert_element_type3A_172 = arith.extui %and3A_171 : i1 to i32
            %cond3A_173 = arith.constant 0 : i32
            %cond3A_174 = arith.cmpi ne, %convert_element_type3A_172, %cond3A_173 : i32
            scf.if %cond3A_174 {
              %dma_wait3A = arith.constant 0 : i32
              %dma_wait3A_202 = arith.constant 0 : i32
              %dma_wait3A_203 = tpu.memref_slice %arg10[%mul3A_153, %dma_wait3A, %dma_wait3A_202] : memref<32x2x4096xf32, #tpu.memory_space<vmem_shared>> -> memref<1x2x4096xf32, #tpu.memory_space<vmem_shared>>
              %dma_wait3A_204 = tpu.memref_squeeze %dma_wait3A_203 : memref<1x2x4096xf32, #tpu.memory_space<vmem_shared>> -> memref<2x4096xf32, #tpu.memory_space<vmem_shared>>
              %dma_wait3A_205 = arith.constant 0 : i32
              %dma_wait3A_206 = arith.constant 0 : i32
              %dma_wait3A_207 = tpu.memref_slice %arg10[%mul3A_153, %dma_wait3A_205, %dma_wait3A_206] : memref<32x2x4096xf32, #tpu.memory_space<vmem_shared>> -> memref<1x2x4096xf32, #tpu.memory_space<vmem_shared>>
              %dma_wait3A_208 = tpu.memref_squeeze %dma_wait3A_207 : memref<1x2x4096xf32, #tpu.memory_space<vmem_shared>> -> memref<2x4096xf32, #tpu.memory_space<vmem_shared>>
              tpu.wait_dma2 semaphore(%arg26 : memref<!tpu.dma_semaphore, #tpu.memory_space<semaphore_mem>>) src(%dma_wait3A_208 : memref<2x4096xf32, #tpu.memory_space<vmem_shared>>) dst(%arg11 : memref<2x4096xf32, #tpu.memory_space<vmem>>)
              %swap3A_209 = arith.constant -1 : i32
              %swap3A_210 = arith.constant 0 : i32
              %swap3A_211 = arith.index_cast %swap3A_210 : i32 to index
              %swap3A_212 = memref.load %arg23[%swap3A_211] : memref<1xi32, #tpu.memory_space<smem>>
              memref.store %swap3A_209, %arg23[%swap3A_211] : memref<1xi32, #tpu.memory_space<smem>>
            } else {
            }
            %mul3A_175 = arith.constant 2 : i32
            %mul3A_176 = arith.muli %mul3A_175, %scan3A_151 : i32
            %add3A_177 = arith.constant 1 : i32
            %add3A_178 = arith.addi %mul3A_176, %add3A_177 : i32
            %get3A_179 = arith.constant 0 : i32
            %get3A_180 = arith.index_cast %get3A_179 : i32 to index
            %get3A_181 = memref.load %arg22[%get3A_180] : memref<1xi32, #tpu.memory_space<smem>>
            %lt3A_182 = arith.constant 128 : i32
            %lt3A_183 = arith.cmpi slt, %get3A_181, %lt3A_182 : i32
            %get3A_184 = arith.constant 0 : i32
            %get3A_185 = arith.index_cast %get3A_184 : i32 to index
            %get3A_186 = memref.load %arg23[%get3A_185] : memref<1xi32, #tpu.memory_space<smem>>
            %eq3A_187 = arith.cmpi eq, %get3A_186, %add3A_178 : i32
            %and3A_188 = arith.andi %lt3A_183, %eq3A_187 : i1
            %convert_element_type3A_189 = arith.extui %and3A_188 : i1 to i32
            %cond3A_190 = arith.constant 0 : i32
            %cond3A_191 = arith.cmpi ne, %convert_element_type3A_189, %cond3A_190 : i32
            scf.if %cond3A_191 {
              %add3A_202 = arith.constant 1 : i32
              %add3A_203 = arith.addi %add3A_178, %add3A_202 : i32
              %lt3A_204 = arith.constant 32 : i32
              %lt3A_205 = arith.cmpi slt, %add3A_203, %lt3A_204 : i32
              %convert_element_type3A_206 = arith.extui %lt3A_205 : i1 to i32
              %cond3A_207 = arith.constant 0 : i32
              %cond3A_208 = arith.cmpi ne, %convert_element_type3A_206, %cond3A_207 : i32
              scf.if %cond3A_208 {
                %add3A_237 = arith.constant 1 : i32
                %add3A_238 = arith.addi %add3A_178, %add3A_237 : i32
                %dma_start3A_239 = arith.constant 0 : i32
                %dma_start3A_240 = arith.constant 0 : i32
                %dma_start3A_241 = tpu.memref_slice %arg10[%add3A_238, %dma_start3A_239, %dma_start3A_240] : memref<32x2x4096xf32, #tpu.memory_space<vmem_shared>> -> memref<1x2x4096xf32, #tpu.memory_space<vmem_shared>>
                %dma_start3A_242 = tpu.memref_squeeze %dma_start3A_241 : memref<1x2x4096xf32, #tpu.memory_space<vmem_shared>> -> memref<2x4096xf32, #tpu.memory_space<vmem_shared>>
                %dma_start3A_243 = arith.constant 0 : i32
                %dma_start3A_244 = arith.constant 0 : i32
                %dma_start3A_245 = tpu.memref_slice %arg10[%add3A_238, %dma_start3A_243, %dma_start3A_244] : memref<32x2x4096xf32, #tpu.memory_space<vmem_shared>> -> memref<1x2x4096xf32, #tpu.memory_space<vmem_shared>>
                %dma_start3A_246 = tpu.memref_squeeze %dma_start3A_245 : memref<1x2x4096xf32, #tpu.memory_space<vmem_shared>> -> memref<2x4096xf32, #tpu.memory_space<vmem_shared>>
                tpu.enqueue_dma source(%dma_start3A_246 : memref<2x4096xf32, #tpu.memory_space<vmem_shared>>) target(%arg11 : memref<2x4096xf32, #tpu.memory_space<vmem>>) target_semaphore(%arg26 : memref<!tpu.dma_semaphore, #tpu.memory_space<semaphore_mem>>)
              } else {
              }
              %dma_wait3A = arith.constant 0 : i32
              %dma_wait3A_209 = arith.constant 0 : i32
              %dma_wait3A_210 = tpu.memref_slice %arg10[%add3A_178, %dma_wait3A, %dma_wait3A_209] : memref<32x2x4096xf32, #tpu.memory_space<vmem_shared>> -> memref<1x2x4096xf32, #tpu.memory_space<vmem_shared>>
              %dma_wait3A_211 = tpu.memref_squeeze %dma_wait3A_210 : memref<1x2x4096xf32, #tpu.memory_space<vmem_shared>> -> memref<2x4096xf32, #tpu.memory_space<vmem_shared>>
              %dma_wait3A_212 = arith.constant 0 : i32
              %dma_wait3A_213 = arith.constant 0 : i32
              %dma_wait3A_214 = tpu.memref_slice %arg10[%add3A_178, %dma_wait3A_212, %dma_wait3A_213] : memref<32x2x4096xf32, #tpu.memory_space<vmem_shared>> -> memref<1x2x4096xf32, #tpu.memory_space<vmem_shared>>
              %dma_wait3A_215 = tpu.memref_squeeze %dma_wait3A_214 : memref<1x2x4096xf32, #tpu.memory_space<vmem_shared>> -> memref<2x4096xf32, #tpu.memory_space<vmem_shared>>
              tpu.wait_dma2 semaphore(%arg27 : memref<!tpu.dma_semaphore, #tpu.memory_space<semaphore_mem>>) src(%dma_wait3A_215 : memref<2x4096xf32, #tpu.memory_space<vmem_shared>>) dst(%arg12 : memref<2x4096xf32, #tpu.memory_space<vmem>>)
              %add3A_216 = arith.constant 1 : i32
              %add3A_217 = arith.addi %add3A_178, %add3A_216 : i32
              %swap3A_218 = arith.constant 0 : i32
              %swap3A_219 = arith.index_cast %swap3A_218 : i32 to index
              %swap3A_220 = memref.load %arg23[%swap3A_219] : memref<1xi32, #tpu.memory_space<smem>>
              memref.store %add3A_217, %arg23[%swap3A_219] : memref<1xi32, #tpu.memory_space<smem>>
              %mul3A_221 = arith.constant 4096 : i32
              %mul3A_222 = arith.muli %add3A_178, %mul3A_221 : i32
              %get3A_223 = arith.constant 0 : i32
              %get3A_224 = arith.index_cast %get3A_223 : i32 to index
              %get3A_225 = memref.load %arg22[%get3A_224] : memref<1xi32, #tpu.memory_space<smem>>
              %sub3A = arith.constant 1 : i32
              %sub3A_226 = arith.subi %get3A_225, %sub3A : i32
              %add3A_227 = vector.broadcast %sub3A_226 : i32 to vector<16xi32>
              %add3A_228 = arith.addi %broadcast_in_dim3A_1, %add3A_227 : vector<16xi32>
              %while3A = arith.constant 0 : i32
              %while3A_229:2 = scf.while (%while3A_237 = %while3A, %while3A_238 = %add3A_228) : (i32, vector<16xi32>) -> (i32, vector<16xi32>) {
                %lt3A_239 = arith.constant 16 : i32
                %lt3A_240 = arith.cmpi slt, %while3A_237, %lt3A_239 : i32
                %slice3A_241 = vector.extract_strided_slice %while3A_238 {offsets = [0], sizes = [1], strides = [1]} : vector<16xi32> to vector<1xi32>
                %squeeze3A_242 = vector.extract %slice3A_241[0] : i32 from vector<1xi32>
                %lt3A_243 = arith.constant 127 : i32
                %lt3A_244 = arith.cmpi slt, %squeeze3A_242, %lt3A_243 : i32
                %and3A_245 = arith.andi %lt3A_240, %lt3A_244 : i1
                scf.condition(%and3A_245) %while3A_237, %while3A_238 : i32, vector<16xi32>
              } do {
              ^bb0(%while3A_237: i32, %while3A_238: vector<16xi32>):
                %mul3A_239 = arith.constant 256 : i32
                %mul3A_240 = arith.muli %while3A_237, %mul3A_239 : i32
                %add3A_241 = arith.constant 0 : i32
                %add3A_242 = arith.addi %mul3A_240, %add3A_241 : i32
                %add3A_243 = vector.broadcast %add3A_242 : i32 to vector<16xi32>
                %add3A_244 = arith.addi %add3A_243, %iota3A : vector<16xi32>
                %get3A_245 = arith.constant 0 : i32
                %get3A_246 = arith.index_cast %get3A_245 : i32 to index
                %get3A_247 = arith.index_cast %add3A_242 : i32 to index
                %get3A_248 = tpu.vector_load %arg12[%get3A_246, %get3A_247] {strides = array<i32>} : memref<2x4096xf32, #tpu.memory_space<vmem>>, vector<16xf32>,
                %get3A_249 = arith.constant 1 : i32
                %get3A_250 = arith.index_cast %get3A_249 : i32 to index
                %get3A_251 = arith.index_cast %add3A_242 : i32 to index
                %get3A_252 = tpu.vector_load %arg12[%get3A_250, %get3A_251] {strides = array<i32>} : memref<2x4096xf32, #tpu.memory_space<vmem>>, vector<16xf32>,
                %sub3A_253 = vector.broadcast %squeeze3A : f32 to vector<16xf32>
                %sub3A_254 = arith.subf %get3A_248, %sub3A_253 : vector<16xf32>
                %sub3A_255 = vector.broadcast %squeeze3A_94 : f32 to vector<16xf32>
                %sub3A_256 = arith.subf %get3A_252, %sub3A_255 : vector<16xf32>
                %mul3A_257 = arith.mulf %sub3A_254, %sub3A_254 : vector<16xf32>
                %mul3A_258 = arith.mulf %sub3A_256, %sub3A_256 : vector<16xf32>
                %add3A_259 = arith.addf %mul3A_257, %mul3A_258 : vector<16xf32>
                %le3A = vector.broadcast %squeeze3A_98 : f32 to vector<16xf32>
                %le3A_260 = arith.cmpf ole, %add3A_259, %le3A : vector<16xf32>
                %select_n3A = arith.select %le3A_260, %broadcast_in_dim3A_3, %broadcast_in_dim3A_1 : vector<16xi1>, vector<16xi32>
                %broadcast_in_dim3A_261 = arith.constant true
                %broadcast_in_dim3A_262 = vector.broadcast %broadcast_in_dim3A_261 : i1 to vector<16xi1>
                %masked_cumsum3A = tpu.scan <sum>, %select_n3A masked %broadcast_in_dim3A_262 : vector<16xi32>, vector<16xi1> -> vector<16xi32>
                %add3A_263 = arith.addi %while3A_238, %masked_cumsum3A : vector<16xi32>
                %add3A_264 = vector.broadcast %mul3A_222 : i32 to vector<16xi32>
                %add3A_265 = arith.addi %add3A_264, %add3A_244 : vector<16xi32>
                tpu.vector_store_idx %arg19[%add3A_263], %add3A_265 masked %le3A_260 : memref<384xi32, #tpu.memory_space<vmem>>[vector<16xi32>], vector<16xi32>, vector<16xi1>
                %all_reduce_population_count3A = tpu.all_reduce %le3A_260 {dim = 0 : i64, kind = #tpu.reduction_kind<sum>} : vector<16xi1> -> vector<16xi32>
                %add3A_266 = arith.addi %while3A_238, %all_reduce_population_count3A : vector<16xi32>
                %mul3A_267 = arith.constant 256 : i32
                %mul3A_268 = arith.muli %while3A_237, %mul3A_267 : i32
                %add3A_269 = arith.constant 16 : i32
                %add3A_270 = arith.addi %mul3A_268, %add3A_269 : i32
                %add3A_271 = vector.broadcast %add3A_270 : i32 to vector<16xi32>
                %add3A_272 = arith.addi %add3A_271, %iota3A : vector<16xi32>
                %get3A_273 = arith.constant 0 : i32
                %get3A_274 = arith.index_cast %get3A_273 : i32 to index
                %get3A_275 = arith.index_cast %add3A_270 : i32 to index
                %get3A_276 = tpu.vector_load %arg12[%get3A_274, %get3A_275] {strides = array<i32>} : memref<2x4096xf32, #tpu.memory_space<vmem>>, vector<16xf32>,
                %get3A_277 = arith.constant 1 : i32
                %get3A_278 = arith.index_cast %get3A_277 : i32 to index
                %get3A_279 = arith.index_cast %add3A_270 : i32 to index
                %get3A_280 = tpu.vector_load %arg12[%get3A_278, %get3A_279] {strides = array<i32>} : memref<2x4096xf32, #tpu.memory_space<vmem>>, vector<16xf32>,
                %sub3A_281 = vector.broadcast %squeeze3A : f32 to vector<16xf32>
                %sub3A_282 = arith.subf %get3A_276, %sub3A_281 : vector<16xf32>
                %sub3A_283 = vector.broadcast %squeeze3A_94 : f32 to vector<16xf32>
                %sub3A_284 = arith.subf %get3A_280, %sub3A_283 : vector<16xf32>
                %mul3A_285 = arith.mulf %sub3A_282, %sub3A_282 : vector<16xf32>
                %mul3A_286 = arith.mulf %sub3A_284, %sub3A_284 : vector<16xf32>
                %add3A_287 = arith.addf %mul3A_285, %mul3A_286 : vector<16xf32>
                %le3A_288 = vector.broadcast %squeeze3A_98 : f32 to vector<16xf32>
                %le3A_289 = arith.cmpf ole, %add3A_287, %le3A_288 : vector<16xf32>
                %select_n3A_290 = arith.select %le3A_289, %broadcast_in_dim3A_3, %broadcast_in_dim3A_1 : vector<16xi1>, vector<16xi32>
                %broadcast_in_dim3A_291 = arith.constant true
                %broadcast_in_dim3A_292 = vector.broadcast %broadcast_in_dim3A_291 : i1 to vector<16xi1>
                %masked_cumsum3A_293 = tpu.scan <sum>, %select_n3A_290 masked %broadcast_in_dim3A_292 : vector<16xi32>, vector<16xi1> -> vector<16xi32>
                %add3A_294 = arith.addi %add3A_266, %masked_cumsum3A_293 : vector<16xi32>
                %add3A_295 = vector.broadcast %mul3A_222 : i32 to vector<16xi32>
                %add3A_296 = arith.addi %add3A_295, %add3A_272 : vector<16xi32>
                tpu.vector_store_idx %arg19[%add3A_294], %add3A_296 masked %le3A_289 : memref<384xi32, #tpu.memory_space<vmem>>[vector<16xi32>], vector<16xi32>, vector<16xi1>
                %all_reduce_population_count3A_297 = tpu.all_reduce %le3A_289 {dim = 0 : i64, kind = #tpu.reduction_kind<sum>} : vector<16xi1> -> vector<16xi32>
                %add3A_298 = arith.addi %add3A_266, %all_reduce_population_count3A_297 : vector<16xi32>
                %mul3A_299 = arith.constant 256 : i32
                %mul3A_300 = arith.muli %while3A_237, %mul3A_299 : i32
                %add3A_301 = arith.constant 32 : i32
                %add3A_302 = arith.addi %mul3A_300, %add3A_301 : i32
                %add3A_303 = vector.broadcast %add3A_302 : i32 to vector<16xi32>
                %add3A_304 = arith.addi %add3A_303, %iota3A : vector<16xi32>
                %get3A_305 = arith.constant 0 : i32
                %get3A_306 = arith.index_cast %get3A_305 : i32 to index
                %get3A_307 = arith.index_cast %add3A_302 : i32 to index
                %get3A_308 = tpu.vector_load %arg12[%get3A_306, %get3A_307] {strides = array<i32>} : memref<2x4096xf32, #tpu.memory_space<vmem>>, vector<16xf32>,
                %get3A_309 = arith.constant 1 : i32
                %get3A_310 = arith.index_cast %get3A_309 : i32 to index
                %get3A_311 = arith.index_cast %add3A_302 : i32 to index
                %get3A_312 = tpu.vector_load %arg12[%get3A_310, %get3A_311] {strides = array<i32>} : memref<2x4096xf32, #tpu.memory_space<vmem>>, vector<16xf32>,
                %sub3A_313 = vector.broadcast %squeeze3A : f32 to vector<16xf32>
                %sub3A_314 = arith.subf %get3A_308, %sub3A_313 : vector<16xf32>
                %sub3A_315 = vector.broadcast %squeeze3A_94 : f32 to vector<16xf32>
                %sub3A_316 = arith.subf %get3A_312, %sub3A_315 : vector<16xf32>
                %mul3A_317 = arith.mulf %sub3A_314, %sub3A_314 : vector<16xf32>
                %mul3A_318 = arith.mulf %sub3A_316, %sub3A_316 : vector<16xf32>
                %add3A_319 = arith.addf %mul3A_317, %mul3A_318 : vector<16xf32>
                %le3A_320 = vector.broadcast %squeeze3A_98 : f32 to vector<16xf32>
                %le3A_321 = arith.cmpf ole, %add3A_319, %le3A_320 : vector<16xf32>
                %select_n3A_322 = arith.select %le3A_321, %broadcast_in_dim3A_3, %broadcast_in_dim3A_1 : vector<16xi1>, vector<16xi32>
                %broadcast_in_dim3A_323 = arith.constant true
                %broadcast_in_dim3A_324 = vector.broadcast %broadcast_in_dim3A_323 : i1 to vector<16xi1>
                %masked_cumsum3A_325 = tpu.scan <sum>, %select_n3A_322 masked %broadcast_in_dim3A_324 : vector<16xi32>, vector<16xi1> -> vector<16xi32>
                %add3A_326 = arith.addi %add3A_298, %masked_cumsum3A_325 : vector<16xi32>
                %add3A_327 = vector.broadcast %mul3A_222 : i32 to vector<16xi32>
                %add3A_328 = arith.addi %add3A_327, %add3A_304 : vector<16xi32>
                tpu.vector_store_idx %arg19[%add3A_326], %add3A_328 masked %le3A_321 : memref<384xi32, #tpu.memory_space<vmem>>[vector<16xi32>], vector<16xi32>, vector<16xi1>
                %all_reduce_population_count3A_329 = tpu.all_reduce %le3A_321 {dim = 0 : i64, kind = #tpu.reduction_kind<sum>} : vector<16xi1> -> vector<16xi32>
                %add3A_330 = arith.addi %add3A_298, %all_reduce_population_count3A_329 : vector<16xi32>
                %mul3A_331 = arith.constant 256 : i32
                %mul3A_332 = arith.muli %while3A_237, %mul3A_331 : i32
                %add3A_333 = arith.constant 48 : i32
                %add3A_334 = arith.addi %mul3A_332, %add3A_333 : i32
                %add3A_335 = vector.broadcast %add3A_334 : i32 to vector<16xi32>
                %add3A_336 = arith.addi %add3A_335, %iota3A : vector<16xi32>
                %get3A_337 = arith.constant 0 : i32
                %get3A_338 = arith.index_cast %get3A_337 : i32 to index
                %get3A_339 = arith.index_cast %add3A_334 : i32 to index
                %get3A_340 = tpu.vector_load %arg12[%get3A_338, %get3A_339] {strides = array<i32>} : memref<2x4096xf32, #tpu.memory_space<vmem>>, vector<16xf32>,
                %get3A_341 = arith.constant 1 : i32
                %get3A_342 = arith.index_cast %get3A_341 : i32 to index
                %get3A_343 = arith.index_cast %add3A_334 : i32 to index
                %get3A_344 = tpu.vector_load %arg12[%get3A_342, %get3A_343] {strides = array<i32>} : memref<2x4096xf32, #tpu.memory_space<vmem>>, vector<16xf32>,
                %sub3A_345 = vector.broadcast %squeeze3A : f32 to vector<16xf32>
                %sub3A_346 = arith.subf %get3A_340, %sub3A_345 : vector<16xf32>
                %sub3A_347 = vector.broadcast %squeeze3A_94 : f32 to vector<16xf32>
                %sub3A_348 = arith.subf %get3A_344, %sub3A_347 : vector<16xf32>
                %mul3A_349 = arith.mulf %sub3A_346, %sub3A_346 : vector<16xf32>
                %mul3A_350 = arith.mulf %sub3A_348, %sub3A_348 : vector<16xf32>
                %add3A_351 = arith.addf %mul3A_349, %mul3A_350 : vector<16xf32>
                %le3A_352 = vector.broadcast %squeeze3A_98 : f32 to vector<16xf32>
                %le3A_353 = arith.cmpf ole, %add3A_351, %le3A_352 : vector<16xf32>
                %select_n3A_354 = arith.select %le3A_353, %broadcast_in_dim3A_3, %broadcast_in_dim3A_1 : vector<16xi1>, vector<16xi32>
                %broadcast_in_dim3A_355 = arith.constant true
                %broadcast_in_dim3A_356 = vector.broadcast %broadcast_in_dim3A_355 : i1 to vector<16xi1>
                %masked_cumsum3A_357 = tpu.scan <sum>, %select_n3A_354 masked %broadcast_in_dim3A_356 : vector<16xi32>, vector<16xi1> -> vector<16xi32>
                %add3A_358 = arith.addi %add3A_330, %masked_cumsum3A_357 : vector<16xi32>
                %add3A_359 = vector.broadcast %mul3A_222 : i32 to vector<16xi32>
                %add3A_360 = arith.addi %add3A_359, %add3A_336 : vector<16xi32>
                tpu.vector_store_idx %arg19[%add3A_358], %add3A_360 masked %le3A_353 : memref<384xi32, #tpu.memory_space<vmem>>[vector<16xi32>], vector<16xi32>, vector<16xi1>
                %all_reduce_population_count3A_361 = tpu.all_reduce %le3A_353 {dim = 0 : i64, kind = #tpu.reduction_kind<sum>} : vector<16xi1> -> vector<16xi32>
                %add3A_362 = arith.addi %add3A_330, %all_reduce_population_count3A_361 : vector<16xi32>
                %mul3A_363 = arith.constant 256 : i32
                %mul3A_364 = arith.muli %while3A_237, %mul3A_363 : i32
                %add3A_365 = arith.constant 64 : i32
                %add3A_366 = arith.addi %mul3A_364, %add3A_365 : i32
                %add3A_367 = vector.broadcast %add3A_366 : i32 to vector<16xi32>
                %add3A_368 = arith.addi %add3A_367, %iota3A : vector<16xi32>
                %get3A_369 = arith.constant 0 : i32
                %get3A_370 = arith.index_cast %get3A_369 : i32 to index
                %get3A_371 = arith.index_cast %add3A_366 : i32 to index
                %get3A_372 = tpu.vector_load %arg12[%get3A_370, %get3A_371] {strides = array<i32>} : memref<2x4096xf32, #tpu.memory_space<vmem>>, vector<16xf32>,
                %get3A_373 = arith.constant 1 : i32
                %get3A_374 = arith.index_cast %get3A_373 : i32 to index
                %get3A_375 = arith.index_cast %add3A_366 : i32 to index
                %get3A_376 = tpu.vector_load %arg12[%get3A_374, %get3A_375] {strides = array<i32>} : memref<2x4096xf32, #tpu.memory_space<vmem>>, vector<16xf32>,
                %sub3A_377 = vector.broadcast %squeeze3A : f32 to vector<16xf32>
                %sub3A_378 = arith.subf %get3A_372, %sub3A_377 : vector<16xf32>
                %sub3A_379 = vector.broadcast %squeeze3A_94 : f32 to vector<16xf32>
                %sub3A_380 = arith.subf %get3A_376, %sub3A_379 : vector<16xf32>
                %mul3A_381 = arith.mulf %sub3A_378, %sub3A_378 : vector<16xf32>
                %mul3A_382 = arith.mulf %sub3A_380, %sub3A_380 : vector<16xf32>
                %add3A_383 = arith.addf %mul3A_381, %mul3A_382 : vector<16xf32>
                %le3A_384 = vector.broadcast %squeeze3A_98 : f32 to vector<16xf32>
                %le3A_385 = arith.cmpf ole, %add3A_383, %le3A_384 : vector<16xf32>
                %select_n3A_386 = arith.select %le3A_385, %broadcast_in_dim3A_3, %broadcast_in_dim3A_1 : vector<16xi1>, vector<16xi32>
                %broadcast_in_dim3A_387 = arith.constant true
                %broadcast_in_dim3A_388 = vector.broadcast %broadcast_in_dim3A_387 : i1 to vector<16xi1>
                %masked_cumsum3A_389 = tpu.scan <sum>, %select_n3A_386 masked %broadcast_in_dim3A_388 : vector<16xi32>, vector<16xi1> -> vector<16xi32>
                %add3A_390 = arith.addi %add3A_362, %masked_cumsum3A_389 : vector<16xi32>
                %add3A_391 = vector.broadcast %mul3A_222 : i32 to vector<16xi32>
                %add3A_392 = arith.addi %add3A_391, %add3A_368 : vector<16xi32>
                tpu.vector_store_idx %arg19[%add3A_390], %add3A_392 masked %le3A_385 : memref<384xi32, #tpu.memory_space<vmem>>[vector<16xi32>], vector<16xi32>, vector<16xi1>
                %all_reduce_population_count3A_393 = tpu.all_reduce %le3A_385 {dim = 0 : i64, kind = #tpu.reduction_kind<sum>} : vector<16xi1> -> vector<16xi32>
                %add3A_394 = arith.addi %add3A_362, %all_reduce_population_count3A_393 : vector<16xi32>
                %mul3A_395 = arith.constant 256 : i32
                %mul3A_396 = arith.muli %while3A_237, %mul3A_395 : i32
                %add3A_397 = arith.constant 80 : i32
                %add3A_398 = arith.addi %mul3A_396, %add3A_397 : i32
                %add3A_399 = vector.broadcast %add3A_398 : i32 to vector<16xi32>
                %add3A_400 = arith.addi %add3A_399, %iota3A : vector<16xi32>
                %get3A_401 = arith.constant 0 : i32
                %get3A_402 = arith.index_cast %get3A_401 : i32 to index
                %get3A_403 = arith.index_cast %add3A_398 : i32 to index
                %get3A_404 = tpu.vector_load %arg12[%get3A_402, %get3A_403] {strides = array<i32>} : memref<2x4096xf32, #tpu.memory_space<vmem>>, vector<16xf32>,
                %get3A_405 = arith.constant 1 : i32
                %get3A_406 = arith.index_cast %get3A_405 : i32 to index
                %get3A_407 = arith.index_cast %add3A_398 : i32 to index
                %get3A_408 = tpu.vector_load %arg12[%get3A_406, %get3A_407] {strides = array<i32>} : memref<2x4096xf32, #tpu.memory_space<vmem>>, vector<16xf32>,
                %sub3A_409 = vector.broadcast %squeeze3A : f32 to vector<16xf32>
                %sub3A_410 = arith.subf %get3A_404, %sub3A_409 : vector<16xf32>
                %sub3A_411 = vector.broadcast %squeeze3A_94 : f32 to vector<16xf32>
                %sub3A_412 = arith.subf %get3A_408, %sub3A_411 : vector<16xf32>
                %mul3A_413 = arith.mulf %sub3A_410, %sub3A_410 : vector<16xf32>
                %mul3A_414 = arith.mulf %sub3A_412, %sub3A_412 : vector<16xf32>
                %add3A_415 = arith.addf %mul3A_413, %mul3A_414 : vector<16xf32>
                %le3A_416 = vector.broadcast %squeeze3A_98 : f32 to vector<16xf32>
                %le3A_417 = arith.cmpf ole, %add3A_415, %le3A_416 : vector<16xf32>
                %select_n3A_418 = arith.select %le3A_417, %broadcast_in_dim3A_3, %broadcast_in_dim3A_1 : vector<16xi1>, vector<16xi32>
                %broadcast_in_dim3A_419 = arith.constant true
                %broadcast_in_dim3A_420 = vector.broadcast %broadcast_in_dim3A_419 : i1 to vector<16xi1>
                %masked_cumsum3A_421 = tpu.scan <sum>, %select_n3A_418 masked %broadcast_in_dim3A_420 : vector<16xi32>, vector<16xi1> -> vector<16xi32>
                %add3A_422 = arith.addi %add3A_394, %masked_cumsum3A_421 : vector<16xi32>
                %add3A_423 = vector.broadcast %mul3A_222 : i32 to vector<16xi32>
                %add3A_424 = arith.addi %add3A_423, %add3A_400 : vector<16xi32>
                tpu.vector_store_idx %arg19[%add3A_422], %add3A_424 masked %le3A_417 : memref<384xi32, #tpu.memory_space<vmem>>[vector<16xi32>], vector<16xi32>, vector<16xi1>
                %all_reduce_population_count3A_425 = tpu.all_reduce %le3A_417 {dim = 0 : i64, kind = #tpu.reduction_kind<sum>} : vector<16xi1> -> vector<16xi32>
                %add3A_426 = arith.addi %add3A_394, %all_reduce_population_count3A_425 : vector<16xi32>
                %mul3A_427 = arith.constant 256 : i32
                %mul3A_428 = arith.muli %while3A_237, %mul3A_427 : i32
                %add3A_429 = arith.constant 96 : i32
                %add3A_430 = arith.addi %mul3A_428, %add3A_429 : i32
                %add3A_431 = vector.broadcast %add3A_430 : i32 to vector<16xi32>
                %add3A_432 = arith.addi %add3A_431, %iota3A : vector<16xi32>
                %get3A_433 = arith.constant 0 : i32
                %get3A_434 = arith.index_cast %get3A_433 : i32 to index
                %get3A_435 = arith.index_cast %add3A_430 : i32 to index
                %get3A_436 = tpu.vector_load %arg12[%get3A_434, %get3A_435] {strides = array<i32>} : memref<2x4096xf32, #tpu.memory_space<vmem>>, vector<16xf32>,
                %get3A_437 = arith.constant 1 : i32
                %get3A_438 = arith.index_cast %get3A_437 : i32 to index
                %get3A_439 = arith.index_cast %add3A_430 : i32 to index
                %get3A_440 = tpu.vector_load %arg12[%get3A_438, %get3A_439] {strides = array<i32>} : memref<2x4096xf32, #tpu.memory_space<vmem>>, vector<16xf32>,
                %sub3A_441 = vector.broadcast %squeeze3A : f32 to vector<16xf32>
                %sub3A_442 = arith.subf %get3A_436, %sub3A_441 : vector<16xf32>
                %sub3A_443 = vector.broadcast %squeeze3A_94 : f32 to vector<16xf32>
                %sub3A_444 = arith.subf %get3A_440, %sub3A_443 : vector<16xf32>
                %mul3A_445 = arith.mulf %sub3A_442, %sub3A_442 : vector<16xf32>
                %mul3A_446 = arith.mulf %sub3A_444, %sub3A_444 : vector<16xf32>
                %add3A_447 = arith.addf %mul3A_445, %mul3A_446 : vector<16xf32>
                %le3A_448 = vector.broadcast %squeeze3A_98 : f32 to vector<16xf32>
                %le3A_449 = arith.cmpf ole, %add3A_447, %le3A_448 : vector<16xf32>
                %select_n3A_450 = arith.select %le3A_449, %broadcast_in_dim3A_3, %broadcast_in_dim3A_1 : vector<16xi1>, vector<16xi32>
                %broadcast_in_dim3A_451 = arith.constant true
                %broadcast_in_dim3A_452 = vector.broadcast %broadcast_in_dim3A_451 : i1 to vector<16xi1>
                %masked_cumsum3A_453 = tpu.scan <sum>, %select_n3A_450 masked %broadcast_in_dim3A_452 : vector<16xi32>, vector<16xi1> -> vector<16xi32>
                %add3A_454 = arith.addi %add3A_426, %masked_cumsum3A_453 : vector<16xi32>
                %add3A_455 = vector.broadcast %mul3A_222 : i32 to vector<16xi32>
                %add3A_456 = arith.addi %add3A_455, %add3A_432 : vector<16xi32>
                tpu.vector_store_idx %arg19[%add3A_454], %add3A_456 masked %le3A_449 : memref<384xi32, #tpu.memory_space<vmem>>[vector<16xi32>], vector<16xi32>, vector<16xi1>
                %all_reduce_population_count3A_457 = tpu.all_reduce %le3A_449 {dim = 0 : i64, kind = #tpu.reduction_kind<sum>} : vector<16xi1> -> vector<16xi32>
                %add3A_458 = arith.addi %add3A_426, %all_reduce_population_count3A_457 : vector<16xi32>
                %mul3A_459 = arith.constant 256 : i32
                %mul3A_460 = arith.muli %while3A_237, %mul3A_459 : i32
                %add3A_461 = arith.constant 112 : i32
                %add3A_462 = arith.addi %mul3A_460, %add3A_461 : i32
                %add3A_463 = vector.broadcast %add3A_462 : i32 to vector<16xi32>
                %add3A_464 = arith.addi %add3A_463, %iota3A : vector<16xi32>
                %get3A_465 = arith.constant 0 : i32
                %get3A_466 = arith.index_cast %get3A_465 : i32 to index
                %get3A_467 = arith.index_cast %add3A_462 : i32 to index
                %get3A_468 = tpu.vector_load %arg12[%get3A_466, %get3A_467] {strides = array<i32>} : memref<2x4096xf32, #tpu.memory_space<vmem>>, vector<16xf32>,
                %get3A_469 = arith.constant 1 : i32
                %get3A_470 = arith.index_cast %get3A_469 : i32 to index
                %get3A_471 = arith.index_cast %add3A_462 : i32 to index
                %get3A_472 = tpu.vector_load %arg12[%get3A_470, %get3A_471] {strides = array<i32>} : memref<2x4096xf32, #tpu.memory_space<vmem>>, vector<16xf32>,
                %sub3A_473 = vector.broadcast %squeeze3A : f32 to vector<16xf32>
                %sub3A_474 = arith.subf %get3A_468, %sub3A_473 : vector<16xf32>
                %sub3A_475 = vector.broadcast %squeeze3A_94 : f32 to vector<16xf32>
                %sub3A_476 = arith.subf %get3A_472, %sub3A_475 : vector<16xf32>
                %mul3A_477 = arith.mulf %sub3A_474, %sub3A_474 : vector<16xf32>
                %mul3A_478 = arith.mulf %sub3A_476, %sub3A_476 : vector<16xf32>
                %add3A_479 = arith.addf %mul3A_477, %mul3A_478 : vector<16xf32>
                %le3A_480 = vector.broadcast %squeeze3A_98 : f32 to vector<16xf32>
                %le3A_481 = arith.cmpf ole, %add3A_479, %le3A_480 : vector<16xf32>
                %select_n3A_482 = arith.select %le3A_481, %broadcast_in_dim3A_3, %broadcast_in_dim3A_1 : vector<16xi1>, vector<16xi32>
                %broadcast_in_dim3A_483 = arith.constant true
                %broadcast_in_dim3A_484 = vector.broadcast %broadcast_in_dim3A_483 : i1 to vector<16xi1>
                %masked_cumsum3A_485 = tpu.scan <sum>, %select_n3A_482 masked %broadcast_in_dim3A_484 : vector<16xi32>, vector<16xi1> -> vector<16xi32>
                %add3A_486 = arith.addi %add3A_458, %masked_cumsum3A_485 : vector<16xi32>
                %add3A_487 = vector.broadcast %mul3A_222 : i32 to vector<16xi32>
                %add3A_488 = arith.addi %add3A_487, %add3A_464 : vector<16xi32>
                tpu.vector_store_idx %arg19[%add3A_486], %add3A_488 masked %le3A_481 : memref<384xi32, #tpu.memory_space<vmem>>[vector<16xi32>], vector<16xi32>, vector<16xi1>
                %all_reduce_population_count3A_489 = tpu.all_reduce %le3A_481 {dim = 0 : i64, kind = #tpu.reduction_kind<sum>} : vector<16xi1> -> vector<16xi32>
                %add3A_490 = arith.addi %add3A_458, %all_reduce_population_count3A_489 : vector<16xi32>
                %mul3A_491 = arith.constant 256 : i32
                %mul3A_492 = arith.muli %while3A_237, %mul3A_491 : i32
                %add3A_493 = arith.constant 128 : i32
                %add3A_494 = arith.addi %mul3A_492, %add3A_493 : i32
                %add3A_495 = vector.broadcast %add3A_494 : i32 to vector<16xi32>
                %add3A_496 = arith.addi %add3A_495, %iota3A : vector<16xi32>
                %get3A_497 = arith.constant 0 : i32
                %get3A_498 = arith.index_cast %get3A_497 : i32 to index
                %get3A_499 = arith.index_cast %add3A_494 : i32 to index
                %get3A_500 = tpu.vector_load %arg12[%get3A_498, %get3A_499] {strides = array<i32>} : memref<2x4096xf32, #tpu.memory_space<vmem>>, vector<16xf32>,
                %get3A_501 = arith.constant 1 : i32
                %get3A_502 = arith.index_cast %get3A_501 : i32 to index
                %get3A_503 = arith.index_cast %add3A_494 : i32 to index
                %get3A_504 = tpu.vector_load %arg12[%get3A_502, %get3A_503] {strides = array<i32>} : memref<2x4096xf32, #tpu.memory_space<vmem>>, vector<16xf32>,
                %sub3A_505 = vector.broadcast %squeeze3A : f32 to vector<16xf32>
                %sub3A_506 = arith.subf %get3A_500, %sub3A_505 : vector<16xf32>
                %sub3A_507 = vector.broadcast %squeeze3A_94 : f32 to vector<16xf32>
                %sub3A_508 = arith.subf %get3A_504, %sub3A_507 : vector<16xf32>
                %mul3A_509 = arith.mulf %sub3A_506, %sub3A_506 : vector<16xf32>
                %mul3A_510 = arith.mulf %sub3A_508, %sub3A_508 : vector<16xf32>
                %add3A_511 = arith.addf %mul3A_509, %mul3A_510 : vector<16xf32>
                %le3A_512 = vector.broadcast %squeeze3A_98 : f32 to vector<16xf32>
                %le3A_513 = arith.cmpf ole, %add3A_511, %le3A_512 : vector<16xf32>
                %select_n3A_514 = arith.select %le3A_513, %broadcast_in_dim3A_3, %broadcast_in_dim3A_1 : vector<16xi1>, vector<16xi32>
                %broadcast_in_dim3A_515 = arith.constant true
                %broadcast_in_dim3A_516 = vector.broadcast %broadcast_in_dim3A_515 : i1 to vector<16xi1>
                %masked_cumsum3A_517 = tpu.scan <sum>, %select_n3A_514 masked %broadcast_in_dim3A_516 : vector<16xi32>, vector<16xi1> -> vector<16xi32>
                %add3A_518 = arith.addi %add3A_490, %masked_cumsum3A_517 : vector<16xi32>
                %add3A_519 = vector.broadcast %mul3A_222 : i32 to vector<16xi32>
                %add3A_520 = arith.addi %add3A_519, %add3A_496 : vector<16xi32>
                tpu.vector_store_idx %arg19[%add3A_518], %add3A_520 masked %le3A_513 : memref<384xi32, #tpu.memory_space<vmem>>[vector<16xi32>], vector<16xi32>, vector<16xi1>
                %all_reduce_population_count3A_521 = tpu.all_reduce %le3A_513 {dim = 0 : i64, kind = #tpu.reduction_kind<sum>} : vector<16xi1> -> vector<16xi32>
                %add3A_522 = arith.addi %add3A_490, %all_reduce_population_count3A_521 : vector<16xi32>
                %mul3A_523 = arith.constant 256 : i32
                %mul3A_524 = arith.muli %while3A_237, %mul3A_523 : i32
                %add3A_525 = arith.constant 144 : i32
                %add3A_526 = arith.addi %mul3A_524, %add3A_525 : i32
                %add3A_527 = vector.broadcast %add3A_526 : i32 to vector<16xi32>
                %add3A_528 = arith.addi %add3A_527, %iota3A : vector<16xi32>
                %get3A_529 = arith.constant 0 : i32
                %get3A_530 = arith.index_cast %get3A_529 : i32 to index
                %get3A_531 = arith.index_cast %add3A_526 : i32 to index
                %get3A_532 = tpu.vector_load %arg12[%get3A_530, %get3A_531] {strides = array<i32>} : memref<2x4096xf32, #tpu.memory_space<vmem>>, vector<16xf32>,
                %get3A_533 = arith.constant 1 : i32
                %get3A_534 = arith.index_cast %get3A_533 : i32 to index
                %get3A_535 = arith.index_cast %add3A_526 : i32 to index
                %get3A_536 = tpu.vector_load %arg12[%get3A_534, %get3A_535] {strides = array<i32>} : memref<2x4096xf32, #tpu.memory_space<vmem>>, vector<16xf32>,
                %sub3A_537 = vector.broadcast %squeeze3A : f32 to vector<16xf32>
                %sub3A_538 = arith.subf %get3A_532, %sub3A_537 : vector<16xf32>
                %sub3A_539 = vector.broadcast %squeeze3A_94 : f32 to vector<16xf32>
                %sub3A_540 = arith.subf %get3A_536, %sub3A_539 : vector<16xf32>
                %mul3A_541 = arith.mulf %sub3A_538, %sub3A_538 : vector<16xf32>
                %mul3A_542 = arith.mulf %sub3A_540, %sub3A_540 : vector<16xf32>
                %add3A_543 = arith.addf %mul3A_541, %mul3A_542 : vector<16xf32>
                %le3A_544 = vector.broadcast %squeeze3A_98 : f32 to vector<16xf32>
                %le3A_545 = arith.cmpf ole, %add3A_543, %le3A_544 : vector<16xf32>
                %select_n3A_546 = arith.select %le3A_545, %broadcast_in_dim3A_3, %broadcast_in_dim3A_1 : vector<16xi1>, vector<16xi32>
                %broadcast_in_dim3A_547 = arith.constant true
                %broadcast_in_dim3A_548 = vector.broadcast %broadcast_in_dim3A_547 : i1 to vector<16xi1>
                %masked_cumsum3A_549 = tpu.scan <sum>, %select_n3A_546 masked %broadcast_in_dim3A_548 : vector<16xi32>, vector<16xi1> -> vector<16xi32>
                %add3A_550 = arith.addi %add3A_522, %masked_cumsum3A_549 : vector<16xi32>
                %add3A_551 = vector.broadcast %mul3A_222 : i32 to vector<16xi32>
                %add3A_552 = arith.addi %add3A_551, %add3A_528 : vector<16xi32>
                tpu.vector_store_idx %arg19[%add3A_550], %add3A_552 masked %le3A_545 : memref<384xi32, #tpu.memory_space<vmem>>[vector<16xi32>], vector<16xi32>, vector<16xi1>
                %all_reduce_population_count3A_553 = tpu.all_reduce %le3A_545 {dim = 0 : i64, kind = #tpu.reduction_kind<sum>} : vector<16xi1> -> vector<16xi32>
                %add3A_554 = arith.addi %add3A_522, %all_reduce_population_count3A_553 : vector<16xi32>
                %mul3A_555 = arith.constant 256 : i32
                %mul3A_556 = arith.muli %while3A_237, %mul3A_555 : i32
                %add3A_557 = arith.constant 160 : i32
                %add3A_558 = arith.addi %mul3A_556, %add3A_557 : i32
                %add3A_559 = vector.broadcast %add3A_558 : i32 to vector<16xi32>
                %add3A_560 = arith.addi %add3A_559, %iota3A : vector<16xi32>
                %get3A_561 = arith.constant 0 : i32
                %get3A_562 = arith.index_cast %get3A_561 : i32 to index
                %get3A_563 = arith.index_cast %add3A_558 : i32 to index
                %get3A_564 = tpu.vector_load %arg12[%get3A_562, %get3A_563] {strides = array<i32>} : memref<2x4096xf32, #tpu.memory_space<vmem>>, vector<16xf32>,
                %get3A_565 = arith.constant 1 : i32
                %get3A_566 = arith.index_cast %get3A_565 : i32 to index
                %get3A_567 = arith.index_cast %add3A_558 : i32 to index
                %get3A_568 = tpu.vector_load %arg12[%get3A_566, %get3A_567] {strides = array<i32>} : memref<2x4096xf32, #tpu.memory_space<vmem>>, vector<16xf32>,
                %sub3A_569 = vector.broadcast %squeeze3A : f32 to vector<16xf32>
                %sub3A_570 = arith.subf %get3A_564, %sub3A_569 : vector<16xf32>
                %sub3A_571 = vector.broadcast %squeeze3A_94 : f32 to vector<16xf32>
                %sub3A_572 = arith.subf %get3A_568, %sub3A_571 : vector<16xf32>
                %mul3A_573 = arith.mulf %sub3A_570, %sub3A_570 : vector<16xf32>
                %mul3A_574 = arith.mulf %sub3A_572, %sub3A_572 : vector<16xf32>
                %add3A_575 = arith.addf %mul3A_573, %mul3A_574 : vector<16xf32>
                %le3A_576 = vector.broadcast %squeeze3A_98 : f32 to vector<16xf32>
                %le3A_577 = arith.cmpf ole, %add3A_575, %le3A_576 : vector<16xf32>
                %select_n3A_578 = arith.select %le3A_577, %broadcast_in_dim3A_3, %broadcast_in_dim3A_1 : vector<16xi1>, vector<16xi32>
                %broadcast_in_dim3A_579 = arith.constant true
                %broadcast_in_dim3A_580 = vector.broadcast %broadcast_in_dim3A_579 : i1 to vector<16xi1>
                %masked_cumsum3A_581 = tpu.scan <sum>, %select_n3A_578 masked %broadcast_in_dim3A_580 : vector<16xi32>, vector<16xi1> -> vector<16xi32>
                %add3A_582 = arith.addi %add3A_554, %masked_cumsum3A_581 : vector<16xi32>
                %add3A_583 = vector.broadcast %mul3A_222 : i32 to vector<16xi32>
                %add3A_584 = arith.addi %add3A_583, %add3A_560 : vector<16xi32>
                tpu.vector_store_idx %arg19[%add3A_582], %add3A_584 masked %le3A_577 : memref<384xi32, #tpu.memory_space<vmem>>[vector<16xi32>], vector<16xi32>, vector<16xi1>
                %all_reduce_population_count3A_585 = tpu.all_reduce %le3A_577 {dim = 0 : i64, kind = #tpu.reduction_kind<sum>} : vector<16xi1> -> vector<16xi32>
                %add3A_586 = arith.addi %add3A_554, %all_reduce_population_count3A_585 : vector<16xi32>
                %mul3A_587 = arith.constant 256 : i32
                %mul3A_588 = arith.muli %while3A_237, %mul3A_587 : i32
                %add3A_589 = arith.constant 176 : i32
                %add3A_590 = arith.addi %mul3A_588, %add3A_589 : i32
                %add3A_591 = vector.broadcast %add3A_590 : i32 to vector<16xi32>
                %add3A_592 = arith.addi %add3A_591, %iota3A : vector<16xi32>
                %get3A_593 = arith.constant 0 : i32
                %get3A_594 = arith.index_cast %get3A_593 : i32 to index
                %get3A_595 = arith.index_cast %add3A_590 : i32 to index
                %get3A_596 = tpu.vector_load %arg12[%get3A_594, %get3A_595] {strides = array<i32>} : memref<2x4096xf32, #tpu.memory_space<vmem>>, vector<16xf32>,
                %get3A_597 = arith.constant 1 : i32
                %get3A_598 = arith.index_cast %get3A_597 : i32 to index
                %get3A_599 = arith.index_cast %add3A_590 : i32 to index
                %get3A_600 = tpu.vector_load %arg12[%get3A_598, %get3A_599] {strides = array<i32>} : memref<2x4096xf32, #tpu.memory_space<vmem>>, vector<16xf32>,
                %sub3A_601 = vector.broadcast %squeeze3A : f32 to vector<16xf32>
                %sub3A_602 = arith.subf %get3A_596, %sub3A_601 : vector<16xf32>
                %sub3A_603 = vector.broadcast %squeeze3A_94 : f32 to vector<16xf32>
                %sub3A_604 = arith.subf %get3A_600, %sub3A_603 : vector<16xf32>
                %mul3A_605 = arith.mulf %sub3A_602, %sub3A_602 : vector<16xf32>
                %mul3A_606 = arith.mulf %sub3A_604, %sub3A_604 : vector<16xf32>
                %add3A_607 = arith.addf %mul3A_605, %mul3A_606 : vector<16xf32>
                %le3A_608 = vector.broadcast %squeeze3A_98 : f32 to vector<16xf32>
                %le3A_609 = arith.cmpf ole, %add3A_607, %le3A_608 : vector<16xf32>
                %select_n3A_610 = arith.select %le3A_609, %broadcast_in_dim3A_3, %broadcast_in_dim3A_1 : vector<16xi1>, vector<16xi32>
                %broadcast_in_dim3A_611 = arith.constant true
                %broadcast_in_dim3A_612 = vector.broadcast %broadcast_in_dim3A_611 : i1 to vector<16xi1>
                %masked_cumsum3A_613 = tpu.scan <sum>, %select_n3A_610 masked %broadcast_in_dim3A_612 : vector<16xi32>, vector<16xi1> -> vector<16xi32>
                %add3A_614 = arith.addi %add3A_586, %masked_cumsum3A_613 : vector<16xi32>
                %add3A_615 = vector.broadcast %mul3A_222 : i32 to vector<16xi32>
                %add3A_616 = arith.addi %add3A_615, %add3A_592 : vector<16xi32>
                tpu.vector_store_idx %arg19[%add3A_614], %add3A_616 masked %le3A_609 : memref<384xi32, #tpu.memory_space<vmem>>[vector<16xi32>], vector<16xi32>, vector<16xi1>
                %all_reduce_population_count3A_617 = tpu.all_reduce %le3A_609 {dim = 0 : i64, kind = #tpu.reduction_kind<sum>} : vector<16xi1> -> vector<16xi32>
                %add3A_618 = arith.addi %add3A_586, %all_reduce_population_count3A_617 : vector<16xi32>
                %mul3A_619 = arith.constant 256 : i32
                %mul3A_620 = arith.muli %while3A_237, %mul3A_619 : i32
                %add3A_621 = arith.constant 192 : i32
                %add3A_622 = arith.addi %mul3A_620, %add3A_621 : i32
                %add3A_623 = vector.broadcast %add3A_622 : i32 to vector<16xi32>
                %add3A_624 = arith.addi %add3A_623, %iota3A : vector<16xi32>
                %get3A_625 = arith.constant 0 : i32
                %get3A_626 = arith.index_cast %get3A_625 : i32 to index
                %get3A_627 = arith.index_cast %add3A_622 : i32 to index
                %get3A_628 = tpu.vector_load %arg12[%get3A_626, %get3A_627] {strides = array<i32>} : memref<2x4096xf32, #tpu.memory_space<vmem>>, vector<16xf32>,
                %get3A_629 = arith.constant 1 : i32
                %get3A_630 = arith.index_cast %get3A_629 : i32 to index
                %get3A_631 = arith.index_cast %add3A_622 : i32 to index
                %get3A_632 = tpu.vector_load %arg12[%get3A_630, %get3A_631] {strides = array<i32>} : memref<2x4096xf32, #tpu.memory_space<vmem>>, vector<16xf32>,
                %sub3A_633 = vector.broadcast %squeeze3A : f32 to vector<16xf32>
                %sub3A_634 = arith.subf %get3A_628, %sub3A_633 : vector<16xf32>
                %sub3A_635 = vector.broadcast %squeeze3A_94 : f32 to vector<16xf32>
                %sub3A_636 = arith.subf %get3A_632, %sub3A_635 : vector<16xf32>
                %mul3A_637 = arith.mulf %sub3A_634, %sub3A_634 : vector<16xf32>
                %mul3A_638 = arith.mulf %sub3A_636, %sub3A_636 : vector<16xf32>
                %add3A_639 = arith.addf %mul3A_637, %mul3A_638 : vector<16xf32>
                %le3A_640 = vector.broadcast %squeeze3A_98 : f32 to vector<16xf32>
                %le3A_641 = arith.cmpf ole, %add3A_639, %le3A_640 : vector<16xf32>
                %select_n3A_642 = arith.select %le3A_641, %broadcast_in_dim3A_3, %broadcast_in_dim3A_1 : vector<16xi1>, vector<16xi32>
                %broadcast_in_dim3A_643 = arith.constant true
                %broadcast_in_dim3A_644 = vector.broadcast %broadcast_in_dim3A_643 : i1 to vector<16xi1>
                %masked_cumsum3A_645 = tpu.scan <sum>, %select_n3A_642 masked %broadcast_in_dim3A_644 : vector<16xi32>, vector<16xi1> -> vector<16xi32>
                %add3A_646 = arith.addi %add3A_618, %masked_cumsum3A_645 : vector<16xi32>
                %add3A_647 = vector.broadcast %mul3A_222 : i32 to vector<16xi32>
                %add3A_648 = arith.addi %add3A_647, %add3A_624 : vector<16xi32>
                tpu.vector_store_idx %arg19[%add3A_646], %add3A_648 masked %le3A_641 : memref<384xi32, #tpu.memory_space<vmem>>[vector<16xi32>], vector<16xi32>, vector<16xi1>
                %all_reduce_population_count3A_649 = tpu.all_reduce %le3A_641 {dim = 0 : i64, kind = #tpu.reduction_kind<sum>} : vector<16xi1> -> vector<16xi32>
                %add3A_650 = arith.addi %add3A_618, %all_reduce_population_count3A_649 : vector<16xi32>
                %mul3A_651 = arith.constant 256 : i32
                %mul3A_652 = arith.muli %while3A_237, %mul3A_651 : i32
                %add3A_653 = arith.constant 208 : i32
                %add3A_654 = arith.addi %mul3A_652, %add3A_653 : i32
                %add3A_655 = vector.broadcast %add3A_654 : i32 to vector<16xi32>
                %add3A_656 = arith.addi %add3A_655, %iota3A : vector<16xi32>
                %get3A_657 = arith.constant 0 : i32
                %get3A_658 = arith.index_cast %get3A_657 : i32 to index
                %get3A_659 = arith.index_cast %add3A_654 : i32 to index
                %get3A_660 = tpu.vector_load %arg12[%get3A_658, %get3A_659] {strides = array<i32>} : memref<2x4096xf32, #tpu.memory_space<vmem>>, vector<16xf32>,
                %get3A_661 = arith.constant 1 : i32
                %get3A_662 = arith.index_cast %get3A_661 : i32 to index
                %get3A_663 = arith.index_cast %add3A_654 : i32 to index
                %get3A_664 = tpu.vector_load %arg12[%get3A_662, %get3A_663] {strides = array<i32>} : memref<2x4096xf32, #tpu.memory_space<vmem>>, vector<16xf32>,
                %sub3A_665 = vector.broadcast %squeeze3A : f32 to vector<16xf32>
                %sub3A_666 = arith.subf %get3A_660, %sub3A_665 : vector<16xf32>
                %sub3A_667 = vector.broadcast %squeeze3A_94 : f32 to vector<16xf32>
                %sub3A_668 = arith.subf %get3A_664, %sub3A_667 : vector<16xf32>
                %mul3A_669 = arith.mulf %sub3A_666, %sub3A_666 : vector<16xf32>
                %mul3A_670 = arith.mulf %sub3A_668, %sub3A_668 : vector<16xf32>
                %add3A_671 = arith.addf %mul3A_669, %mul3A_670 : vector<16xf32>
                %le3A_672 = vector.broadcast %squeeze3A_98 : f32 to vector<16xf32>
                %le3A_673 = arith.cmpf ole, %add3A_671, %le3A_672 : vector<16xf32>
                %select_n3A_674 = arith.select %le3A_673, %broadcast_in_dim3A_3, %broadcast_in_dim3A_1 : vector<16xi1>, vector<16xi32>
                %broadcast_in_dim3A_675 = arith.constant true
                %broadcast_in_dim3A_676 = vector.broadcast %broadcast_in_dim3A_675 : i1 to vector<16xi1>
                %masked_cumsum3A_677 = tpu.scan <sum>, %select_n3A_674 masked %broadcast_in_dim3A_676 : vector<16xi32>, vector<16xi1> -> vector<16xi32>
                %add3A_678 = arith.addi %add3A_650, %masked_cumsum3A_677 : vector<16xi32>
                %add3A_679 = vector.broadcast %mul3A_222 : i32 to vector<16xi32>
                %add3A_680 = arith.addi %add3A_679, %add3A_656 : vector<16xi32>
                tpu.vector_store_idx %arg19[%add3A_678], %add3A_680 masked %le3A_673 : memref<384xi32, #tpu.memory_space<vmem>>[vector<16xi32>], vector<16xi32>, vector<16xi1>
                %all_reduce_population_count3A_681 = tpu.all_reduce %le3A_673 {dim = 0 : i64, kind = #tpu.reduction_kind<sum>} : vector<16xi1> -> vector<16xi32>
                %add3A_682 = arith.addi %add3A_650, %all_reduce_population_count3A_681 : vector<16xi32>
                %mul3A_683 = arith.constant 256 : i32
                %mul3A_684 = arith.muli %while3A_237, %mul3A_683 : i32
                %add3A_685 = arith.constant 224 : i32
                %add3A_686 = arith.addi %mul3A_684, %add3A_685 : i32
                %add3A_687 = vector.broadcast %add3A_686 : i32 to vector<16xi32>
                %add3A_688 = arith.addi %add3A_687, %iota3A : vector<16xi32>
                %get3A_689 = arith.constant 0 : i32
                %get3A_690 = arith.index_cast %get3A_689 : i32 to index
                %get3A_691 = arith.index_cast %add3A_686 : i32 to index
                %get3A_692 = tpu.vector_load %arg12[%get3A_690, %get3A_691] {strides = array<i32>} : memref<2x4096xf32, #tpu.memory_space<vmem>>, vector<16xf32>,
                %get3A_693 = arith.constant 1 : i32
                %get3A_694 = arith.index_cast %get3A_693 : i32 to index
                %get3A_695 = arith.index_cast %add3A_686 : i32 to index
                %get3A_696 = tpu.vector_load %arg12[%get3A_694, %get3A_695] {strides = array<i32>} : memref<2x4096xf32, #tpu.memory_space<vmem>>, vector<16xf32>,
                %sub3A_697 = vector.broadcast %squeeze3A : f32 to vector<16xf32>
                %sub3A_698 = arith.subf %get3A_692, %sub3A_697 : vector<16xf32>
                %sub3A_699 = vector.broadcast %squeeze3A_94 : f32 to vector<16xf32>
                %sub3A_700 = arith.subf %get3A_696, %sub3A_699 : vector<16xf32>
                %mul3A_701 = arith.mulf %sub3A_698, %sub3A_698 : vector<16xf32>
                %mul3A_702 = arith.mulf %sub3A_700, %sub3A_700 : vector<16xf32>
                %add3A_703 = arith.addf %mul3A_701, %mul3A_702 : vector<16xf32>
                %le3A_704 = vector.broadcast %squeeze3A_98 : f32 to vector<16xf32>
                %le3A_705 = arith.cmpf ole, %add3A_703, %le3A_704 : vector<16xf32>
                %select_n3A_706 = arith.select %le3A_705, %broadcast_in_dim3A_3, %broadcast_in_dim3A_1 : vector<16xi1>, vector<16xi32>
                %broadcast_in_dim3A_707 = arith.constant true
                %broadcast_in_dim3A_708 = vector.broadcast %broadcast_in_dim3A_707 : i1 to vector<16xi1>
                %masked_cumsum3A_709 = tpu.scan <sum>, %select_n3A_706 masked %broadcast_in_dim3A_708 : vector<16xi32>, vector<16xi1> -> vector<16xi32>
                %add3A_710 = arith.addi %add3A_682, %masked_cumsum3A_709 : vector<16xi32>
                %add3A_711 = vector.broadcast %mul3A_222 : i32 to vector<16xi32>
                %add3A_712 = arith.addi %add3A_711, %add3A_688 : vector<16xi32>
                tpu.vector_store_idx %arg19[%add3A_710], %add3A_712 masked %le3A_705 : memref<384xi32, #tpu.memory_space<vmem>>[vector<16xi32>], vector<16xi32>, vector<16xi1>
                %all_reduce_population_count3A_713 = tpu.all_reduce %le3A_705 {dim = 0 : i64, kind = #tpu.reduction_kind<sum>} : vector<16xi1> -> vector<16xi32>
                %add3A_714 = arith.addi %add3A_682, %all_reduce_population_count3A_713 : vector<16xi32>
                %mul3A_715 = arith.constant 256 : i32
                %mul3A_716 = arith.muli %while3A_237, %mul3A_715 : i32
                %add3A_717 = arith.constant 240 : i32
                %add3A_718 = arith.addi %mul3A_716, %add3A_717 : i32
                %add3A_719 = vector.broadcast %add3A_718 : i32 to vector<16xi32>
                %add3A_720 = arith.addi %add3A_719, %iota3A : vector<16xi32>
                %get3A_721 = arith.constant 0 : i32
                %get3A_722 = arith.index_cast %get3A_721 : i32 to index
                %get3A_723 = arith.index_cast %add3A_718 : i32 to index
                %get3A_724 = tpu.vector_load %arg12[%get3A_722, %get3A_723] {strides = array<i32>} : memref<2x4096xf32, #tpu.memory_space<vmem>>, vector<16xf32>,
                %get3A_725 = arith.constant 1 : i32
                %get3A_726 = arith.index_cast %get3A_725 : i32 to index
                %get3A_727 = arith.index_cast %add3A_718 : i32 to index
                %get3A_728 = tpu.vector_load %arg12[%get3A_726, %get3A_727] {strides = array<i32>} : memref<2x4096xf32, #tpu.memory_space<vmem>>, vector<16xf32>,
                %sub3A_729 = vector.broadcast %squeeze3A : f32 to vector<16xf32>
                %sub3A_730 = arith.subf %get3A_724, %sub3A_729 : vector<16xf32>
                %sub3A_731 = vector.broadcast %squeeze3A_94 : f32 to vector<16xf32>
                %sub3A_732 = arith.subf %get3A_728, %sub3A_731 : vector<16xf32>
                %mul3A_733 = arith.mulf %sub3A_730, %sub3A_730 : vector<16xf32>
                %mul3A_734 = arith.mulf %sub3A_732, %sub3A_732 : vector<16xf32>
                %add3A_735 = arith.addf %mul3A_733, %mul3A_734 : vector<16xf32>
                %le3A_736 = vector.broadcast %squeeze3A_98 : f32 to vector<16xf32>
                %le3A_737 = arith.cmpf ole, %add3A_735, %le3A_736 : vector<16xf32>
                %select_n3A_738 = arith.select %le3A_737, %broadcast_in_dim3A_3, %broadcast_in_dim3A_1 : vector<16xi1>, vector<16xi32>
                %broadcast_in_dim3A_739 = arith.constant true
                %broadcast_in_dim3A_740 = vector.broadcast %broadcast_in_dim3A_739 : i1 to vector<16xi1>
                %masked_cumsum3A_741 = tpu.scan <sum>, %select_n3A_738 masked %broadcast_in_dim3A_740 : vector<16xi32>, vector<16xi1> -> vector<16xi32>
                %add3A_742 = arith.addi %add3A_714, %masked_cumsum3A_741 : vector<16xi32>
                %add3A_743 = vector.broadcast %mul3A_222 : i32 to vector<16xi32>
                %add3A_744 = arith.addi %add3A_743, %add3A_720 : vector<16xi32>
                tpu.vector_store_idx %arg19[%add3A_742], %add3A_744 masked %le3A_737 : memref<384xi32, #tpu.memory_space<vmem>>[vector<16xi32>], vector<16xi32>, vector<16xi1>
                %all_reduce_population_count3A_745 = tpu.all_reduce %le3A_737 {dim = 0 : i64, kind = #tpu.reduction_kind<sum>} : vector<16xi1> -> vector<16xi32>
                %add3A_746 = arith.addi %add3A_714, %all_reduce_population_count3A_745 : vector<16xi32>
                %add3A_747 = arith.constant 1 : i32
                %add3A_748 = arith.addi %while3A_237, %add3A_747 : i32
                scf.yield %add3A_748, %add3A_746 : i32, vector<16xi32>
              }
              %slice3A_230 = vector.extract_strided_slice %while3A_229#1 {offsets = [0], sizes = [1], strides = [1]} : vector<16xi32> to vector<1xi32>
              %squeeze3A_231 = vector.extract %slice3A_230[0] : i32 from vector<1xi32>
              %add3A_232 = arith.constant 1 : i32
              %add3A_233 = arith.addi %squeeze3A_231, %add3A_232 : i32
              %swap3A_234 = arith.constant 0 : i32
              %swap3A_235 = arith.index_cast %swap3A_234 : i32 to index
              %swap3A_236 = memref.load %arg22[%swap3A_235] : memref<1xi32, #tpu.memory_space<smem>>
              memref.store %add3A_233, %arg22[%swap3A_235] : memref<1xi32, #tpu.memory_space<smem>>
            } else {
            }
            %not3A_192 = arith.constant true
            %not3A_193 = arith.xori %lt3A_183, %not3A_192 : i1
            %get3A_194 = arith.constant 0 : i32
            %get3A_195 = arith.index_cast %get3A_194 : i32 to index
            %get3A_196 = memref.load %arg23[%get3A_195] : memref<1xi32, #tpu.memory_space<smem>>
            %eq3A_197 = arith.cmpi eq, %get3A_196, %add3A_178 : i32
            %and3A_198 = arith.andi %not3A_193, %eq3A_197 : i1
            %convert_element_type3A_199 = arith.extui %and3A_198 : i1 to i32
            %cond3A_200 = arith.constant 0 : i32
            %cond3A_201 = arith.cmpi ne, %convert_element_type3A_199, %cond3A_200 : i32
            scf.if %cond3A_201 {
              %dma_wait3A = arith.constant 0 : i32
              %dma_wait3A_202 = arith.constant 0 : i32
              %dma_wait3A_203 = tpu.memref_slice %arg10[%add3A_178, %dma_wait3A, %dma_wait3A_202] : memref<32x2x4096xf32, #tpu.memory_space<vmem_shared>> -> memref<1x2x4096xf32, #tpu.memory_space<vmem_shared>>
              %dma_wait3A_204 = tpu.memref_squeeze %dma_wait3A_203 : memref<1x2x4096xf32, #tpu.memory_space<vmem_shared>> -> memref<2x4096xf32, #tpu.memory_space<vmem_shared>>
              %dma_wait3A_205 = arith.constant 0 : i32
              %dma_wait3A_206 = arith.constant 0 : i32
              %dma_wait3A_207 = tpu.memref_slice %arg10[%add3A_178, %dma_wait3A_205, %dma_wait3A_206] : memref<32x2x4096xf32, #tpu.memory_space<vmem_shared>> -> memref<1x2x4096xf32, #tpu.memory_space<vmem_shared>>
              %dma_wait3A_208 = tpu.memref_squeeze %dma_wait3A_207 : memref<1x2x4096xf32, #tpu.memory_space<vmem_shared>> -> memref<2x4096xf32, #tpu.memory_space<vmem_shared>>
              tpu.wait_dma2 semaphore(%arg27 : memref<!tpu.dma_semaphore, #tpu.memory_space<semaphore_mem>>) src(%dma_wait3A_208 : memref<2x4096xf32, #tpu.memory_space<vmem_shared>>) dst(%arg12 : memref<2x4096xf32, #tpu.memory_space<vmem>>)
              %swap3A_209 = arith.constant -1 : i32
              %swap3A_210 = arith.constant 0 : i32
              %swap3A_211 = arith.index_cast %swap3A_210 : i32 to index
              %swap3A_212 = memref.load %arg23[%swap3A_211] : memref<1xi32, #tpu.memory_space<smem>>
              memref.store %swap3A_209, %arg23[%swap3A_211] : memref<1xi32, #tpu.memory_space<smem>>
            } else {
            }
          }
          %scan3A_126 = arith.constant 16 : i32
          %scan3A_127 = arith.constant 0 : i32
          %scan3A_128 = arith.constant 0 : i32
          %scan3A_129 = arith.constant 8 : i32
          %scan3A_130 = arith.addi %scan3A_128, %scan3A_129 : i32
          %scan3A_131 = arith.constant 1 : i32
          scf.for %scan3A_151 = %scan3A_128 to %scan3A_130 step %scan3A_131  : i32 {
            %mul3A_152 = arith.constant 16 : i32
            %mul3A_153 = arith.muli %scan3A_151, %mul3A_152 : i32
            %get3A_154 = arith.index_cast %mul3A_153 : i32 to index
            %get3A_155 = tpu.vector_load %arg19[%get3A_154] {strides = array<i32>} : memref<384xi32, #tpu.memory_space<vmem>>, vector<16xi32>,
            %mul3A_156 = arith.constant 16 : i32
            %mul3A_157 = arith.muli %scan3A_151, %mul3A_156 : i32
            %swap3A_158 = arith.index_cast %mul3A_157 : i32 to index
            %swap3A_159 = tpu.vector_load %arg20[%swap3A_158] {strides = array<i32>} : memref<128xi32, #tpu.memory_space<vmem>>, vector<16xi32>,
            tpu.vector_store %arg20[%swap3A_158], %get3A_155 {strides = array<i32>} : memref<128xi32, #tpu.memory_space<vmem>>, vector<16xi32>,
          }
          %scan3A_132 = arith.constant 8 : i32
          %eq3A_133 = arith.constant 0 : i32
          %eq3A_134 = arith.cmpi eq, %arg0, %eq3A_133 : i32
          %convert_element_type3A_135 = arith.extui %eq3A_134 : i1 to i32
          %cond3A_136 = arith.constant 0 : i32
          %cond3A_137 = arith.cmpi ne, %convert_element_type3A_135, %cond3A_136 : i32
          scf.if %cond3A_137 {
            %dma_start3A_151 = arith.constant 0 : i32
            %dma_start3A_152 = arith.constant 0 : i32
            %dma_start3A_153 = tpu.memref_slice %arg7[%dma_start3A_151, %dma_start3A_152] : memref<131072x8xf32, #tpu.memory_space<hbm>> -> memref<131072x8xf32, #tpu.memory_space<hbm>>
            tpu.enqueue_indirect_dma source(%dma_start3A_153 : memref<131072x8xf32, #tpu.memory_space<hbm>>) target(%arg21 : memref<128x8xf32, #tpu.memory_space<vmem>>) offsets(%arg20 : memref<128xi32, #tpu.memory_space<vmem>>) semaphore(%arg26 : memref<!tpu.dma_semaphore, #tpu.memory_space<semaphore_mem>>)
            %dma_wait3A = arith.constant 0 : i32
            %dma_wait3A_154 = arith.constant 0 : i32
            %dma_wait3A_155 = tpu.memref_slice %arg7[%dma_wait3A, %dma_wait3A_154] : memref<131072x8xf32, #tpu.memory_space<hbm>> -> memref<131072x8xf32, #tpu.memory_space<hbm>>
            tpu.wait_indirect_dma semaphore(%arg26 : memref<!tpu.dma_semaphore, #tpu.memory_space<semaphore_mem>>) src(%dma_wait3A_155 : memref<131072x8xf32, #tpu.memory_space<hbm>>) dst(%arg21 : memref<128x8xf32, #tpu.memory_space<vmem>>)
          } else {
          }
          %eq3A_138 = arith.constant 1 : i32
          %eq3A_139 = arith.cmpi eq, %arg0, %eq3A_138 : i32
          %convert_element_type3A_140 = arith.extui %eq3A_139 : i1 to i32
          %cond3A_141 = arith.constant 0 : i32
          %cond3A_142 = arith.cmpi ne, %convert_element_type3A_140, %cond3A_141 : i32
          scf.if %cond3A_142 {
            %dma_start3A_151 = arith.constant 0 : i32
            %dma_start3A_152 = arith.constant 0 : i32
            %dma_start3A_153 = tpu.memref_slice %arg8[%dma_start3A_151, %dma_start3A_152] : memref<131072x8xf32, #tpu.memory_space<hbm>> -> memref<131072x8xf32, #tpu.memory_space<hbm>>
            tpu.enqueue_indirect_dma source(%dma_start3A_153 : memref<131072x8xf32, #tpu.memory_space<hbm>>) target(%arg21 : memref<128x8xf32, #tpu.memory_space<vmem>>) offsets(%arg20 : memref<128xi32, #tpu.memory_space<vmem>>) semaphore(%arg26 : memref<!tpu.dma_semaphore, #tpu.memory_space<semaphore_mem>>)
            %dma_wait3A = arith.constant 0 : i32
            %dma_wait3A_154 = arith.constant 0 : i32
            %dma_wait3A_155 = tpu.memref_slice %arg8[%dma_wait3A, %dma_wait3A_154] : memref<131072x8xf32, #tpu.memory_space<hbm>> -> memref<131072x8xf32, #tpu.memory_space<hbm>>
            tpu.wait_indirect_dma semaphore(%arg26 : memref<!tpu.dma_semaphore, #tpu.memory_space<semaphore_mem>>) src(%dma_wait3A_155 : memref<131072x8xf32, #tpu.memory_space<hbm>>) dst(%arg21 : memref<128x8xf32, #tpu.memory_space<vmem>>)
          } else {
          }
          %get3A_143 = arith.constant 0 : i32
          %get3A_144 = arith.index_cast %get3A_143 : i32 to index
          %get3A_145 = memref.load %arg22[%get3A_144] : memref<1xi32, #tpu.memory_space<smem>>
          %lt3A_146 = arith.constant 128 : i32
          %lt3A_147 = arith.cmpi slt, %get3A_145, %lt3A_146 : i32
          %convert_element_type3A_148 = arith.extui %lt3A_147 : i1 to i32
          %cond3A_149 = arith.constant 0 : i32
          %cond3A_150 = arith.cmpi ne, %convert_element_type3A_148, %cond3A_149 : i32
          scf.if %cond3A_150 {
            %mul3A_151 = arith.constant 8 : i32
            %mul3A_152 = arith.muli %get3A_145, %mul3A_151 : i32
            %add3A_153 = vector.broadcast %mul3A_152 : i32 to vector<16xi32>
            %add3A_154 = arith.addi %broadcast_in_dim3A_1, %add3A_153 : vector<16xi32>
            %scan3A_155 = arith.constant 0 : i32
            %scan3A_156 = arith.constant 0 : i32
            %scan3A_157 = arith.constant 64 : i32
            %scan3A_158 = arith.addi %scan3A_156, %scan3A_157 : i32
            %scan3A_159 = arith.constant 1 : i32
            scf.for %scan3A_161 = %scan3A_156 to %scan3A_158 step %scan3A_159  : i32 {
              %mul3A_162 = arith.constant 16 : i32
              %mul3A_163 = arith.muli %scan3A_161, %mul3A_162 : i32
              %add3A_164 = vector.broadcast %mul3A_163 : i32 to vector<16xi32>
              %add3A_165 = arith.addi %add3A_164, %iota3A : vector<16xi32>
              %ge3A_166 = arith.cmpi sge, %add3A_165, %add3A_154 : vector<16xi32>
              %shift_right_logical3A = arith.constant 3 : i32
              %shift_right_logical3A_167 = vector.broadcast %shift_right_logical3A : i32 to vector<16xi32>
              %shift_right_logical3A_168 = arith.shrui %add3A_165, %shift_right_logical3A_167 : vector<16xi32>
              %broadcast_in_dim3A_169 = arith.constant 7 : i32
              %broadcast_in_dim3A_170 = vector.broadcast %broadcast_in_dim3A_169 : i32 to vector<16xi32>
              %and3A = arith.andi %add3A_165, %broadcast_in_dim3A_170 : vector<16xi32>
              tpu.vector_store_idx %arg21[%shift_right_logical3A_168, %and3A], %broadcast_in_dim3A_57 masked %ge3A_166 : memref<128x8xf32, #tpu.memory_space<vmem>>[vector<16xi32>, vector<16xi32>], vector<16xf32>, vector<16xi1>
            }
            %scan3A_160 = arith.constant 64 : i32
          } else {
          }
          "tpu.region"() ({
            %run_scoped3A_151 = tpu.sem_alloc : memref<!tpu.dma_semaphore, #tpu.memory_space<semaphore_mem>>
            %dma_start3A_152 = arith.constant 0 : i32
            %dma_start3A_153 = arith.constant 0 : i32
            %dma_start3A_154 = tpu.memref_slice %arg21[%dma_start3A_152, %dma_start3A_153] : memref<128x8xf32, #tpu.memory_space<vmem>> -> memref<128x5xf32, #tpu.memory_space<vmem>>
            %dma_start3A_155 = arith.constant 0 : i32
            %dma_start3A_156 = arith.constant 0 : i32
            %dma_start3A_157 = tpu.memref_slice %arg6[%add3A_88, %dma_start3A_155, %dma_start3A_156] : memref<256x128x5xf32, #tpu.memory_space<hbm>> -> memref<1x128x5xf32, #tpu.memory_space<hbm>>
            %dma_start3A_158 = tpu.memref_squeeze %dma_start3A_157 : memref<1x128x5xf32, #tpu.memory_space<hbm>> -> memref<128x5xf32, #tpu.memory_space<hbm>>
            %dma_start3A_159 = arith.constant 0 : i32
            %dma_start3A_160 = arith.constant 0 : i32
            %dma_start3A_161 = tpu.memref_slice %arg6[%add3A_88, %dma_start3A_159, %dma_start3A_160] : memref<256x128x5xf32, #tpu.memory_space<hbm>> -> memref<1x128x5xf32, #tpu.memory_space<hbm>>
            %dma_start3A_162 = tpu.memref_squeeze %dma_start3A_161 : memref<1x128x5xf32, #tpu.memory_space<hbm>> -> memref<128x5xf32, #tpu.memory_space<hbm>>
            %dma_start3A_163 = arith.constant 0 : i32
            %dma_start3A_164 = arith.constant 0 : i32
            %dma_start3A_165 = tpu.memref_slice %arg21[%dma_start3A_163, %dma_start3A_164] : memref<128x8xf32, #tpu.memory_space<vmem>> -> memref<128x5xf32, #tpu.memory_space<vmem>>
            tpu.enqueue_dma source(%dma_start3A_165 : memref<128x5xf32, #tpu.memory_space<vmem>>) target(%dma_start3A_162 : memref<128x5xf32, #tpu.memory_space<hbm>>) target_semaphore(%run_scoped3A_151 : memref<!tpu.dma_semaphore, #tpu.memory_space<semaphore_mem>>)
            %dma_wait3A = arith.constant 0 : i32
            %dma_wait3A_166 = arith.constant 0 : i32
            %dma_wait3A_167 = tpu.memref_slice %arg21[%dma_wait3A, %dma_wait3A_166] : memref<128x8xf32, #tpu.memory_space<vmem>> -> memref<128x5xf32, #tpu.memory_space<vmem>>
            %dma_wait3A_168 = arith.constant 0 : i32
            %dma_wait3A_169 = arith.constant 0 : i32
            %dma_wait3A_170 = tpu.memref_slice %arg6[%add3A_88, %dma_wait3A_168, %dma_wait3A_169] : memref<256x128x5xf32, #tpu.memory_space<hbm>> -> memref<1x128x5xf32, #tpu.memory_space<hbm>>
            %dma_wait3A_171 = tpu.memref_squeeze %dma_wait3A_170 : memref<1x128x5xf32, #tpu.memory_space<hbm>> -> memref<128x5xf32, #tpu.memory_space<hbm>>
            %dma_wait3A_172 = arith.constant 0 : i32
            %dma_wait3A_173 = arith.constant 0 : i32
            %dma_wait3A_174 = tpu.memref_slice %arg6[%add3A_88, %dma_wait3A_172, %dma_wait3A_173] : memref<256x128x5xf32, #tpu.memory_space<hbm>> -> memref<1x128x5xf32, #tpu.memory_space<hbm>>
            %dma_wait3A_175 = tpu.memref_squeeze %dma_wait3A_174 : memref<1x128x5xf32, #tpu.memory_space<hbm>> -> memref<128x5xf32, #tpu.memory_space<hbm>>
            %dma_wait3A_176 = arith.constant 0 : i32
            %dma_wait3A_177 = arith.constant 0 : i32
            %dma_wait3A_178 = tpu.memref_slice %arg21[%dma_wait3A_176, %dma_wait3A_177] : memref<128x8xf32, #tpu.memory_space<vmem>> -> memref<128x5xf32, #tpu.memory_space<vmem>>
            tpu.wait_dma2 semaphore(%run_scoped3A_151 : memref<!tpu.dma_semaphore, #tpu.memory_space<semaphore_mem>>) src(%dma_wait3A_178 : memref<128x5xf32, #tpu.memory_space<vmem>>) dst(%dma_wait3A_175 : memref<128x5xf32, #tpu.memory_space<hbm>>)
            tpu.yield
          }) : () -> ()
        } else {
        }
      } else {
      }
    }
    %scan3A_66 = arith.constant 128 : i32
    return
  }
}

</mosaic_0001>

<sc_bundles>
// kernel: kernel.3.cloned.1.call-start
scs
__scs_entry_jumppad:
0x0: {  	(pc) =	sbr.rel $0x88, $3  }
0x1: {  	(tag) =	ssettag $0x0;
	lr =	simm.s32 $0x1  }
0x2: {  	[smem:$0x3F9F] =	sst lr;
	_ =	strace $0xD0000000  }
0x3: {  	_ = 	snop  }
0x4: {  	_ = 	snop  }
0x5: {  	_ = 	snop  }
0x6: {  	_ = 	snop  }
0x7: {  	_ = 	snop  }
__scs_overlays_trampoline_lowered:
0x8: {  	[smem:$0x3FAE] =	sst s0  }
0x9: {  	[smem:$0x3FAF] =	sst s1  }
0xa: {  	[smem:$0x3FB0] =	sst s2  }
0xb: {  	[smem:$0x3FB1] =	sst s3  }
0xc: {  	[smem:$0x3FB2] =	sst s4  }
0xd: {  	[smem:$0x3FB3] =	sst s5  }
0xe: {  	[smem:$0x3FB4] =	sst s6  }
0xf: {  	[smem:$0x3FB5] =	sst s7  }
0x10: {  	[smem:$0x3FB6] =	sst s8  }
0x11: {  	[smem:$0x3FB7] =	sst s9;
	s0 =	simm.s32 @!p0 $0x0  }
0x12: {  	s1 =	sld [smem:$0x3F9D];
	s0 =	simm.s32 @p0 $0x1  }
0x13: {  	[smem:$0x3FB8] =	sst s0;
	s0 =	simm.s32 @!p1 $0x0  }
0x14: {  	s2 =	sld [smem:$0x3F9C];
	s0 =	simm.s32 @p1 $0x1  }
0x15: {  	[smem:$0x3FB9] =	sst s0;
	s0 =	simm.s32 @!p2 $0x0  }
0x16: {  	s3 =	sld [smem:$0x3FDB];
	s0 =	simm.s32 @p2 $0x1  }
0x17: {  	s4 =	simm.s32 $0x1BF5;
	[smem:$0x3FBB] =	sst s0  }
0x18: {  	s0 =	sld [smem:$0x3F9E];
	_ =	swait.ge [sflag:s4], $0x0  }
0x19: {  	s7 =	sld [smem:$0x3F9F]  }
0x1a: {  	s8 =	sadd.s32 $0xFFFFE003, lr  }
0x1b: {  	s9 =	sadd.s32 $0xFFFFFEF7, lr;
	s5 =	simm.s32 $0xFFFFFFFF;
	p2 =	slt.u32 s8, $0xFFFFF086  }
0x1c: {  	p1 =	slt.u32 s9, $0xF7A;
	s5 =	simm.s32 @!p2 $0x0  }
0x1d: {  	s5 =	simm.s32 @p1 $0x1;
	p0 =	seq.s32 s7, s2  }
0x1e: {  	s7 =	smul.u32 @!p0 $0xF7A, s2;
	p2 =	seq.s32 @!p0 s5, $0x0  }
0x1f: {  	s9 =	smul.u32 $0xF7A, s1;
	s8 =	simm.s32 @!p0 $0x1BF5;
	p2 =	por !p2, p0  }
0x20: {  	[sflag:s8] =	ssyncset.s32 @!p0 $0xFFFFF086;
	s6 =	sadd.s32 @!p0 s3, s7;
	s7 =	simm.s32 @!p0 $0x108  }
0x21: {  	s3 =	sadd.s32 s3, s9;
	s6 =	sadd.s32 @!p0 $0x88, s6;
	s7 =	simm.s32 @p2 $0x1082  }
0x22: {  	[simem:s7], [sflag:s8] =	dma.local @!p0 [hbm:s6], $0xF7A  }
0x23: {  	s9 =	sor.u32 $0xD0000000, s2;
	s6 =	simm.s32 $0x108;
	_ =	swait.ge @!p0 [sflag:s8], $0x0  }
0x24: {  	s3 =	sadd.s32 $0x88, s3;
	s6 =	simm.s32 @!p1 $0x1082;
	[sflag:s4] =	ssyncset.s32 $0xFFFFF086  }
0x25: {  	[simem:s6], [sflag:s4] =	dma.local [hbm:s3], $0xF7A  }
0x26: {  	[smem:$0x3F9F] =	sst s1;
	(tag) =	ssettag s2;
	_ =	strace s9  }
0x27: {  	s1 =	sld [smem:$0x3FAF]  }
0x28: {  	s2 =	sld [smem:$0x3FB0]  }
0x29: {  	s4 =	sld [smem:$0x3FB2]  }
0x2a: {  	p0 =	seq.s32 s5, $0x0;
	s5 =	sld [smem:$0x3FB3]  }
0x2b: {  	s6 =	sld [smem:$0x3FB4]  }
0x2c: {  	s7 =	sld [smem:$0x3FB5]  }
0x2d: {  	s3 =	simm.s32 $0x108;
	s8 =	sld [smem:$0x3FB6]  }
0x2e: {  	s3 =	simm.s32 @!p0 $0x1082;
	s9 =	sld [smem:$0x3FB7]  }
0x2f: {  	lr =	sadd.s32 s0, s3;
	s0 =	sld [smem:$0x3FAE]  }
0x30: {  	s3 =	sld [smem:$0x3FB1]  }
0x31: {  	[smem:$0x3FBA] =	sst s10  }
0x32: {  	s10 =	sld [smem:$0x3FB8];
	_ =	sdelay $0x3  }
0x33: {  	p0 =	seq.s32 s10, $0x1;
	s10 =	sld [smem:$0x3FBA];
	_ =	sdelay $0x3  }
0x34: {  	[smem:$0x3FBA] =	sst s10  }
0x35: {  	s10 =	sld [smem:$0x3FB9];
	_ =	sdelay $0x3  }
0x36: {  	p1 =	seq.s32 s10, $0x1;
	s10 =	sld [smem:$0x3FBA];
	_ =	sdelay $0x3  }
0x37: {  	[smem:$0x3FBA] =	sst s10  }
0x38: {  	s10 =	sld [smem:$0x3FBB]  }
0x39: {  	_ = 	snop;
	(pc) =	sbr.ind lr, $3  }
0x3a: {  	_ = 	snop  }
0x3b: {  	_ = 	snop  }
0x3c: {  	p2 =	seq.s32 s10, $0x1;
	s10 =	sld [smem:$0x3FBA]  }
0x3d: {  	_ =	shalt  }
0x3e: {  	_ =	shalt  }
0x3f: {  	_ =	shalt  }
0x40: {  	_ =	shalt  }
0x41: {  	_ =	shalt  }
0x42: {  	_ =	shalt  }
0x43: {  	_ =	shalt  }
0x44: {  	_ =	shalt  }
0x45: {  	_ =	shalt  }
0x46: {  	_ =	shalt  }
0x47: {  	_ =	shalt  }
0x48: {  	_ =	shalt  }
0x49: {  	_ =	shalt  }
0x4a: {  	_ =	shalt  }
0x4b: {  	_ =	shalt  }
0x4c: {  	_ =	shalt  }
0x4d: {  	_ =	shalt  }
0x4e: {  	_ =	shalt  }
0x4f: {  	_ =	shalt  }
0x50: {  	_ =	shalt  }
0x51: {  	_ =	shalt  }
0x52: {  	_ =	shalt  }
0x53: {  	_ =	shalt  }
0x54: {  	_ =	shalt  }
0x55: {  	_ =	shalt  }
0x56: {  	_ =	shalt  }
0x57: {  	_ =	shalt  }
0x58: {  	_ =	shalt  }
0x59: {  	_ =	shalt  }
0x5a: {  	_ =	shalt  }
0x5b: {  	_ =	shalt  }
0x5c: {  	_ =	shalt  }
0x5d: {  	_ =	shalt  }
0x5e: {  	_ =	shalt  }
0x5f: {  	_ =	shalt  }
0x60: {  	_ =	shalt  }
0x61: {  	_ =	shalt  }
0x62: {  	_ =	shalt  }
0x63: {  	_ =	shalt  }
0x64: {  	_ =	shalt  }
0x65: {  	_ =	shalt  }
0x66: {  	_ =	shalt  }
0x67: {  	_ =	shalt  }
0x68: {  	_ =	shalt  }
0x69: {  	_ =	shalt  }
0x6a: {  	_ =	shalt  }
0x6b: {  	_ =	shalt  }
0x6c: {  	_ =	shalt  }
0x6d: {  	_ =	shalt  }
0x6e: {  	_ =	shalt  }
0x6f: {  	_ =	shalt  }
0x70: {  	_ =	shalt  }
0x71: {  	_ =	shalt  }
0x72: {  	_ =	shalt  }
0x73: {  	_ =	shalt  }
0x74: {  	_ =	shalt  }
0x75: {  	_ =	shalt  }
0x76: {  	_ =	shalt  }
0x77: {  	_ =	shalt  }
0x78: {  	_ =	shalt  }
0x79: {  	_ =	shalt  }
0x7a: {  	_ =	shalt  }
0x7b: {  	_ =	shalt  }
0x7c: {  	_ =	shalt  }
0x7d: {  	_ =	shalt  }
0x7e: {  	_ =	shalt  }
0x7f: {  	_ =	shalt  }
0x80: {  	_ =	shalt  }
0x81: {  	_ =	shalt  }
0x82: {  	_ =	shalt  }
0x83: {  	_ =	shalt  }
0x84: {  	_ =	shalt  }
0x85: {  	_ =	shalt  }
0x86: {  	_ =	shalt  }
0x87: {  	_ =	shalt  }
.Lfunc_end0:
.L_simem_size_0:
called_computation_lowered:
.L_overlay_start_0:
0x88: {  	s2 =	sld [smem:$0x3FD9]  }
0x89: {  	s3 =	sld [smem:$0x3FFE];
	_ =	sdelay $0x1  }
0x8a: {  	s1 =	srdreg.scid  }
0x8b: {  	s0 =	sand.u32 $0x1, s1  }
0x8c: {  	s17 =	sshll.u32 s0, $0xA;
	s2 =	sadd.s32 s3, s2  }
0x8d: {  	s2 =	sadd.s32 s2, s17  }
0x8e: {  	[smem:$0x3FC6] =	sst s2  }
0x8f: {  	_ = 	snop  }
0x90: {  	s2 =	sld [smem:$0x3FD0];
	(tm) =	ssettm $0x1  }
0x91: {  	s18 =	sld [smem:$0x3FFB];
	_ =	sdelay $0x3  }
0x92: {  	_ =	strace s18  }
0x93: {  	s3 =	sld [smem:$0x3FFC];
	_ =	sdelay $0x3  }
0x94: {  	_ =	strace s3  }
0x95: {  	s3 =	sld [smem:$0x3FFD];
	_ =	sdelay $0x3  }
0x96: {  	_ =	strace s3  }
0x97: {  	_ =	strace $0x8FFFFFFF  }
0x98: {  	s19 =	sld [smem:$0x3FDB];
	_ =	sdelay $0x1  }
0x99: {  	s4 =	simm.s32 $_scs_section_size  }
0x9a: {  	s5 =	simm.s32 $_size__tile_overlayer_lowered;
	s6 =	simm.s32 $_tile_overlayer_lowered  }
0x9b: {  	s22 =	simm.s32 $0x1BFF;
	s21 =	sshll.u32 s6, $0x1;
	s3 =	sadd.s32 s4, s19  }
0x9c: {  	s7 =	simm.s32 $0x0;
	s20 =	sshll.u32 s5, $0x1;
	s5 =	sadd.s32 s21, s3  }
0x9d: {  	[timem:s7], [sflag:s22] =	dma.local [hbm:s5], s20  }
0x9e: {  	_ =	swait.ge [sflag:s22], s20  }
0x9f: {  	s4 =	ssub.s32 $0x0, s20;
	[sflag:s22] =	ssyncset.done $0x0  }
0xa0: {  	[sflag:s22] =	ssyncadd.s32 s4;
	_ =	sdelay $0x1  }
0xa1: {  	s23 =	simm.s32 $0x1B8B  }
0xa2: {  	_ =	swait.ge [sflag:s23], $0x1  }
0xa3: {  	[sflag:s23] =	ssyncset.done $0x0  }
0xa4: {  	s25 =	simm.s32 $0x1B8E;
	s24 =	sld [smem:$0x3FFE];
	[sflag:s23] =	ssyncadd.s32 $0xFFFFFFFF  }
0xa5: {  	s26 =	simm.s32 $execute0_lowered;
	[smem:$0x3FD2] =	sst s25  }
0xa6: {  	s5 =	sshll.u32 s26, $0x1;
	_ =	strace $0x80000046;
	[dreg:$0x1] =	wrdreg $0xFFFFFFFF  }
0xa7: {  	s28 =	simm.s32 $_size_execute0_lowered;
	s3 =	sadd.s32 s3, s5;
	[dreg:$0x0] =	wrdreg $0x0  }
0xa8: {  	s5 =	sshll.u32 s28, $0x1;
	[dreg:$0x2] =	wrdreg s3  }
0xa9: {  	[dreg:$0x3] =	wrdreg s5  }
0xaa: {  	[dreg:$0x4] =	wrdreg $0xC0  }
0xab: {  	_ =	task [dreg:s7], $0x5FFFF  }
0xac: {  	[dreg:$0x1] =	wrdreg $0xFFFFFFFF  }
0xad: {  	[dreg:$0x0] =	wrdreg $0x60  }
0xae: {  	[dreg:$0x2] =	wrdreg s24  }
0xaf: {  	[dreg:$0x3] =	wrdreg s2  }
0xb0: {  	[dreg:$0x4] =	wrdreg $0x50000  }
0xb1: {  	[dreg:$0x5] =	wrdreg $0x9  }
0xb2: {  	_ =	task.clear_ibuf [dreg:s7], $0x6FFFF;
	_ =	strace $0x90000046  }
0xb3: {  	s29 =	simm.s32 $0x9;
	_ =	strace $0x80000048  }
0xb4: {  	_ =	swait.ge [sflag:s29], $0x1  }
0xb5: {  	[sflag:s29] =	ssyncadd.s32 $0xFFFFFFFF  }
0xb6: {  	_ =	strace $0x90000048  }
0xb7: {  	_ =	sfence  }
0xb8: {  	s30 =	sld [smem:$0x0];
	_ =	sdelay $0x2  }
0xb9: {  	s31 =	sshll.u32 s1, $0xD;
	s1 =	sshrl.u32 s1, $0x2  }
0xba: {  	s3 =	sand.u32 $0x4000, s31;
	s1 =	sadd.s32 s1, s30  }
0xbb: {  	s0 =	sor.u32 s3, s0;
	s1 =	sshll.u32 s1, $0x11  }
0xbc: {  	s0 =	sor.u32 s1, s0  }
0xbd: {  	s0 =	sadd.s32 $0x8F2B, s0  }
0xbe: {  	[sflag:s0] =	ssyncadd.remote.s32 $0x1  }
0xbf: {  	_ =	sfence.sel $0xFFFF  }
0xc0: {  	[dreg:$0x0] =	wrdreg $0xFFFFFFFF;
	(pc) =	sbr.abs _section_cstart, $3  }
0xc1: {  	[dreg:$0x1] =	wrdreg $0xFFFFFFFF  }
0xc2: {  	_ =	task.clear_ibuf [dreg:s7], $0x2FFFF;
	_ =	strace $0x9FFFFFFF  }
0xc3: {  	(tm) =	ssettm $0x7FFFFFFF  }
tec
execute0_lowered:
.L_overlay_start_1:
0x0: {  	(tag) =	ssettag $0x1  }
0x1: {  	s0 =	rddreg [dreg:$0x0]  }
0x2: {  	s2 =	rddreg [dreg:$0x2];
	s3 =	simm.s32 $0x0;
	s1 =	srdreg.scid  }
0x3: {  	s18 =	stileid.u32;
	s13 =	simm.s32 $0xA00;
	s28 =	simm.s32 $0x1  }
0x4: {  	s29 =	simm.s32 $0x9000;
	s30 =	simm.s32 $0xB000;
	s31 =	simm.s32 $0x17330  }
0x5: {  	[smem:$0x7FF] =	sst s3;
	s4 =	sadd.s32 $0x200600, s0;
	s1 =	sand.u32 $0x1, s1  }
0x6: {  	s5 =	sadd.s32 $0x600, s0;
	s6 =	sadd.s32 $0x800, s0;
	s9 =	smul.u32 $0x1400, s18  }
0x7: {  	s19 =	sshll.u32 s18, $0xE;
	s20 =	sshllo.u32 s18, $0x1;
	s12 =	sshll.u32 s18, $0xD  }
0x8: {  	_ =	strace $0x80000047;
	[dreg:$0x4] =	wrdreg s5;
	s7 =	ssub.s32 $0x2, s1  }
0x9: {  	[dreg:$0x5] =	wrdreg s6;
	s6 =	sadd.s32 $0x40A00, s0;
	p0 =	seq.s32 s1, $0x0  }
0xa: {  	s21 =	smul.u32 $0xA00, s20;
	s11 =	sshll.u32 s20, $0xD;
	s23 =	sshll.u32 s20, $0xC  }
0xb: {  	s14 =	sshll.u32 s1, $0x7;
	s1 =	simm.s32 $0x80;
	s20 =	simm.s32 $0x17530  }
0xc: {  	s8 =	sshrl.u32 s7, $0x1;
	s9 =	sadd.s32 s4, s9;
	s11 =	sadd.s32 s11, s2  }
0xd: {  	s13 =	simm.s32 @!p0 $0x20A00;
	p0 =	sne.s32 s18, $0x0;
	s18 =	simm.s32 $0x174B0  }
0xe: {  	s7 =	ssub.s32 s7, s8;
	[dreg:$0x6] =	wrdreg s9;
	s8 =	sadd.s32 s19, s2  }
0xf: {  	s4 =	sadd.s32 s4, s21;
	s22 =	sadd.s32 $0x1000, s11;
	s13 =	sadd.s32 s13, s0  }
0x10: {  	s19 =	simm.s32 $0x3;
	s0 =	simm.s32 $0x2;
	[dreg:$0x8] =	wrdreg s4  }
.Ltmp0:
0x11: {  	s10 =	sadd.s32 $0x1000, s8;
	[dreg:$0x9] =	wrdreg s22;
	(pc) =	sbr.rel .LBB2_1-.Ltmp0, $4  }
0x12: {  	s21 =	simm.s32 $0xFFFFFFFF;
	s24 =	smax.u32 s7, $0x1;
	[dreg:$0x7] =	wrdreg s10  }
0x13: {  	s25 =	sadd.s32 s13, s12;
	s26 =	sadd.s32 s13, s23;
	[dreg:$0xa] =	wrdreg s24  }
0x14: {  	s22 =	simm.s32 $0xF000;
	s4 =	simm.s32 $0x0;
	[dreg:$0xb] =	wrdreg s25  }
0x15: {  	v0 =	vlaneseq.u32;
	v1 =	vimm.s32 $0x0;
	v2 =	vimm.f32 $0.0e+00;
	[dreg:$0xc] =	wrdreg s26;
	s25 =	simm.s32 $0x4;
	s26 =	simm.s32 $0x10  }
.LBB2_37:
0x16: {  	s4 =	sadd.s32 $0x1, s4;
	s5 =	rddreg [dreg:$0xa]  }
0x17: {  	p1 =	sne.s32 s4, s5  }
.Ltmp1:
0x18: {  	_ = 	snop;
	(pc) =	sbr.rel @!p1 .LBB2_38-.Ltmp1, $1  }
0x19: {  	_ =	sdelay $0x3  }
.LBB2_1:
0x1a: {  	s5 =	rddreg [dreg:$0x1];
	s7 =	simm.s32 $0x17000  }
0x1b: {  	[tilespmem:s7], [sflag:$0x3] =	stream.linear.gather [hbm4b:s5+s3], $0x110, $0x38;
	[tilespmem:$0x17930] =	vst v63  }
0x1c: {  	_ =	swait.ge [sflag:s19], $0x110  }
0x1d: {  	[sflag:s19] =	ssyncset.done $0x0  }
0x1e: {  	s9 =	simm.s32 $0x17110;
	s7 =	rddreg [dreg:$0x4];
	[sflag:s19] =	ssyncadd.s32 $0xFFFFFEF0  }
0x1f: {  	[tilespmem:s9], [sflag:$0x3] =	stream.linear.gather [hbm4b:s7+s3], $0x110, $0x38;
	[tilespmem:$0x17930] =	vst v63  }
0x20: {  	_ =	swait.ge [sflag:s19], $0x110  }
0x21: {  	[sflag:s19] =	ssyncset.done $0x0  }
0x22: {  	s12 =	simm.s32 $0x17220;
	s10 =	rddreg [dreg:$0x5];
	[sflag:s19] =	ssyncadd.s32 $0xFFFFFEF0  }
0x23: {  	[tilespmem:s12], [sflag:$0x3] =	stream.linear.gather [hbm4b:s10+s3], $0x110, $0x38;
	[tilespmem:$0x17930] =	vst v63  }
0x24: {  	_ =	swait.ge [sflag:s19], $0x110  }
0x25: {  	v3 =	vor.u32 s3, v0;
	[sflag:s19] =	ssyncset.done $0x0  }
0x26: {  	s5 =	simm.s32 @!p0 $0x0;
	v4 =	vmul.u32 $0x5, v3;
	s15 =	rddreg [dreg:$0x6];
	[sflag:s19] =	ssyncadd.s32 $0xFFFFFEF0  }
0x27: {  	[smem:$0x10] =	sst @!p0 s5  }
0x28: {  	[tilespmem:s3], [sflag:$0x3] =	stream.linear.gather [hbm4b:s15+s3], $0x5000, $0x38;
	[tilespmem:$0x17930] =	vst v63  }
0x29: {  	_ =	swait.ge [sflag:s19], $0x5000  }
0x2a: {  	[sflag:s19] =	ssyncset.done $0x0  }
0x2b: {  	[sflag:s19] =	ssyncadd.s32 $0xFFFFB000  }
0x2c: {  	v3 =	vshll.u32 v3, $0x3;
	v5 =	vld.idx.msk [tilespmem:v4+s3+$0x0], $0xffff  }
0x2d: {  	v6 =	vadd.s32 $0x1, v4;
	_ =	sdelay $0x3  }
0x2e: {  	[tilespmem:v3+s22+$0x0] =	vst.idx.msk $0xffff, v5  }
0x2f: {  	v7 =	vor.u32 $0x1, v3;
	v6 =	vld.idx.msk [tilespmem:v6+s3+$0x0], $0xffff  }
0x30: {  	v8 =	vadd.s32 $0x2, v4;
	_ =	sdelay $0x3  }
0x31: {  	[tilespmem:v7+s22+$0x0] =	vst.idx.msk $0xffff, v6  }
0x32: {  	v7 =	vld.idx.msk [tilespmem:v8+s3+$0x0], $0xffff;
	v8 =	vor.u32 $0x2, v3  }
0x33: {  	v9 =	vadd.s32 $0x3, v4;
	_ =	sdelay $0x3  }
0x34: {  	[tilespmem:v8+s22+$0x0] =	vst.idx.msk $0xffff, v7  }
0x35: {  	v8 =	vor.u32 $0x3, v3;
	v7 =	vld.idx.msk [tilespmem:v9+s3+$0x0], $0xffff  }
0x36: {  	v4 =	vadd.s32 $0x4, v4;
	_ =	sdelay $0x3  }
0x37: {  	[tilespmem:v8+s22+$0x0] =	vst.idx.msk $0xffff, v7  }
0x38: {  	s16 =	simm.s32 $0x10;
	v3 =	vor.u32 $0x4, v3;
	v4 =	vld.idx.msk [tilespmem:v4+s3+$0x0], $0xffff  }
0x39: {  	v7 =	vor.u32 s16, v0  }
0x3a: {  	v8 =	vmul.u32 $0x5, v7;
	_ =	sdelay $0x2  }
0x3b: {  	s17 =	simm.s32 $0xD000;
	[tilespmem:v3+s22+$0x0] =	vst.idx.msk $0xffff, v4  }
0x3c: {  	s23 =	simm.s32 $0xE000;
	[tilespmem:s17+$0x0] =	vst v5  }
0x3d: {  	[tilespmem:s23+$0x0] =	vst v6  }
0x3e: {  	v5 =	vshll.u32 v7, $0x3;
	v3 =	vld.idx.msk [tilespmem:v8+s3+$0x0], $0xffff  }
0x3f: {  	v4 =	vadd.s32 $0x1, v8;
	_ =	sdelay $0x3  }
0x40: {  	[tilespmem:v5+s22+$0x0] =	vst.idx.msk $0xffff, v3  }
0x41: {  	v6 =	vor.u32 $0x1, v5;
	v4 =	vld.idx.msk [tilespmem:v4+s3+$0x0], $0xffff  }
0x42: {  	v7 =	vadd.s32 $0x2, v8;
	_ =	sdelay $0x3  }
0x43: {  	[tilespmem:v6+s22+$0x0] =	vst.idx.msk $0xffff, v4  }
0x44: {  	v6 =	vld.idx.msk [tilespmem:v7+s3+$0x0], $0xffff;
	v7 =	vor.u32 $0x2, v5  }
0x45: {  	v9 =	vadd.s32 $0x3, v8;
	_ =	sdelay $0x3  }
0x46: {  	[tilespmem:v7+s22+$0x0] =	vst.idx.msk $0xffff, v6  }
0x47: {  	v7 =	vor.u32 $0x3, v5;
	v6 =	vld.idx.msk [tilespmem:v9+s3+$0x0], $0xffff  }
0x48: {  	v8 =	vadd.s32 $0x4, v8;
	_ =	sdelay $0x3  }
0x49: {  	[tilespmem:v7+s22+$0x0] =	vst.idx.msk $0xffff, v6  }
0x4a: {  	s24 =	simm.s32 $0x20;
	v7 =	vld.idx.msk [tilespmem:v8+s3+$0x0], $0xffff;
	v8 =	vor.u32 $0x4, v5  }
0x4b: {  	v6 =	vor.u32 s24, v0  }
0x4c: {  	v5 =	vmul.u32 $0x5, v6  }
0x4d: {  	s9 =	simm.s32 $0x30;
	s7 =	simm.s32 $0xD000;
	s5 =	simm.s32 $0xE000  }
.LBB2_2:
0x4e: {  	p1 =	sne.s32 s9, $0xFF0  }
0x4f: {  	s7 =	sadd.s32 $0x10, s7;
	[tilespmem:v8+s22+$0x0] =	vst.idx.msk $0xffff, v7  }
0x50: {  	s5 =	sadd.s32 $0x10, s5;
	[tilespmem:s7+$0x0] =	vst v3  }
0x51: {  	[tilespmem:s5+$0x0] =	vst v4  }
0x52: {  	v3 =	vld.idx.msk [tilespmem:v5+s3+$0x0], $0xffff  }
0x53: {  	v6 =	vshll.u32 v6, $0x3  }
0x54: {  	v4 =	vadd.s32 $0x1, v5;
	_ =	sdelay $0x3  }
0x55: {  	[tilespmem:v6+s22+$0x0] =	vst.idx.msk $0xffff, v3  }
0x56: {  	v4 =	vld.idx.msk [tilespmem:v4+s3+$0x0], $0xffff  }
0x57: {  	v7 =	vor.u32 $0x1, v6  }
0x58: {  	v8 =	vadd.s32 $0x2, v5;
	_ =	sdelay $0x3  }
0x59: {  	[tilespmem:v7+s22+$0x0] =	vst.idx.msk $0xffff, v4  }
0x5a: {  	v7 =	vld.idx.msk [tilespmem:v8+s3+$0x0], $0xffff  }
0x5b: {  	v8 =	vor.u32 $0x2, v6  }
0x5c: {  	v9 =	vadd.s32 $0x3, v5;
	_ =	sdelay $0x3  }
0x5d: {  	[tilespmem:v8+s22+$0x0] =	vst.idx.msk $0xffff, v7  }
0x5e: {  	v7 =	vld.idx.msk [tilespmem:v9+s3+$0x0], $0xffff  }
0x5f: {  	v8 =	vor.u32 $0x3, v6  }
0x60: {  	v5 =	vadd.s32 $0x4, v5;
	_ =	sdelay $0x3  }
0x61: {  	[tilespmem:v8+s22+$0x0] =	vst.idx.msk $0xffff, v7  }
.Ltmp2:
0x62: {  	v7 =	vld.idx.msk [tilespmem:v5+s3+$0x0], $0xffff;
	(pc) =	sbr.rel @p1 .LBB2_2-.Ltmp2, $4  }
0x63: {  	v8 =	vor.u32 $0x4, v6  }
0x64: {  	v6 =	vor.u32 s9, v0  }
0x65: {  	v5 =	vmul.u32 $0x5, v6  }
0x66: {  	s9 =	sadd.s32 $0x10, s9  }
0x67: {  	_ =	sdelay $0x3  }
0x68: {  	[tilespmem:v8+s22+$0x0] =	vst.idx.msk $0xffff, v7;
	s7 =	sadd.s32 $0x10, s7  }
0x69: {  	s5 =	sadd.s32 $0x10, s5;
	[tilespmem:s7+$0x0] =	vst v3  }
0x6a: {  	[tilespmem:s5+$0x0] =	vst v4  }
0x6b: {  	v4 =	vshll.u32 v6, $0x3;
	v3 =	vld.idx.msk [tilespmem:v5+s3+$0x0], $0xffff  }
0x6c: {  	v6 =	vadd.s32 $0x1, v5;
	_ =	sdelay $0x3  }
0x6d: {  	[tilespmem:v4+s22+$0x0] =	vst.idx.msk $0xffff, v3  }
0x6e: {  	v7 =	vor.u32 $0x1, v4;
	v6 =	vld.idx.msk [tilespmem:v6+s3+$0x0], $0xffff  }
0x6f: {  	v8 =	vadd.s32 $0x2, v5;
	_ =	sdelay $0x3  }
0x70: {  	[tilespmem:v7+s22+$0x0] =	vst.idx.msk $0xffff, v6  }
0x71: {  	v7 =	vld.idx.msk [tilespmem:v8+s3+$0x0], $0xffff;
	v8 =	vor.u32 $0x2, v4  }
0x72: {  	v9 =	vadd.s32 $0x3, v5;
	_ =	sdelay $0x3  }
0x73: {  	[tilespmem:v8+s22+$0x0] =	vst.idx.msk $0xffff, v7  }
0x74: {  	v8 =	vor.u32 $0x3, v4;
	v7 =	vld.idx.msk [tilespmem:v9+s3+$0x0], $0xffff  }
0x75: {  	v5 =	vadd.s32 $0x4, v5;
	_ =	sdelay $0x3  }
0x76: {  	[tilespmem:v8+s22+$0x0] =	vst.idx.msk $0xffff, v7  }
0x77: {  	v4 =	vor.u32 $0x4, v4;
	v5 =	vld.idx.msk [tilespmem:v5+s3+$0x0], $0xffff;
	_ =	sdelay $0x4  }
0x78: {  	s7 =	sadd.s32 $0x10, s7;
	[tilespmem:v4+s22+$0x0] =	vst.idx.msk $0xffff, v5  }
0x79: {  	s5 =	sadd.s32 $0x10, s5;
	[tilespmem:s7+$0x0] =	vst v3  }
0x7a: {  	[tilespmem:s5+$0x0] =	vst v6;
	s5 =	simm.s32 $0xD000  }
0x7b: {  	[spmem:s8] =	stream.linear.scatter [tilespmem:s5], [sflag:$0x3], $0x1000, $0x38;
	[tilespmem:$0x17930] =	vst v63  }
0x7c: {  	_ =	swait.ge [sflag:s19], $0x1000  }
0x7d: {  	[sflag:s19] =	ssyncset.done $0x0  }
0x7e: {  	s7 =	simm.s32 $0xE000;
	s9 =	rddreg [dreg:$0x7];
	[sflag:s19] =	ssyncadd.s32 $0xFFFFF000  }
0x7f: {  	[spmem:s9] =	stream.linear.scatter [tilespmem:s7], [sflag:$0x3], $0x1000, $0x38;
	[tilespmem:$0x17930] =	vst v63  }
0x80: {  	_ =	swait.ge [sflag:s19], $0x1000  }
0x81: {  	[sflag:s19] =	ssyncset.done $0x0  }
0x82: {  	s16 =	simm.s32 $0x0;
	s10 =	rddreg [dreg:$0xb];
	[sflag:s19] =	ssyncadd.s32 $0xFFFFF000  }
0x83: {  	[hbm4b:s10+s16] =	stream.linear.scatter [tilespmem:s22], [sflag:$0x3], $0x8000, $0x38;
	[tilespmem:$0x17930] =	vst v63  }
0x84: {  	v3 =	vor.u32 s16, v0;
	_ =	swait.ge [sflag:s19], $0x8000  }
0x85: {  	v4 =	vmul.u32 $0x5, v3;
	[sflag:s19] =	ssyncset.done $0x0  }
0x86: {  	s17 =	rddreg [dreg:$0x8];
	[sflag:s19] =	ssyncadd.s32 $0xFFFF8000  }
0x87: {  	[tilespmem:s16], [sflag:$0x3] =	stream.linear.gather [hbm4b:s17+s16], $0x5000, $0x38;
	[tilespmem:$0x17930] =	vst v63  }
0x88: {  	_ =	swait.ge [sflag:s19], $0x5000  }
0x89: {  	[sflag:s19] =	ssyncset.done $0x0  }
0x8a: {  	[sflag:s19] =	ssyncadd.s32 $0xFFFFB000  }
0x8b: {  	v3 =	vshll.u32 v3, $0x3;
	v5 =	vld.idx.msk [tilespmem:v4+s3+$0x0], $0xffff  }
0x8c: {  	v6 =	vadd.s32 $0x1, v4;
	_ =	sdelay $0x3  }
0x8d: {  	[tilespmem:v3+s22+$0x0] =	vst.idx.msk $0xffff, v5  }
0x8e: {  	v7 =	vor.u32 $0x1, v3;
	v6 =	vld.idx.msk [tilespmem:v6+s3+$0x0], $0xffff  }
0x8f: {  	v8 =	vadd.s32 $0x2, v4;
	_ =	sdelay $0x3  }
0x90: {  	[tilespmem:v7+s22+$0x0] =	vst.idx.msk $0xffff, v6  }
0x91: {  	v7 =	vld.idx.msk [tilespmem:v8+s3+$0x0], $0xffff;
	v8 =	vor.u32 $0x2, v3  }
0x92: {  	v9 =	vadd.s32 $0x3, v4;
	_ =	sdelay $0x3  }
0x93: {  	[tilespmem:v8+s22+$0x0] =	vst.idx.msk $0xffff, v7  }
0x94: {  	v8 =	vor.u32 $0x3, v3;
	v7 =	vld.idx.msk [tilespmem:v9+s3+$0x0], $0xffff  }
0x95: {  	v4 =	vadd.s32 $0x4, v4;
	_ =	sdelay $0x3  }
0x96: {  	[tilespmem:v8+s22+$0x0] =	vst.idx.msk $0xffff, v7  }
0x97: {  	s23 =	simm.s32 $0x10;
	v3 =	vor.u32 $0x4, v3;
	v4 =	vld.idx.msk [tilespmem:v4+s3+$0x0], $0xffff  }
0x98: {  	v7 =	vor.u32 s23, v0  }
0x99: {  	v8 =	vmul.u32 $0x5, v7;
	_ =	sdelay $0x2  }
0x9a: {  	[tilespmem:v3+s22+$0x0] =	vst.idx.msk $0xffff, v4  }
0x9b: {  	[tilespmem:s5+$0x0] =	vst v5  }
0x9c: {  	[tilespmem:s7+$0x0] =	vst v6  }
0x9d: {  	v5 =	vshll.u32 v7, $0x3;
	v3 =	vld.idx.msk [tilespmem:v8+s3+$0x0], $0xffff  }
0x9e: {  	v4 =	vadd.s32 $0x1, v8;
	_ =	sdelay $0x3  }
0x9f: {  	[tilespmem:v5+s22+$0x0] =	vst.idx.msk $0xffff, v3  }
0xa0: {  	v6 =	vor.u32 $0x1, v5;
	v4 =	vld.idx.msk [tilespmem:v4+s3+$0x0], $0xffff  }
0xa1: {  	v7 =	vadd.s32 $0x2, v8;
	_ =	sdelay $0x3  }
0xa2: {  	[tilespmem:v6+s22+$0x0] =	vst.idx.msk $0xffff, v4  }
0xa3: {  	v6 =	vld.idx.msk [tilespmem:v7+s3+$0x0], $0xffff;
	v7 =	vor.u32 $0x2, v5  }
0xa4: {  	v9 =	vadd.s32 $0x3, v8;
	_ =	sdelay $0x3  }
0xa5: {  	[tilespmem:v7+s22+$0x0] =	vst.idx.msk $0xffff, v6  }
0xa6: {  	v7 =	vor.u32 $0x3, v5;
	v6 =	vld.idx.msk [tilespmem:v9+s3+$0x0], $0xffff  }
0xa7: {  	v8 =	vadd.s32 $0x4, v8;
	_ =	sdelay $0x3  }
0xa8: {  	[tilespmem:v7+s22+$0x0] =	vst.idx.msk $0xffff, v6  }
0xa9: {  	s24 =	simm.s32 $0x20;
	v7 =	vld.idx.msk [tilespmem:v8+s3+$0x0], $0xffff;
	v8 =	vor.u32 $0x4, v5  }
0xaa: {  	v6 =	vor.u32 s24, v0  }
0xab: {  	v5 =	vmul.u32 $0x5, v6  }
0xac: {  	s9 =	simm.s32 $0x30  }
.LBB2_4:
0xad: {  	p1 =	sne.s32 s9, $0xFF0  }
0xae: {  	s5 =	sadd.s32 $0x10, s5;
	[tilespmem:v8+s22+$0x0] =	vst.idx.msk $0xffff, v7  }
0xaf: {  	s7 =	sadd.s32 $0x10, s7;
	[tilespmem:s5+$0x0] =	vst v3  }
0xb0: {  	[tilespmem:s7+$0x0] =	vst v4  }
0xb1: {  	v3 =	vld.idx.msk [tilespmem:v5+s3+$0x0], $0xffff  }
0xb2: {  	v6 =	vshll.u32 v6, $0x3  }
0xb3: {  	v4 =	vadd.s32 $0x1, v5;
	_ =	sdelay $0x3  }
0xb4: {  	[tilespmem:v6+s22+$0x0] =	vst.idx.msk $0xffff, v3  }
0xb5: {  	v4 =	vld.idx.msk [tilespmem:v4+s3+$0x0], $0xffff  }
0xb6: {  	v7 =	vor.u32 $0x1, v6  }
0xb7: {  	v8 =	vadd.s32 $0x2, v5;
	_ =	sdelay $0x3  }
0xb8: {  	[tilespmem:v7+s22+$0x0] =	vst.idx.msk $0xffff, v4  }
0xb9: {  	v7 =	vld.idx.msk [tilespmem:v8+s3+$0x0], $0xffff  }
0xba: {  	v8 =	vor.u32 $0x2, v6  }
0xbb: {  	v9 =	vadd.s32 $0x3, v5;
	_ =	sdelay $0x3  }
0xbc: {  	[tilespmem:v8+s22+$0x0] =	vst.idx.msk $0xffff, v7  }
0xbd: {  	v7 =	vld.idx.msk [tilespmem:v9+s3+$0x0], $0xffff  }
0xbe: {  	v8 =	vor.u32 $0x3, v6  }
0xbf: {  	v5 =	vadd.s32 $0x4, v5;
	_ =	sdelay $0x3  }
0xc0: {  	[tilespmem:v8+s22+$0x0] =	vst.idx.msk $0xffff, v7  }
.Ltmp3:
0xc1: {  	v7 =	vld.idx.msk [tilespmem:v5+s3+$0x0], $0xffff;
	(pc) =	sbr.rel @p1 .LBB2_4-.Ltmp3, $4  }
0xc2: {  	v8 =	vor.u32 $0x4, v6  }
0xc3: {  	v6 =	vor.u32 s9, v0  }
0xc4: {  	v5 =	vmul.u32 $0x5, v6  }
0xc5: {  	s9 =	sadd.s32 $0x10, s9  }
0xc6: {  	_ =	sdelay $0x3  }
0xc7: {  	[tilespmem:v8+s22+$0x0] =	vst.idx.msk $0xffff, v7;
	s5 =	sadd.s32 $0x10, s5  }
0xc8: {  	s7 =	sadd.s32 $0x10, s7;
	[tilespmem:s5+$0x0] =	vst v3  }
0xc9: {  	[tilespmem:s7+$0x0] =	vst v4  }
0xca: {  	v57 =	vshll.u32 v6, $0x3;
	v3 =	vld.idx.msk [tilespmem:v5+s3+$0x0], $0xffff  }
0xcb: {  	v58 =	vadd.s32 $0x1, v5;
	_ =	sdelay $0x3  }
0xcc: {  	[tilespmem:v57+s22+$0x0] =	vst.idx.msk $0xffff, v3  }
0xcd: {  	v59 =	vor.u32 $0x1, v57;
	v6 =	vld.idx.msk [tilespmem:v58+s3+$0x0], $0xffff  }
0xce: {  	v60 =	vadd.s32 $0x2, v5;
	_ =	sdelay $0x3  }
0xcf: {  	[tilespmem:v59+s22+$0x0] =	vst.idx.msk $0xffff, v6  }
0xd0: {  	v61 =	vor.u32 $0x2, v57;
	v7 =	vld.idx.msk [tilespmem:v60+s3+$0x0], $0xffff  }
0xd1: {  	v9 =	vadd.s32 $0x3, v5;
	_ =	sdelay $0x3  }
0xd2: {  	[tilespmem:v61+s22+$0x0] =	vst.idx.msk $0xffff, v7  }
0xd3: {  	v62 =	vor.u32 $0x3, v57;
	v7 =	vld.idx.msk [tilespmem:v9+s3+$0x0], $0xffff  }
0xd4: {  	v63 =	vadd.s32 $0x4, v5;
	_ =	sdelay $0x3  }
0xd5: {  	[tilespmem:v62+s22+$0x0] =	vst.idx.msk $0xffff, v7  }
0xd6: {  	v4 =	vor.u32 $0x4, v57;
	v5 =	vld.idx.msk [tilespmem:v63+s3+$0x0], $0xffff;
	_ =	sdelay $0x4  }
0xd7: {  	s5 =	sadd.s32 $0x10, s5;
	[tilespmem:v4+s22+$0x0] =	vst.idx.msk $0xffff, v5  }
0xd8: {  	s15 =	sadd.s32 $0x10, s7;
	[tilespmem:s5+$0x0] =	vst v3  }
0xd9: {  	s16 =	simm.s32 $0xD000;
	[tilespmem:s15+$0x0] =	vst v6  }
0xda: {  	[spmem:s11] =	stream.linear.scatter [tilespmem:s16], [sflag:$0x3], $0x1000, $0x38;
	[tilespmem:$0x17930] =	vst v63  }
0xdb: {  	_ =	swait.ge [sflag:s19], $0x1000  }
0xdc: {  	[sflag:s19] =	ssyncset.done $0x0  }
0xdd: {  	s23 =	simm.s32 $0xE000;
	s17 =	rddreg [dreg:$0x9];
	[sflag:s19] =	ssyncadd.s32 $0xFFFFF000  }
0xde: {  	[spmem:s17] =	stream.linear.scatter [tilespmem:s23], [sflag:$0x3], $0x1000, $0x38;
	[tilespmem:$0x17930] =	vst v63  }
0xdf: {  	_ =	swait.ge [sflag:s19], $0x1000  }
0xe0: {  	[sflag:s19] =	ssyncset.done $0x0  }
0xe1: {  	s7 =	simm.s32 $0x0;
	s24 =	rddreg [dreg:$0xc];
	[sflag:s19] =	ssyncadd.s32 $0xFFFFF000  }
0xe2: {  	[hbm4b:s24+s7] =	stream.linear.scatter [tilespmem:s22], [sflag:$0x3], $0x8000, $0x38;
	[tilespmem:$0x17930] =	vst v63  }
0xe3: {  	_ =	swait.ge [sflag:s19], $0x8000  }
0xe4: {  	[sflag:s19] =	ssyncset.done $0x0  }
0xe5: {  	[sflag:s19] =	ssyncadd.s32 $0xFFFF8000  }
0xe6: {  	[bflag:$0x0] =	sbarrier.arrive $0xFFFF  }
0xe7: {  	s5 =	simm.s32 $0x0;
	[smem:$0x18] =	sst s7  }
.LBB2_7:
0xe8: {  	p1 =	sne.s32 s7, $0x0  }
.Ltmp4:
0xe9: {  	_ = 	snop;
	(pc) =	sbr.rel @p1 .LBB2_36-.Ltmp4, $1  }
0xea: {  	_ =	sdelay $0x3  }
0xeb: {  	[sflag:s25] =	ssyncset.done $0x0  }
0xec: {  	[smem:s26], [sflag:$0x4] =	smem.add.s32 $0x1  }
0xed: {  	_ =	swait.done [sflag:s25]  }
0xee: {  	s7 =	ssyncread [sflag:$0x4];
	_ =	sdelay $0x2  }
0xef: {  	p1 =	slt.s32 s7, $0x80  }
.Ltmp5:
0xf0: {  	_ = 	snop;
	(pc) =	sbr.rel @p1 .LBB2_10-.Ltmp5, $3  }
0xf1: {  	_ =	sdelay $0x1  }
0xf2: {  	[sflag:s25] =	ssyncset.s32 $0x0  }
0xf3: {  	[sflag:s25] =	ssyncset.done $0x0  }
.Ltmp6:
0xf4: {  	(pc) =	sbr.rel .LBB2_36-.Ltmp6, $2  }
0xf5: {  	_ =	sdelay $0x2  }
0xf6: {  	[smem:$0x18] =	sst s28  }
.LBB2_10:
0xf7: {  	s7 =	sadd.s32 s14, s7  }
0xf8: {  	v3 =	vld.msk [tilespmem:s7+$0x17000 ss:$0x0], $0xffff  }
0xf9: {  	v4 =	vld.msk [tilespmem:s7+$0x17110 ss:$0x0], $0xffff  }
0xfa: {  	v5 =	vld.msk [tilespmem:s7+$0x17220 ss:$0x0], $0xffff;
	[tilespmem:$0x17330] =	vst v1  }
0xfb: {  	[tilespmem:$0x17340] =	vst v1  }
0xfc: {  	[tilespmem:$0x17350] =	vst v1  }
0xfd: {  	[tilespmem:$0x17360] =	vst v1  }
0xfe: {  	[tilespmem:$0x17370] =	vst v1  }
0xff: {  	[tilespmem:$0x17380] =	vst v1  }
0x100: {  	[tilespmem:$0x17390] =	vst v1  }
0x101: {  	[tilespmem:$0x173A0] =	vst v1  }
0x102: {  	[tilespmem:$0x173B0] =	vst v1  }
0x103: {  	[tilespmem:$0x173C0] =	vst v1  }
0x104: {  	[tilespmem:$0x173D0] =	vst v1  }
0x105: {  	[tilespmem:$0x173E0] =	vst v1  }
0x106: {  	[tilespmem:$0x173F0] =	vst v1  }
0x107: {  	[tilespmem:$0x17400] =	vst v1  }
0x108: {  	[tilespmem:$0x17410] =	vst v1  }
0x109: {  	[tilespmem:$0x17420] =	vst v1  }
0x10a: {  	[tilespmem:$0x17430] =	vst v1  }
0x10b: {  	[tilespmem:$0x17440] =	vst v1  }
0x10c: {  	[tilespmem:$0x17450] =	vst v1  }
0x10d: {  	[tilespmem:$0x17460] =	vst v1  }
0x10e: {  	[tilespmem:$0x17470] =	vst v1  }
.Ltmp7:
0x10f: {  	[tilespmem:$0x17480] =	vst v1;
	(pc) =	sbr.rel .LBB2_11-.Ltmp7, $4  }
0x110: {  	s10 =	simm.s32 $0x0;
	[tilespmem:$0x17490] =	vst v1  }
0x111: {  	[tilespmem:$0x174A0] =	vst v1;
	[smem:$0x0] =	sst s10  }
0x112: {  	[tilespmem:s29], [sflag:$0x1] =	stream.linear.gather [spmem:s2], $0x2000, $0x38;
	[tilespmem:$0x17930] =	vst v63  }
0x113: {  	s9 =	simm.s32 $0x0;
	[smem:$0x8] =	sst s10  }
.LBB2_25:
0x114: {  	[smem:$0x0] =	sst s12  }
0x115: {  	s10 =	sld [smem:$0x8]  }
.LBB2_28:
0x116: {  	s9 =	sadd.s32 $0x1, s9  }
0x117: {  	p1 =	sne.s32 s9, $0x10  }
.Ltmp8:
0x118: {  	_ = 	snop;
	(pc) =	sbr.rel @!p1 .LBB2_29-.Ltmp8, $1  }
0x119: {  	_ =	sdelay $0x3  }
.LBB2_11:
0x11a: {  	s12 =	sld [smem:$0x0];
	_ =	sdelay $0x2  }
0x11b: {  	s23 =	sshll.u32 s9, $0x1;
	p1 =	sgt.s32 s12, $0x7F  }
0x11c: {  	p2 =	sne.s32 @!p1 s10, s23  }
0x11d: {  	p1 =	por p1, p2  }
.Ltmp9:
0x11e: {  	_ = 	snop;
	(pc) =	sbr.rel @p1 .LBB2_17-.Ltmp9, $1  }
0x11f: {  	_ =	sdelay $0x3  }
0x120: {  	s10 =	sor.u32 $0x1, s10  }
0x121: {  	s12 =	sshll.u32 s10, $0xD  }
0x122: {  	s12 =	sand.u32 $0x3FFFE000, s12  }
0x123: {  	s12 =	sadd.s32 s12, s2  }
0x124: {  	[tilespmem:s30], [sflag:$0x2] =	stream.linear.gather [spmem:s12], $0x2000, $0x38;
	[tilespmem:$0x17930] =	vst v63  }
0x125: {  	_ =	swait.ge [sflag:s28], $0x2000  }
0x126: {  	[sflag:s28] =	ssyncset.done $0x0  }
0x127: {  	[sflag:s28] =	ssyncadd.s32 $0xFFFFE000  }
0x128: {  	[smem:$0x8] =	sst s10  }
0x129: {  	s10 =	sld [smem:$0x0];
	_ =	sdelay $0x2  }
0x12a: {  	s12 =	sadd.s32 $0xFFFFFFFF, s10  }
0x12b: {  	p1 =	sgt.s32 s12, $0x7E  }
.Ltmp10:
0x12c: {  	_ = 	snop;
	(pc) =	sbr.rel @p1 .LBB2_16-.Ltmp10, $1  }
0x12d: {  	_ =	sdelay $0x3  }
0x12e: {  	s24 =	sshll.u32 s9, $0xD  }
0x12f: {  	v6 =	vmov s12;
	s15 =	simm.s32 $0x0;
	s10 =	simm.s32 $0xF0;
	s12 =	simm.s32 $0xA000  }
.LBB2_14:
0x130: {  	v7 =	vld [tilespmem:s12+$0xFFFFF000]  }
0x131: {  	v8 =	vld [tilespmem:s12+$0x0];
	_ =	sdelay $0x4  }
0x132: {  	v7 =	vsub.f32 v7, v3;
	v8 =	vsub.f32 v8, v4;
	_ =	sdelay $0x1  }
0x133: {  	v7 =	vmul.f32 v7, v7;
	v8 =	vmul.f32 v8, v8;
	_ =	sdelay $0x1  }
0x134: {  	v7 =	vadd.f32 v8, v7;
	_ =	sdelay $0x1  }
0x135: {  	vm0 =	vle.f32 v7, v5  }
0x136: {  	v7 =	vsel vm0, $0x1, v1  }
0x137: {  	(xrf0) =	vadd.scan.msk.s32 $0xffff, v7;
	_ =	sdelay $0x5  }
0x138: {  	v7, _, _ =	vpop (xrf0)  }
0x139: {  	v7 =	vadd.s32 v6, v7;
	_ =	sdelay $0x1  }
0x13a: {  	s16 =	sadd.s32 $0xFFFFFF10, s10  }
0x13b: {  	s16 =	sor.u32 s24, s16  }
0x13c: {  	v8 =	vor.u32 s16, v0  }
0x13d: {  	[tilespmem:v7+s31+$0x0] =	vst.idx.msk vm0, v8  }
0x13e: {  	v7 =	vld [tilespmem:s12+$0xFFFFF010]  }
0x13f: {  	v8 =	vld [tilespmem:s12+$0x10];
	_ =	sdelay $0x4  }
0x140: {  	v7 =	vsub.f32 v7, v3;
	v8 =	vsub.f32 v8, v4;
	_ =	sdelay $0x1  }
0x141: {  	v7 =	vmul.f32 v7, v7;
	v8 =	vmul.f32 v8, v8;
	_ =	sdelay $0x1  }
0x142: {  	v7 =	vadd.f32 v8, v7;
	_ =	sdelay $0x1  }
0x143: {  	vm1 =	vle.f32 v7, v5  }
0x144: {  	v7 =	vsel vm1, $0x1, v1  }
0x145: {  	(xrf0) =	vadd.scan.msk.s32 $0xffff, v7;
	_ =	sdelay $0x1  }
0x146: {  	v7 =	vmpcnt.ones.xlane vm0;
	_ =	sdelay $0x3  }
0x147: {  	v6 =	vadd.s32 v6, v7;
	v7, _, _ =	vpop (xrf0)  }
0x148: {  	v7 =	vadd.s32 v6, v7;
	_ =	sdelay $0x1  }
0x149: {  	s17 =	sadd.s32 $0xFFFFFF20, s10  }
0x14a: {  	s16 =	sor.u32 s24, s17  }
0x14b: {  	v8 =	vor.u32 s16, v0  }
0x14c: {  	[tilespmem:v7+s31+$0x0] =	vst.idx.msk vm1, v8  }
0x14d: {  	v7 =	vld [tilespmem:s12+$0xFFFFF020]  }
0x14e: {  	v8 =	vld [tilespmem:s12+$0x20];
	_ =	sdelay $0x4  }
0x14f: {  	v7 =	vsub.f32 v7, v3;
	v8 =	vsub.f32 v8, v4;
	_ =	sdelay $0x1  }
0x150: {  	v7 =	vmul.f32 v7, v7;
	v8 =	vmul.f32 v8, v8;
	_ =	sdelay $0x1  }
0x151: {  	v7 =	vadd.f32 v8, v7;
	_ =	sdelay $0x1  }
0x152: {  	vm14 =	vle.f32 v7, v5  }
0x153: {  	v7 =	vsel vm14, $0x1, v1  }
0x154: {  	(xrf0) =	vadd.scan.msk.s32 $0xffff, v7;
	_ =	sdelay $0x1  }
0x155: {  	v7 =	vmpcnt.ones.xlane vm1;
	_ =	sdelay $0x3  }
0x156: {  	v6 =	vadd.s32 v6, v7;
	v7, _, _ =	vpop (xrf0)  }
0x157: {  	v7 =	vadd.s32 v6, v7;
	_ =	sdelay $0x1  }
0x158: {  	s17 =	sadd.s32 $0xFFFFFF30, s10  }
0x159: {  	s16 =	sor.u32 s24, s17  }
0x15a: {  	v8 =	vor.u32 s16, v0  }
0x15b: {  	[tilespmem:v7+s31+$0x0] =	vst.idx.msk vm14, v8  }
0x15c: {  	v7 =	vld [tilespmem:s12+$0xFFFFF030]  }
0x15d: {  	v8 =	vld [tilespmem:s12+$0x30];
	_ =	sdelay $0x4  }
0x15e: {  	v7 =	vsub.f32 v7, v3;
	v8 =	vsub.f32 v8, v4;
	_ =	sdelay $0x1  }
0x15f: {  	v7 =	vmul.f32 v7, v7;
	v8 =	vmul.f32 v8, v8;
	_ =	sdelay $0x1  }
0x160: {  	v7 =	vadd.f32 v8, v7;
	_ =	sdelay $0x1  }
0x161: {  	vm15 =	vle.f32 v7, v5  }
0x162: {  	v7 =	vsel vm15, $0x1, v1  }
0x163: {  	(xrf0) =	vadd.scan.msk.s32 $0xffff, v7;
	_ =	sdelay $0x1  }
0x164: {  	v7 =	vmpcnt.ones.xlane vm14;
	_ =	sdelay $0x3  }
0x165: {  	v6 =	vadd.s32 v6, v7;
	v7, _, _ =	vpop (xrf0)  }
0x166: {  	v7 =	vadd.s32 v6, v7;
	_ =	sdelay $0x1  }
0x167: {  	s17 =	sadd.s32 $0xFFFFFF40, s10  }
0x168: {  	s16 =	sor.u32 s24, s17  }
0x169: {  	v8 =	vor.u32 s16, v0  }
0x16a: {  	[tilespmem:v7+s31+$0x0] =	vst.idx.msk vm15, v8  }
0x16b: {  	v7 =	vld [tilespmem:s12+$0xFFFFF040]  }
0x16c: {  	v8 =	vld [tilespmem:s12+$0x40];
	_ =	sdelay $0x4  }
0x16d: {  	v7 =	vsub.f32 v7, v3;
	v8 =	vsub.f32 v8, v4;
	_ =	sdelay $0x1  }
0x16e: {  	v7 =	vmul.f32 v7, v7;
	v8 =	vmul.f32 v8, v8;
	_ =	sdelay $0x1  }
0x16f: {  	v7 =	vadd.f32 v8, v7;
	_ =	sdelay $0x1  }
0x170: {  	vm4 =	vle.f32 v7, v5  }
0x171: {  	v7 =	vsel vm4, $0x1, v1  }
0x172: {  	(xrf0) =	vadd.scan.msk.s32 $0xffff, v7;
	_ =	sdelay $0x1  }
0x173: {  	v7 =	vmpcnt.ones.xlane vm15;
	_ =	sdelay $0x3  }
0x174: {  	v6 =	vadd.s32 v6, v7;
	v7, _, _ =	vpop (xrf0)  }
0x175: {  	v7 =	vadd.s32 v6, v7;
	_ =	sdelay $0x1  }
0x176: {  	s17 =	sadd.s32 $0xFFFFFF50, s10  }
0x177: {  	s16 =	sor.u32 s24, s17  }
0x178: {  	v8 =	vor.u32 s16, v0  }
0x179: {  	[tilespmem:v7+s31+$0x0] =	vst.idx.msk vm4, v8  }
0x17a: {  	v7 =	vld [tilespmem:s12+$0xFFFFF050]  }
0x17b: {  	v8 =	vld [tilespmem:s12+$0x50];
	_ =	sdelay $0x4  }
0x17c: {  	v7 =	vsub.f32 v7, v3;
	v8 =	vsub.f32 v8, v4;
	_ =	sdelay $0x1  }
0x17d: {  	v7 =	vmul.f32 v7, v7;
	v8 =	vmul.f32 v8, v8;
	_ =	sdelay $0x1  }
0x17e: {  	v7 =	vadd.f32 v8, v7;
	_ =	sdelay $0x1  }
0x17f: {  	vm5 =	vle.f32 v7, v5  }
0x180: {  	v7 =	vsel vm5, $0x1, v1  }
0x181: {  	(xrf0) =	vadd.scan.msk.s32 $0xffff, v7;
	_ =	sdelay $0x1  }
0x182: {  	v7 =	vmpcnt.ones.xlane vm4;
	_ =	sdelay $0x3  }
0x183: {  	v6 =	vadd.s32 v6, v7;
	v7, _, _ =	vpop (xrf0)  }
0x184: {  	v7 =	vadd.s32 v6, v7;
	_ =	sdelay $0x1  }
0x185: {  	s17 =	sadd.s32 $0xFFFFFF60, s10  }
0x186: {  	s16 =	sor.u32 s24, s17  }
0x187: {  	v8 =	vor.u32 s16, v0  }
0x188: {  	[tilespmem:v7+s31+$0x0] =	vst.idx.msk vm5, v8  }
0x189: {  	v7 =	vld [tilespmem:s12+$0xFFFFF060]  }
0x18a: {  	v8 =	vld [tilespmem:s12+$0x60];
	_ =	sdelay $0x4  }
0x18b: {  	v7 =	vsub.f32 v7, v3;
	v8 =	vsub.f32 v8, v4;
	_ =	sdelay $0x1  }
0x18c: {  	v7 =	vmul.f32 v7, v7;
	v8 =	vmul.f32 v8, v8;
	_ =	sdelay $0x1  }
0x18d: {  	v7 =	vadd.f32 v8, v7;
	_ =	sdelay $0x1  }
0x18e: {  	vm6 =	vle.f32 v7, v5  }
0x18f: {  	v7 =	vsel vm6, $0x1, v1  }
0x190: {  	(xrf0) =	vadd.scan.msk.s32 $0xffff, v7;
	_ =	sdelay $0x1  }
0x191: {  	v7 =	vmpcnt.ones.xlane vm5;
	_ =	sdelay $0x3  }
0x192: {  	v6 =	vadd.s32 v6, v7;
	v7, _, _ =	vpop (xrf0)  }
0x193: {  	v7 =	vadd.s32 v6, v7;
	_ =	sdelay $0x1  }
0x194: {  	s17 =	sadd.s32 $0xFFFFFF70, s10  }
0x195: {  	s16 =	sor.u32 s24, s17  }
0x196: {  	v8 =	vor.u32 s16, v0  }
0x197: {  	[tilespmem:v7+s31+$0x0] =	vst.idx.msk vm6, v8  }
0x198: {  	v7 =	vld [tilespmem:s12+$0xFFFFF070]  }
0x199: {  	v8 =	vld [tilespmem:s12+$0x70];
	_ =	sdelay $0x4  }
0x19a: {  	v7 =	vsub.f32 v7, v3;
	v8 =	vsub.f32 v8, v4;
	_ =	sdelay $0x1  }
0x19b: {  	v7 =	vmul.f32 v7, v7;
	v8 =	vmul.f32 v8, v8;
	_ =	sdelay $0x1  }
0x19c: {  	v7 =	vadd.f32 v8, v7;
	_ =	sdelay $0x1  }
0x19d: {  	vm7 =	vle.f32 v7, v5  }
0x19e: {  	v7 =	vsel vm7, $0x1, v1  }
0x19f: {  	(xrf0) =	vadd.scan.msk.s32 $0xffff, v7;
	_ =	sdelay $0x1  }
0x1a0: {  	v7 =	vmpcnt.ones.xlane vm6;
	_ =	sdelay $0x3  }
0x1a1: {  	v6 =	vadd.s32 v6, v7;
	v7, _, _ =	vpop (xrf0)  }
0x1a2: {  	v7 =	vadd.s32 v6, v7;
	_ =	sdelay $0x1  }
0x1a3: {  	s17 =	sadd.s32 $0xFFFFFF80, s10  }
0x1a4: {  	s16 =	sor.u32 s24, s17  }
0x1a5: {  	v8 =	vor.u32 s16, v0  }
0x1a6: {  	[tilespmem:v7+s31+$0x0] =	vst.idx.msk vm7, v8  }
0x1a7: {  	v7 =	vld [tilespmem:s12+$0xFFFFF080]  }
0x1a8: {  	v8 =	vld [tilespmem:s12+$0x80];
	_ =	sdelay $0x4  }
0x1a9: {  	v7 =	vsub.f32 v7, v3;
	v8 =	vsub.f32 v8, v4;
	_ =	sdelay $0x1  }
0x1aa: {  	v7 =	vmul.f32 v7, v7;
	v8 =	vmul.f32 v8, v8;
	_ =	sdelay $0x1  }
0x1ab: {  	v7 =	vadd.f32 v8, v7;
	_ =	sdelay $0x1  }
0x1ac: {  	vm8 =	vle.f32 v7, v5  }
0x1ad: {  	v7 =	vsel vm8, $0x1, v1  }
0x1ae: {  	(xrf0) =	vadd.scan.msk.s32 $0xffff, v7;
	_ =	sdelay $0x1  }
0x1af: {  	v7 =	vmpcnt.ones.xlane vm7;
	_ =	sdelay $0x3  }
0x1b0: {  	v6 =	vadd.s32 v6, v7;
	v7, _, _ =	vpop (xrf0)  }
0x1b1: {  	v7 =	vadd.s32 v6, v7;
	_ =	sdelay $0x1  }
0x1b2: {  	s17 =	sadd.s32 $0xFFFFFF90, s10  }
0x1b3: {  	s16 =	sor.u32 s24, s17  }
0x1b4: {  	v8 =	vor.u32 s16, v0  }
0x1b5: {  	[tilespmem:v7+s31+$0x0] =	vst.idx.msk vm8, v8  }
0x1b6: {  	v7 =	vld [tilespmem:s12+$0xFFFFF090]  }
0x1b7: {  	v8 =	vld [tilespmem:s12+$0x90];
	_ =	sdelay $0x4  }
0x1b8: {  	v7 =	vsub.f32 v7, v3;
	v8 =	vsub.f32 v8, v4;
	_ =	sdelay $0x1  }
0x1b9: {  	v7 =	vmul.f32 v7, v7;
	v8 =	vmul.f32 v8, v8;
	_ =	sdelay $0x1  }
0x1ba: {  	v7 =	vadd.f32 v8, v7;
	_ =	sdelay $0x1  }
0x1bb: {  	vm9 =	vle.f32 v7, v5  }
0x1bc: {  	v7 =	vsel vm9, $0x1, v1  }
0x1bd: {  	(xrf0) =	vadd.scan.msk.s32 $0xffff, v7;
	_ =	sdelay $0x1  }
0x1be: {  	v7 =	vmpcnt.ones.xlane vm8;
	_ =	sdelay $0x3  }
0x1bf: {  	v6 =	vadd.s32 v6, v7;
	v7, _, _ =	vpop (xrf0)  }
0x1c0: {  	v7 =	vadd.s32 v6, v7;
	_ =	sdelay $0x1  }
0x1c1: {  	s17 =	sadd.s32 $0xFFFFFFA0, s10  }
0x1c2: {  	s16 =	sor.u32 s24, s17  }
0x1c3: {  	v8 =	vor.u32 s16, v0  }
0x1c4: {  	[tilespmem:v7+s31+$0x0] =	vst.idx.msk vm9, v8  }
0x1c5: {  	v7 =	vld [tilespmem:s12+$0xFFFFF0A0]  }
0x1c6: {  	v8 =	vld [tilespmem:s12+$0xA0];
	_ =	sdelay $0x4  }
0x1c7: {  	v7 =	vsub.f32 v7, v3;
	v8 =	vsub.f32 v8, v4;
	_ =	sdelay $0x1  }
0x1c8: {  	v7 =	vmul.f32 v7, v7;
	v8 =	vmul.f32 v8, v8;
	_ =	sdelay $0x1  }
0x1c9: {  	v7 =	vadd.f32 v8, v7;
	_ =	sdelay $0x1  }
0x1ca: {  	vm10 =	vle.f32 v7, v5  }
0x1cb: {  	v7 =	vsel vm10, $0x1, v1  }
0x1cc: {  	(xrf0) =	vadd.scan.msk.s32 $0xffff, v7;
	_ =	sdelay $0x1  }
0x1cd: {  	v7 =	vmpcnt.ones.xlane vm9;
	_ =	sdelay $0x3  }
0x1ce: {  	v6 =	vadd.s32 v6, v7;
	v7, _, _ =	vpop (xrf0)  }
0x1cf: {  	v7 =	vadd.s32 v6, v7;
	_ =	sdelay $0x1  }
0x1d0: {  	s17 =	sadd.s32 $0xFFFFFFB0, s10  }
0x1d1: {  	s16 =	sor.u32 s24, s17  }
0x1d2: {  	v8 =	vor.u32 s16, v0  }
0x1d3: {  	[tilespmem:v7+s31+$0x0] =	vst.idx.msk vm10, v8  }
0x1d4: {  	v7 =	vld [tilespmem:s12+$0xFFFFF0B0]  }
0x1d5: {  	v8 =	vld [tilespmem:s12+$0xB0];
	_ =	sdelay $0x4  }
0x1d6: {  	v7 =	vsub.f32 v7, v3;
	v8 =	vsub.f32 v8, v4;
	_ =	sdelay $0x1  }
0x1d7: {  	v7 =	vmul.f32 v7, v7;
	v8 =	vmul.f32 v8, v8;
	_ =	sdelay $0x1  }
0x1d8: {  	v7 =	vadd.f32 v8, v7;
	_ =	sdelay $0x1  }
0x1d9: {  	vm11 =	vle.f32 v7, v5  }
0x1da: {  	v7 =	vsel vm11, $0x1, v1  }
0x1db: {  	(xrf0) =	vadd.scan.msk.s32 $0xffff, v7;
	_ =	sdelay $0x1  }
0x1dc: {  	v7 =	vmpcnt.ones.xlane vm10;
	_ =	sdelay $0x3  }
0x1dd: {  	v6 =	vadd.s32 v6, v7;
	v7, _, _ =	vpop (xrf0)  }
0x1de: {  	v7 =	vadd.s32 v6, v7;
	_ =	sdelay $0x1  }
0x1df: {  	s17 =	sadd.s32 $0xFFFFFFC0, s10  }
0x1e0: {  	s16 =	sor.u32 s24, s17  }
0x1e1: {  	v8 =	vor.u32 s16, v0  }
0x1e2: {  	[tilespmem:v7+s31+$0x0] =	vst.idx.msk vm11, v8  }
0x1e3: {  	v7 =	vld [tilespmem:s12+$0xFFFFF0C0]  }
0x1e4: {  	v8 =	vld [tilespmem:s12+$0xC0];
	_ =	sdelay $0x4  }
0x1e5: {  	v7 =	vsub.f32 v7, v3;
	v8 =	vsub.f32 v8, v4;
	_ =	sdelay $0x1  }
0x1e6: {  	v7 =	vmul.f32 v7, v7;
	v8 =	vmul.f32 v8, v8;
	_ =	sdelay $0x1  }
0x1e7: {  	v7 =	vadd.f32 v8, v7;
	_ =	sdelay $0x1  }
0x1e8: {  	vm12 =	vle.f32 v7, v5  }
0x1e9: {  	v7 =	vsel vm12, $0x1, v1  }
0x1ea: {  	(xrf0) =	vadd.scan.msk.s32 $0xffff, v7;
	_ =	sdelay $0x1  }
0x1eb: {  	v7 =	vmpcnt.ones.xlane vm11;
	_ =	sdelay $0x3  }
0x1ec: {  	v6 =	vadd.s32 v6, v7;
	v7, _, _ =	vpop (xrf0)  }
0x1ed: {  	v7 =	vadd.s32 v6, v7;
	_ =	sdelay $0x1  }
0x1ee: {  	s17 =	sadd.s32 $0xFFFFFFD0, s10  }
0x1ef: {  	s16 =	sor.u32 s24, s17  }
0x1f0: {  	v8 =	vor.u32 s16, v0  }
0x1f1: {  	[tilespmem:v7+s31+$0x0] =	vst.idx.msk vm12, v8  }
0x1f2: {  	v7 =	vld [tilespmem:s12+$0xFFFFF0D0]  }
0x1f3: {  	v8 =	vld [tilespmem:s12+$0xD0];
	_ =	sdelay $0x4  }
0x1f4: {  	v7 =	vsub.f32 v7, v3;
	v8 =	vsub.f32 v8, v4;
	_ =	sdelay $0x1  }
0x1f5: {  	v7 =	vmul.f32 v7, v7;
	v8 =	vmul.f32 v8, v8;
	_ =	sdelay $0x1  }
0x1f6: {  	v7 =	vadd.f32 v8, v7;
	_ =	sdelay $0x1  }
0x1f7: {  	vm13 =	vle.f32 v7, v5  }
0x1f8: {  	v7 =	vsel vm13, $0x1, v1  }
0x1f9: {  	(xrf0) =	vadd.scan.msk.s32 $0xffff, v7;
	_ =	sdelay $0x1  }
0x1fa: {  	v7 =	vmpcnt.ones.xlane vm12;
	_ =	sdelay $0x3  }
0x1fb: {  	v6 =	vadd.s32 v6, v7;
	v7, _, _ =	vpop (xrf0)  }
0x1fc: {  	v7 =	vadd.s32 v6, v7;
	_ =	sdelay $0x1  }
0x1fd: {  	s17 =	sadd.s32 $0xFFFFFFE0, s10  }
0x1fe: {  	s16 =	sor.u32 s24, s17  }
0x1ff: {  	v8 =	vor.u32 s16, v0  }
0x200: {  	[tilespmem:v7+s31+$0x0] =	vst.idx.msk vm13, v8  }
0x201: {  	v7 =	vld [tilespmem:s12+$0xFFFFF0E0]  }
0x202: {  	v8 =	vld [tilespmem:s12+$0xE0];
	_ =	sdelay $0x4  }
0x203: {  	v7 =	vsub.f32 v7, v3;
	v8 =	vsub.f32 v8, v4;
	_ =	sdelay $0x1  }
0x204: {  	v7 =	vmul.f32 v7, v7;
	v8 =	vmul.f32 v8, v8;
	_ =	sdelay $0x1  }
0x205: {  	v7 =	vadd.f32 v8, v7;
	_ =	sdelay $0x1  }
0x206: {  	vm14 =	vle.f32 v7, v5  }
0x207: {  	v7 =	vsel vm14, $0x1, v1  }
0x208: {  	(xrf0) =	vadd.scan.msk.s32 $0xffff, v7;
	_ =	sdelay $0x1  }
0x209: {  	v7 =	vmpcnt.ones.xlane vm13;
	_ =	sdelay $0x3  }
0x20a: {  	v6 =	vadd.s32 v6, v7;
	v7, _, _ =	vpop (xrf0)  }
0x20b: {  	v7 =	vadd.s32 v6, v7;
	_ =	sdelay $0x1  }
0x20c: {  	s17 =	sadd.s32 $0xFFFFFFF0, s10  }
0x20d: {  	s16 =	sor.u32 s24, s17  }
0x20e: {  	v8 =	vor.u32 s16, v0  }
0x20f: {  	[tilespmem:v7+s31+$0x0] =	vst.idx.msk vm14, v8  }
0x210: {  	v7 =	vld [tilespmem:s12+$0xFFFFF0F0]  }
0x211: {  	v8 =	vld [tilespmem:s12+$0xF0];
	_ =	sdelay $0x4  }
0x212: {  	v7 =	vsub.f32 v7, v3;
	v8 =	vsub.f32 v8, v4;
	_ =	sdelay $0x1  }
0x213: {  	v7 =	vmul.f32 v7, v7;
	v8 =	vmul.f32 v8, v8;
	_ =	sdelay $0x1  }
0x214: {  	v7 =	vadd.f32 v8, v7;
	_ =	sdelay $0x1  }
0x215: {  	v8 =	vmpcnt.ones.xlane vm14;
	vm15 =	vle.f32 v7, v5  }
0x216: {  	v7 =	vmpcnt.ones.xlane vm15  }
0x217: {  	v8 =	vadd.s32 v6, v8  }
0x218: {  	v6 =	vadd.s32 v8, v7  }
0x219: {  	(v2sf) =	vpush v6, $0x0;
	_ =	sdelay $0x8  }
0x21a: {  	v7 =	vsel vm15, $0x1, v1  }
0x21b: {  	(xrf0) =	vadd.scan.msk.s32 $0xffff, v7;
	_ =	sdelay $0x4  }
0x21c: {  	p1 =	sgt.u32 s15, $0xE;
	s16 =	spop (v2sf)  }
0x21d: {  	v7, _, _ =	vpop (xrf0);
	p2 =	slt.s32 @!p1 s16, $0x7F  }
0x21e: {  	v7 =	vadd.s32 v8, v7;
	p1 =	por p1, !p2  }
.Ltmp11:
0x21f: {  	_ = 	snop;
	(pc) =	sbr.rel @!p1 .LBB2_14-.Ltmp11, $4  }
0x220: {  	_ = 	snop  }
0x221: {  	s17 =	sor.u32 s24, s10  }
0x222: {  	v8 =	vor.u32 s17, v0  }
0x223: {  	s15 =	sadd.s32 $0x1, s15;
	s10 =	sadd.s32 $0x100, s10;
	s12 =	sadd.s32 $0x100, s12;
	[tilespmem:v7+s31+$0x0] =	vst.idx.msk vm15, v8  }
0x224: {  	s10 =	sadd.s32 $0x1, s16  }
.LBB2_16:
0x225: {  	[smem:$0x0] =	sst s10  }
0x226: {  	s10 =	sld [smem:$0x8]  }
.LBB2_19:
0x227: {  	s15 =	sld [smem:$0x0];
	_ =	sdelay $0x2  }
0x228: {  	s12 =	sor.u32 $0x1, s23;
	p1 =	sgt.s32 s15, $0x7F  }
0x229: {  	p2 =	sne.s32 @!p1 s10, s12  }
0x22a: {  	p2 =	por p1, p2  }
.Ltmp12:
0x22b: {  	_ = 	snop;
	(pc) =	sbr.rel @p2 .LBB2_20-.Ltmp12, $1  }
0x22c: {  	_ =	sdelay $0x3  }
0x22d: {  	s12 =	sadd.s32 $0x2, s23;
	p1 =	seq.s32 s9, $0xF  }
0x22e: {  	s15 =	sshll.u32 @!p1 s12, $0xD  }
0x22f: {  	s15 =	sand.u32 @!p1 $0x3FFFE000, s15  }
0x230: {  	s16 =	simm.s32 @!p1 $0x9000;
	s15 =	sadd.s32 @!p1 s15, s2  }
0x231: {  	[tilespmem:s16], [sflag:$0x1] =	stream.linear.gather @!p1 [spmem:s15], $0x2000, $0x38;
	[tilespmem:$0x17930] =	vst v63  }
0x232: {  	_ =	swait.ge [sflag:s0], $0x2000  }
0x233: {  	[sflag:s0] =	ssyncset.done $0x0  }
0x234: {  	[sflag:s0] =	ssyncadd.s32 $0xFFFFE000  }
0x235: {  	[smem:$0x8] =	sst s12  }
0x236: {  	s12 =	sld [smem:$0x0];
	_ =	sdelay $0x2  }
0x237: {  	s15 =	sadd.s32 $0xFFFFFFFF, s12  }
0x238: {  	p1 =	sgt.s32 s15, $0x7E  }
.Ltmp13:
0x239: {  	_ = 	snop;
	(pc) =	sbr.rel @p1 .LBB2_25-.Ltmp13, $1  }
0x23a: {  	_ =	sdelay $0x3  }
0x23b: {  	s23 =	sshll.u32 s10, $0xC  }
0x23c: {  	v6 =	vmov s15;
	s15 =	simm.s32 $0x0;
	s10 =	simm.s32 $0xF0;
	s12 =	simm.s32 $0xC000  }
.LBB2_23:
0x23d: {  	v7 =	vld [tilespmem:s12+$0xFFFFF000]  }
0x23e: {  	v8 =	vld [tilespmem:s12+$0x0];
	_ =	sdelay $0x4  }
0x23f: {  	v7 =	vsub.f32 v7, v3;
	v8 =	vsub.f32 v8, v4;
	_ =	sdelay $0x1  }
0x240: {  	v7 =	vmul.f32 v7, v7;
	v8 =	vmul.f32 v8, v8;
	_ =	sdelay $0x1  }
0x241: {  	v7 =	vadd.f32 v8, v7;
	_ =	sdelay $0x1  }
0x242: {  	vm0 =	vle.f32 v7, v5  }
0x243: {  	v7 =	vsel vm0, $0x1, v1  }
0x244: {  	(xrf0) =	vadd.scan.msk.s32 $0xffff, v7;
	_ =	sdelay $0x5  }
0x245: {  	v7, _, _ =	vpop (xrf0)  }
0x246: {  	v7 =	vadd.s32 v6, v7;
	_ =	sdelay $0x1  }
0x247: {  	s16 =	sadd.s32 $0xFFFFFF10, s10  }
0x248: {  	s16 =	sor.u32 s23, s16  }
0x249: {  	v8 =	vor.u32 s16, v0  }
0x24a: {  	[tilespmem:v7+s31+$0x0] =	vst.idx.msk vm0, v8  }
0x24b: {  	v7 =	vld [tilespmem:s12+$0xFFFFF010]  }
0x24c: {  	v8 =	vld [tilespmem:s12+$0x10];
	_ =	sdelay $0x4  }
0x24d: {  	v7 =	vsub.f32 v7, v3;
	v8 =	vsub.f32 v8, v4;
	_ =	sdelay $0x1  }
0x24e: {  	v7 =	vmul.f32 v7, v7;
	v8 =	vmul.f32 v8, v8;
	_ =	sdelay $0x1  }
0x24f: {  	v7 =	vadd.f32 v8, v7;
	_ =	sdelay $0x1  }
0x250: {  	vm1 =	vle.f32 v7, v5  }
0x251: {  	v7 =	vsel vm1, $0x1, v1  }
0x252: {  	(xrf0) =	vadd.scan.msk.s32 $0xffff, v7;
	_ =	sdelay $0x1  }
0x253: {  	v7 =	vmpcnt.ones.xlane vm0;
	_ =	sdelay $0x3  }
0x254: {  	v6 =	vadd.s32 v6, v7;
	v7, _, _ =	vpop (xrf0)  }
0x255: {  	v7 =	vadd.s32 v6, v7;
	_ =	sdelay $0x1  }
0x256: {  	s17 =	sadd.s32 $0xFFFFFF20, s10  }
0x257: {  	s16 =	sor.u32 s23, s17  }
0x258: {  	v8 =	vor.u32 s16, v0  }
0x259: {  	[tilespmem:v7+s31+$0x0] =	vst.idx.msk vm1, v8  }
0x25a: {  	v7 =	vld [tilespmem:s12+$0xFFFFF020]  }
0x25b: {  	v8 =	vld [tilespmem:s12+$0x20];
	_ =	sdelay $0x4  }
0x25c: {  	v7 =	vsub.f32 v7, v3;
	v8 =	vsub.f32 v8, v4;
	_ =	sdelay $0x1  }
0x25d: {  	v7 =	vmul.f32 v7, v7;
	v8 =	vmul.f32 v8, v8;
	_ =	sdelay $0x1  }
0x25e: {  	v7 =	vadd.f32 v8, v7;
	_ =	sdelay $0x1  }
0x25f: {  	vm14 =	vle.f32 v7, v5  }
0x260: {  	v7 =	vsel vm14, $0x1, v1  }
0x261: {  	(xrf0) =	vadd.scan.msk.s32 $0xffff, v7;
	_ =	sdelay $0x1  }
0x262: {  	v7 =	vmpcnt.ones.xlane vm1;
	_ =	sdelay $0x3  }
0x263: {  	v6 =	vadd.s32 v6, v7;
	v7, _, _ =	vpop (xrf0)  }
0x264: {  	v7 =	vadd.s32 v6, v7;
	_ =	sdelay $0x1  }
0x265: {  	s24 =	sadd.s32 $0xFFFFFF30, s10  }
0x266: {  	s16 =	sor.u32 s23, s24  }
0x267: {  	v8 =	vor.u32 s16, v0  }
0x268: {  	[tilespmem:v7+s31+$0x0] =	vst.idx.msk vm14, v8  }
0x269: {  	v7 =	vld [tilespmem:s12+$0xFFFFF030]  }
0x26a: {  	v8 =	vld [tilespmem:s12+$0x30];
	_ =	sdelay $0x4  }
0x26b: {  	v7 =	vsub.f32 v7, v3;
	v8 =	vsub.f32 v8, v4;
	_ =	sdelay $0x1  }
0x26c: {  	v7 =	vmul.f32 v7, v7;
	v8 =	vmul.f32 v8, v8;
	_ =	sdelay $0x1  }
0x26d: {  	v7 =	vadd.f32 v8, v7;
	_ =	sdelay $0x1  }
0x26e: {  	vm15 =	vle.f32 v7, v5  }
0x26f: {  	v7 =	vsel vm15, $0x1, v1  }
0x270: {  	(xrf0) =	vadd.scan.msk.s32 $0xffff, v7;
	_ =	sdelay $0x1  }
0x271: {  	v7 =	vmpcnt.ones.xlane vm14;
	_ =	sdelay $0x3  }
0x272: {  	v6 =	vadd.s32 v6, v7;
	v7, _, _ =	vpop (xrf0)  }
0x273: {  	v7 =	vadd.s32 v6, v7;
	_ =	sdelay $0x1  }
0x274: {  	s17 =	sadd.s32 $0xFFFFFF40, s10  }
0x275: {  	s16 =	sor.u32 s23, s17  }
0x276: {  	v8 =	vor.u32 s16, v0  }
0x277: {  	[tilespmem:v7+s31+$0x0] =	vst.idx.msk vm15, v8  }
0x278: {  	v7 =	vld [tilespmem:s12+$0xFFFFF040]  }
0x279: {  	v8 =	vld [tilespmem:s12+$0x40];
	_ =	sdelay $0x4  }
0x27a: {  	v7 =	vsub.f32 v7, v3;
	v8 =	vsub.f32 v8, v4;
	_ =	sdelay $0x1  }
0x27b: {  	v7 =	vmul.f32 v7, v7;
	v8 =	vmul.f32 v8, v8;
	_ =	sdelay $0x1  }
0x27c: {  	v7 =	vadd.f32 v8, v7;
	_ =	sdelay $0x1  }
0x27d: {  	vm4 =	vle.f32 v7, v5  }
0x27e: {  	v7 =	vsel vm4, $0x1, v1  }
0x27f: {  	(xrf0) =	vadd.scan.msk.s32 $0xffff, v7;
	_ =	sdelay $0x1  }
0x280: {  	v7 =	vmpcnt.ones.xlane vm15;
	_ =	sdelay $0x3  }
0x281: {  	v6 =	vadd.s32 v6, v7;
	v7, _, _ =	vpop (xrf0)  }
0x282: {  	v7 =	vadd.s32 v6, v7;
	_ =	sdelay $0x1  }
0x283: {  	s24 =	sadd.s32 $0xFFFFFF50, s10  }
0x284: {  	s16 =	sor.u32 s23, s24  }
0x285: {  	v8 =	vor.u32 s16, v0  }
0x286: {  	[tilespmem:v7+s31+$0x0] =	vst.idx.msk vm4, v8  }
0x287: {  	v7 =	vld [tilespmem:s12+$0xFFFFF050]  }
0x288: {  	v8 =	vld [tilespmem:s12+$0x50];
	_ =	sdelay $0x4  }
0x289: {  	v7 =	vsub.f32 v7, v3;
	v8 =	vsub.f32 v8, v4;
	_ =	sdelay $0x1  }
0x28a: {  	v7 =	vmul.f32 v7, v7;
	v8 =	vmul.f32 v8, v8;
	_ =	sdelay $0x1  }
0x28b: {  	v7 =	vadd.f32 v8, v7;
	_ =	sdelay $0x1  }
0x28c: {  	vm5 =	vle.f32 v7, v5  }
0x28d: {  	v7 =	vsel vm5, $0x1, v1  }
0x28e: {  	(xrf0) =	vadd.scan.msk.s32 $0xffff, v7;
	_ =	sdelay $0x1  }
0x28f: {  	v7 =	vmpcnt.ones.xlane vm4;
	_ =	sdelay $0x3  }
0x290: {  	v6 =	vadd.s32 v6, v7;
	v7, _, _ =	vpop (xrf0)  }
0x291: {  	v7 =	vadd.s32 v6, v7;
	_ =	sdelay $0x1  }
0x292: {  	s17 =	sadd.s32 $0xFFFFFF60, s10  }
0x293: {  	s16 =	sor.u32 s23, s17  }
0x294: {  	v8 =	vor.u32 s16, v0  }
0x295: {  	[tilespmem:v7+s31+$0x0] =	vst.idx.msk vm5, v8  }
0x296: {  	v7 =	vld [tilespmem:s12+$0xFFFFF060]  }
0x297: {  	v8 =	vld [tilespmem:s12+$0x60];
	_ =	sdelay $0x4  }
0x298: {  	v7 =	vsub.f32 v7, v3;
	v8 =	vsub.f32 v8, v4;
	_ =	sdelay $0x1  }
0x299: {  	v7 =	vmul.f32 v7, v7;
	v8 =	vmul.f32 v8, v8;
	_ =	sdelay $0x1  }
0x29a: {  	v7 =	vadd.f32 v8, v7;
	_ =	sdelay $0x1  }
0x29b: {  	vm6 =	vle.f32 v7, v5  }
0x29c: {  	v7 =	vsel vm6, $0x1, v1  }
0x29d: {  	(xrf0) =	vadd.scan.msk.s32 $0xffff, v7;
	_ =	sdelay $0x1  }
0x29e: {  	v7 =	vmpcnt.ones.xlane vm5;
	_ =	sdelay $0x3  }
0x29f: {  	v6 =	vadd.s32 v6, v7;
	v7, _, _ =	vpop (xrf0)  }
0x2a0: {  	v7 =	vadd.s32 v6, v7;
	_ =	sdelay $0x1  }
0x2a1: {  	s24 =	sadd.s32 $0xFFFFFF70, s10  }
0x2a2: {  	s16 =	sor.u32 s23, s24  }
0x2a3: {  	v8 =	vor.u32 s16, v0  }
0x2a4: {  	[tilespmem:v7+s31+$0x0] =	vst.idx.msk vm6, v8  }
0x2a5: {  	v7 =	vld [tilespmem:s12+$0xFFFFF070]  }
0x2a6: {  	v8 =	vld [tilespmem:s12+$0x70];
	_ =	sdelay $0x4  }
0x2a7: {  	v7 =	vsub.f32 v7, v3;
	v8 =	vsub.f32 v8, v4;
	_ =	sdelay $0x1  }
0x2a8: {  	v7 =	vmul.f32 v7, v7;
	v8 =	vmul.f32 v8, v8;
	_ =	sdelay $0x1  }
0x2a9: {  	v7 =	vadd.f32 v8, v7;
	_ =	sdelay $0x1  }
0x2aa: {  	vm7 =	vle.f32 v7, v5  }
0x2ab: {  	v7 =	vsel vm7, $0x1, v1  }
0x2ac: {  	(xrf0) =	vadd.scan.msk.s32 $0xffff, v7;
	_ =	sdelay $0x1  }
0x2ad: {  	v7 =	vmpcnt.ones.xlane vm6;
	_ =	sdelay $0x3  }
0x2ae: {  	v6 =	vadd.s32 v6, v7;
	v7, _, _ =	vpop (xrf0)  }
0x2af: {  	v7 =	vadd.s32 v6, v7;
	_ =	sdelay $0x1  }
0x2b0: {  	s17 =	sadd.s32 $0xFFFFFF80, s10  }
0x2b1: {  	s16 =	sor.u32 s23, s17  }
0x2b2: {  	v8 =	vor.u32 s16, v0  }
0x2b3: {  	[tilespmem:v7+s31+$0x0] =	vst.idx.msk vm7, v8  }
0x2b4: {  	v7 =	vld [tilespmem:s12+$0xFFFFF080]  }
0x2b5: {  	v8 =	vld [tilespmem:s12+$0x80];
	_ =	sdelay $0x4  }
0x2b6: {  	v7 =	vsub.f32 v7, v3;
	v8 =	vsub.f32 v8, v4;
	_ =	sdelay $0x1  }
0x2b7: {  	v7 =	vmul.f32 v7, v7;
	v8 =	vmul.f32 v8, v8;
	_ =	sdelay $0x1  }
0x2b8: {  	v7 =	vadd.f32 v8, v7;
	_ =	sdelay $0x1  }
0x2b9: {  	vm8 =	vle.f32 v7, v5  }
0x2ba: {  	v7 =	vsel vm8, $0x1, v1  }
0x2bb: {  	(xrf0) =	vadd.scan.msk.s32 $0xffff, v7;
	_ =	sdelay $0x1  }
0x2bc: {  	v7 =	vmpcnt.ones.xlane vm7;
	_ =	sdelay $0x3  }
0x2bd: {  	v6 =	vadd.s32 v6, v7;
	v7, _, _ =	vpop (xrf0)  }
0x2be: {  	v7 =	vadd.s32 v6, v7;
	_ =	sdelay $0x1  }
0x2bf: {  	s24 =	sadd.s32 $0xFFFFFF90, s10  }
0x2c0: {  	s16 =	sor.u32 s23, s24  }
0x2c1: {  	v8 =	vor.u32 s16, v0  }
0x2c2: {  	[tilespmem:v7+s31+$0x0] =	vst.idx.msk vm8, v8  }
0x2c3: {  	v7 =	vld [tilespmem:s12+$0xFFFFF090]  }
0x2c4: {  	v8 =	vld [tilespmem:s12+$0x90];
	_ =	sdelay $0x4  }
0x2c5: {  	v7 =	vsub.f32 v7, v3;
	v8 =	vsub.f32 v8, v4;
	_ =	sdelay $0x1  }
0x2c6: {  	v7 =	vmul.f32 v7, v7;
	v8 =	vmul.f32 v8, v8;
	_ =	sdelay $0x1  }
0x2c7: {  	v7 =	vadd.f32 v8, v7;
	_ =	sdelay $0x1  }
0x2c8: {  	vm9 =	vle.f32 v7, v5  }
0x2c9: {  	v7 =	vsel vm9, $0x1, v1  }
0x2ca: {  	(xrf0) =	vadd.scan.msk.s32 $0xffff, v7;
	_ =	sdelay $0x1  }
0x2cb: {  	v7 =	vmpcnt.ones.xlane vm8;
	_ =	sdelay $0x3  }
0x2cc: {  	v6 =	vadd.s32 v6, v7;
	v7, _, _ =	vpop (xrf0)  }
0x2cd: {  	v7 =	vadd.s32 v6, v7;
	_ =	sdelay $0x1  }
0x2ce: {  	s17 =	sadd.s32 $0xFFFFFFA0, s10  }
0x2cf: {  	s16 =	sor.u32 s23, s17  }
0x2d0: {  	v8 =	vor.u32 s16, v0  }
0x2d1: {  	[tilespmem:v7+s31+$0x0] =	vst.idx.msk vm9, v8  }
0x2d2: {  	v7 =	vld [tilespmem:s12+$0xFFFFF0A0]  }
0x2d3: {  	v8 =	vld [tilespmem:s12+$0xA0];
	_ =	sdelay $0x4  }
0x2d4: {  	v7 =	vsub.f32 v7, v3;
	v8 =	vsub.f32 v8, v4;
	_ =	sdelay $0x1  }
0x2d5: {  	v7 =	vmul.f32 v7, v7;
	v8 =	vmul.f32 v8, v8;
	_ =	sdelay $0x1  }
0x2d6: {  	v7 =	vadd.f32 v8, v7;
	_ =	sdelay $0x1  }
0x2d7: {  	vm10 =	vle.f32 v7, v5  }
0x2d8: {  	v7 =	vsel vm10, $0x1, v1  }
0x2d9: {  	(xrf0) =	vadd.scan.msk.s32 $0xffff, v7;
	_ =	sdelay $0x1  }
0x2da: {  	v7 =	vmpcnt.ones.xlane vm9;
	_ =	sdelay $0x3  }
0x2db: {  	v6 =	vadd.s32 v6, v7;
	v7, _, _ =	vpop (xrf0)  }
0x2dc: {  	v7 =	vadd.s32 v6, v7;
	_ =	sdelay $0x1  }
0x2dd: {  	s24 =	sadd.s32 $0xFFFFFFB0, s10  }
0x2de: {  	s16 =	sor.u32 s23, s24  }
0x2df: {  	v8 =	vor.u32 s16, v0  }
0x2e0: {  	[tilespmem:v7+s31+$0x0] =	vst.idx.msk vm10, v8  }
0x2e1: {  	v7 =	vld [tilespmem:s12+$0xFFFFF0B0]  }
0x2e2: {  	v8 =	vld [tilespmem:s12+$0xB0];
	_ =	sdelay $0x4  }
0x2e3: {  	v7 =	vsub.f32 v7, v3;
	v8 =	vsub.f32 v8, v4;
	_ =	sdelay $0x1  }
0x2e4: {  	v7 =	vmul.f32 v7, v7;
	v8 =	vmul.f32 v8, v8;
	_ =	sdelay $0x1  }
0x2e5: {  	v7 =	vadd.f32 v8, v7;
	_ =	sdelay $0x1  }
0x2e6: {  	vm11 =	vle.f32 v7, v5  }
0x2e7: {  	v7 =	vsel vm11, $0x1, v1  }
0x2e8: {  	(xrf0) =	vadd.scan.msk.s32 $0xffff, v7;
	_ =	sdelay $0x1  }
0x2e9: {  	v7 =	vmpcnt.ones.xlane vm10;
	_ =	sdelay $0x3  }
0x2ea: {  	v6 =	vadd.s32 v6, v7;
	v7, _, _ =	vpop (xrf0)  }
0x2eb: {  	v7 =	vadd.s32 v6, v7;
	_ =	sdelay $0x1  }
0x2ec: {  	s17 =	sadd.s32 $0xFFFFFFC0, s10  }
0x2ed: {  	s16 =	sor.u32 s23, s17  }
0x2ee: {  	v8 =	vor.u32 s16, v0  }
0x2ef: {  	[tilespmem:v7+s31+$0x0] =	vst.idx.msk vm11, v8  }
0x2f0: {  	v7 =	vld [tilespmem:s12+$0xFFFFF0C0]  }
0x2f1: {  	v8 =	vld [tilespmem:s12+$0xC0];
	_ =	sdelay $0x4  }
0x2f2: {  	v7 =	vsub.f32 v7, v3;
	v8 =	vsub.f32 v8, v4;
	_ =	sdelay $0x1  }
0x2f3: {  	v7 =	vmul.f32 v7, v7;
	v8 =	vmul.f32 v8, v8;
	_ =	sdelay $0x1  }
0x2f4: {  	v7 =	vadd.f32 v8, v7;
	_ =	sdelay $0x1  }
0x2f5: {  	vm12 =	vle.f32 v7, v5  }
0x2f6: {  	v7 =	vsel vm12, $0x1, v1  }
0x2f7: {  	(xrf0) =	vadd.scan.msk.s32 $0xffff, v7;
	_ =	sdelay $0x1  }
0x2f8: {  	v7 =	vmpcnt.ones.xlane vm11;
	_ =	sdelay $0x3  }
0x2f9: {  	v6 =	vadd.s32 v6, v7;
	v7, _, _ =	vpop (xrf0)  }
0x2fa: {  	v7 =	vadd.s32 v6, v7;
	_ =	sdelay $0x1  }
0x2fb: {  	s24 =	sadd.s32 $0xFFFFFFD0, s10  }
0x2fc: {  	s16 =	sor.u32 s23, s24  }
0x2fd: {  	v8 =	vor.u32 s16, v0  }
0x2fe: {  	[tilespmem:v7+s31+$0x0] =	vst.idx.msk vm12, v8  }
0x2ff: {  	v7 =	vld [tilespmem:s12+$0xFFFFF0D0]  }
0x300: {  	v8 =	vld [tilespmem:s12+$0xD0];
	_ =	sdelay $0x4  }
0x301: {  	v7 =	vsub.f32 v7, v3;
	v8 =	vsub.f32 v8, v4;
	_ =	sdelay $0x1  }
0x302: {  	v7 =	vmul.f32 v7, v7;
	v8 =	vmul.f32 v8, v8;
	_ =	sdelay $0x1  }
0x303: {  	v7 =	vadd.f32 v8, v7;
	_ =	sdelay $0x1  }
0x304: {  	vm13 =	vle.f32 v7, v5  }
0x305: {  	v7 =	vsel vm13, $0x1, v1  }
0x306: {  	(xrf0) =	vadd.scan.msk.s32 $0xffff, v7;
	_ =	sdelay $0x1  }
0x307: {  	v7 =	vmpcnt.ones.xlane vm12;
	_ =	sdelay $0x3  }
0x308: {  	v6 =	vadd.s32 v6, v7;
	v7, _, _ =	vpop (xrf0)  }
0x309: {  	v7 =	vadd.s32 v6, v7;
	_ =	sdelay $0x1  }
0x30a: {  	s17 =	sadd.s32 $0xFFFFFFE0, s10  }
0x30b: {  	s16 =	sor.u32 s23, s17  }
0x30c: {  	v8 =	vor.u32 s16, v0  }
0x30d: {  	[tilespmem:v7+s31+$0x0] =	vst.idx.msk vm13, v8  }
0x30e: {  	v7 =	vld [tilespmem:s12+$0xFFFFF0E0]  }
0x30f: {  	v8 =	vld [tilespmem:s12+$0xE0];
	_ =	sdelay $0x4  }
0x310: {  	v7 =	vsub.f32 v7, v3;
	v8 =	vsub.f32 v8, v4;
	_ =	sdelay $0x1  }
0x311: {  	v7 =	vmul.f32 v7, v7;
	v8 =	vmul.f32 v8, v8;
	_ =	sdelay $0x1  }
0x312: {  	v7 =	vadd.f32 v8, v7;
	_ =	sdelay $0x1  }
0x313: {  	vm14 =	vle.f32 v7, v5  }
0x314: {  	v7 =	vsel vm14, $0x1, v1  }
0x315: {  	(xrf0) =	vadd.scan.msk.s32 $0xffff, v7;
	_ =	sdelay $0x1  }
0x316: {  	v7 =	vmpcnt.ones.xlane vm13;
	_ =	sdelay $0x3  }
0x317: {  	v6 =	vadd.s32 v6, v7;
	v7, _, _ =	vpop (xrf0)  }
0x318: {  	v7 =	vadd.s32 v6, v7;
	_ =	sdelay $0x1  }
0x319: {  	s24 =	sadd.s32 $0xFFFFFFF0, s10  }
0x31a: {  	s16 =	sor.u32 s23, s24  }
0x31b: {  	v8 =	vor.u32 s16, v0  }
0x31c: {  	[tilespmem:v7+s31+$0x0] =	vst.idx.msk vm14, v8  }
0x31d: {  	v7 =	vld [tilespmem:s12+$0xFFFFF0F0]  }
0x31e: {  	v8 =	vld [tilespmem:s12+$0xF0];
	_ =	sdelay $0x4  }
0x31f: {  	v7 =	vsub.f32 v7, v3;
	v8 =	vsub.f32 v8, v4;
	_ =	sdelay $0x1  }
0x320: {  	v7 =	vmul.f32 v7, v7;
	v8 =	vmul.f32 v8, v8;
	_ =	sdelay $0x1  }
0x321: {  	v7 =	vadd.f32 v8, v7;
	_ =	sdelay $0x1  }
0x322: {  	v8 =	vmpcnt.ones.xlane vm14;
	vm15 =	vle.f32 v7, v5  }
0x323: {  	v7 =	vmpcnt.ones.xlane vm15  }
0x324: {  	v8 =	vadd.s32 v6, v8  }
0x325: {  	v6 =	vadd.s32 v8, v7  }
0x326: {  	(v2sf) =	vpush v6, $0x0;
	_ =	sdelay $0x8  }
0x327: {  	v7 =	vsel vm15, $0x1, v1  }
0x328: {  	(xrf0) =	vadd.scan.msk.s32 $0xffff, v7;
	_ =	sdelay $0x4  }
0x329: {  	p1 =	sgt.u32 s15, $0xE;
	s16 =	spop (v2sf)  }
0x32a: {  	v7, _, _ =	vpop (xrf0);
	p2 =	slt.s32 @!p1 s16, $0x7F  }
0x32b: {  	v7 =	vadd.s32 v8, v7;
	p1 =	por p1, !p2  }
.Ltmp14:
0x32c: {  	_ = 	snop;
	(pc) =	sbr.rel @!p1 .LBB2_23-.Ltmp14, $4  }
0x32d: {  	_ = 	snop  }
0x32e: {  	s17 =	sor.u32 s23, s10  }
0x32f: {  	v8 =	vor.u32 s17, v0  }
0x330: {  	s15 =	sadd.s32 $0x1, s15;
	s10 =	sadd.s32 $0x100, s10;
	s12 =	sadd.s32 $0x100, s12;
	[tilespmem:v7+s31+$0x0] =	vst.idx.msk vm15, v8  }
.Ltmp15:
0x331: {  	(pc) =	sbr.rel .LBB2_25-.Ltmp15, $2  }
0x332: {  	_ =	sdelay $0x2  }
0x333: {  	s12 =	sadd.s32 $0x1, s16  }
.LBB2_17:
0x334: {  	s10 =	sld [smem:$0x8];
	_ =	sdelay $0x1  }
0x335: {  	p1 =	slt.s32 s12, $0x80  }
0x336: {  	p2 =	sne.s32 @!p1 s10, s23  }
0x337: {  	p2 =	por p1, p2  }
.Ltmp16:
0x338: {  	_ = 	snop;
	(pc) =	sbr.rel @p2 .LBB2_18-.Ltmp16, $1  }
0x339: {  	_ =	sdelay $0x3  }
.Ltmp17:
0x33a: {  	_ =	swait.ge [sflag:s28], $0x2000;
	(pc) =	sbr.rel .LBB2_27-.Ltmp17, $4  }
0x33b: {  	[sflag:s28] =	ssyncset.done $0x0  }
0x33c: {  	[sflag:s28] =	ssyncadd.s32 $0xFFFFE000  }
0x33d: {  	[smem:$0x8] =	sst s21  }
0x33e: {  	s12 =	sor.u32 $0x1, s23;
	s15 =	sld [smem:$0x0]  }
.LBB2_20:
0x33f: {  	s15 =	smov.u32 @p1 s15;
	s12 =	smov.u32 @p1 s12  }
.LBB2_27:
0x340: {  	s16 =	sld [smem:$0x8];
	_ =	sdelay $0x1  }
0x341: {  	p1 =	slt.s32 s15, $0x80  }
0x342: {  	p2 =	sne.s32 @!p1 s16, s12  }
0x343: {  	p3 =	por p2, p1  }
.Ltmp18:
0x344: {  	s12 =	simm.s32 @!p3 $0x2;
	(pc) =	sbr.rel .LBB2_28-.Ltmp18, $4  }
0x345: {  	_ =	swait.ge @!p3 [sflag:s12], $0x2000  }
0x346: {  	s10 =	smov.u32 s16;
	p2 =	por !p2, p1;
	[sflag:s12] =	ssyncset.done @!p3 $0x0  }
0x347: {  	s10 =	simm.s32 @p2 $0xFFFFFFFF;
	[sflag:s12] =	ssyncadd.s32 @!p3 $0xFFFFE000;
	s12 =	simm.s32 @!p3 $0xFFFFFFFF  }
0x348: {  	s10 =	smov.u32 @p1 s16;
	[smem:$0x8] =	sst @!p3 s12  }
.LBB2_18:
.Ltmp19:
0x349: {  	(pc) =	sbr.rel .LBB2_19-.Ltmp19, $2  }
0x34a: {  	_ =	sdelay $0x2  }
0x34b: {  	s10 =	smov.u32 @p1 s10  }
.LBB2_29:
0x34c: {  	v3 =	vld [tilespmem:$0x17330]  }
0x34d: {  	v4 =	vld [tilespmem:$0x17340]  }
0x34e: {  	v5 =	vld [tilespmem:$0x17350]  }
0x34f: {  	v6 =	vld [tilespmem:$0x17360]  }
0x350: {  	v7 =	vld [tilespmem:$0x17370]  }
0x351: {  	v62 =	vld [tilespmem:$0x17390];
	[tilespmem:$0x174B0] =	vst v3  }
0x352: {  	v63 =	vld [tilespmem:$0x173A0];
	[tilespmem:$0x174C0] =	vst v4  }
0x353: {  	v3 =	vld [tilespmem:$0x17380];
	[tilespmem:$0x174D0] =	vst v5  }
0x354: {  	[tilespmem:$0x174E0] =	vst v6  }
0x355: {  	[tilespmem:$0x174F0] =	vst v7  }
0x356: {  	[tilespmem:$0x17510] =	vst v62  }
0x357: {  	[tilespmem:$0x17520] =	vst v63  }
0x358: {  	[tilespmem:$0x17500] =	vst v3  }
0x359: {  	[tilespmem:s20], [sflag:$0x1] =	stream.indirect.gather [hbm4b:s13+s1], $0x8, s18, s1, $0xb8;
	[tilespmem:$0x17930] =	vst v63  }
0x35a: {  	_ =	swait.ge [sflag:s28], $0x400  }
0x35b: {  	[sflag:s28] =	ssyncset.done $0x0  }
0x35c: {  	[sflag:s28] =	ssyncadd.s32 $0xFFFFFC00  }
0x35d: {  	s9 =	sld [smem:$0x0];
	_ =	sdelay $0x2  }
0x35e: {  	p1 =	sgt.s32 s9, $0x7F  }
.Ltmp20:
0x35f: {  	_ = 	snop;
	(pc) =	sbr.rel @p1 .LBB2_33-.Ltmp20, $1  }
0x360: {  	_ =	sdelay $0x3  }
0x361: {  	s9 =	sshll.u32 s9, $0x3;
	s10 =	simm.s32 $0x0  }
0x362: {  	v3 =	vmov s9;
	v5 =	vor.u32 s10, v0  }
0x363: {  	v4 =	vor.u32 $0xFFFFFFF8, v0;
	vm0 =	vge.s32 v5, v3  }
0x364: {  	s9 =	simm.s32 $0x10;
	v5 =	vand.u32 v4, v5  }
.LBB2_31:
0x365: {  	p1 =	sne.s32 s9, $0x3F0  }
.Ltmp21:
0x366: {  	_ = 	snop;
	(pc) =	sbr.rel @p1 .LBB2_31-.Ltmp21, $4  }
0x367: {  	_ = 	snop  }
0x368: {  	v6 =	vor.u32 s9, v0;
	s9 =	sadd.s32 $0x10, s9  }
0x369: {  	[tilespmem:v5+s20+$0x0] =	vst.idx.msk vm0, v2;
	vm0 =	vge.s32 v6, v3  }
0x36a: {  	v5 =	vand.u32 v4, v6  }
0x36b: {  	_ =	sdelay $0x4  }
0x36c: {  	[tilespmem:v5+s20+$0x0] =	vst.idx.msk vm0, v2  }
.LBB2_33:
0x36d: {  	s7 =	sshll.u32 s7, $0x7  }
0x36e: {  	s7 =	sand.u32 $0x1FFFFF80, s7  }
0x36f: {  	s9 =	simm.s32 $0x17530;
	s7 =	sadd.s32 s6, s7  }
0x370: {  	s10 =	simm.s32 $0x1;
	s12 =	simm.s32 $0x17538;
	s15 =	sadd.s32 $0x0, s7  }
.LBB2_34:
0x371: {  	[hbm4b:s15+s3] =	stream.linear.scatter [tilespmem:s9], [sflag:$0x3], $0x5, $0x38;
	[tilespmem:$0x17930] =	vst v63  }
0x372: {  	s15 =	smov.u32 s10;
	s9 =	smov.u32 s12;
	p1 =	sne.s32 s10, $0x7F  }
.Ltmp22:
0x373: {  	s10 =	sadd.s32 $0x1, s10;
	(pc) =	sbr.rel @p1 .LBB2_34-.Ltmp22, $2  }
0x374: {  	_ =	sdelay $0x2  }
0x375: {  	s12 =	sadd.s32 $0x8, s12;
	s15 =	sadd.s32 s15, s7  }
0x376: {  	[hbm4b:s15+s3] =	stream.linear.scatter [tilespmem:s9], [sflag:$0x3], $0x5, $0x38;
	[tilespmem:$0x17930] =	vst v63  }
0x377: {  	_ =	swait.ge [sflag:s19], $0x280  }
0x378: {  	[sflag:s19] =	ssyncset.done $0x0  }
0x379: {  	[sflag:s19] =	ssyncadd.s32 $0xFFFFFD80  }
.LBB2_36:
0x37a: {  	s5 =	sadd.s32 $0x1, s5  }
0x37b: {  	p1 =	sne.s32 s5, $0x80  }
.Ltmp23:
0x37c: {  	_ = 	snop;
	(pc) =	sbr.rel @!p1 .LBB2_37-.Ltmp23, $1  }
0x37d: {  	_ =	sdelay $0x3  }
.Ltmp24:
0x37e: {  	(pc) =	sbr.rel .LBB2_7-.Ltmp24, $2  }
0x37f: {  	_ = 	snop  }
0x380: {  	s7 =	sld [smem:$0x18];
	_ =	sdelay $0x2  }
.LBB2_38:
0x381: {  	_ =	sfence.sel $0x180000  }
0x382: {  	[bflag:$0x0] =	sbarrier.arrive $0xFFFF  }
0x383: {  	_ =	strace $0x90000047  }
0x384: {  	[bflag:$0x2] =	sbarrier.arrive $0xFFFF  }
0x385: {  	s0 =	rddreg [dreg:$0x3]  }
0x386: {  	s0 =	sadd.s32 @!p0 $0x100000, s0  }
0x387: {  	[sflag:s0] =	ssyncadd.tile.s32 @!p0 $0x1;
	_ =	shalt  }
.Lfunc_end2:
_tile_overlayer_lowered:
.L_overlay_start_2:
0x388: {  	(tag) =	ssettag $0x2  }
0x389: {  	s0 =	rddreg [dreg:$0x0];
	s2 =	stileid.u32  }
0x38a: {  	s1 =	rddreg [dreg:$0x1];
	p0 =	sne.s32 s2, $0x0  }
0x38b: {  	s3 =	rddreg [dreg:$0x2];
	[bflag:$0x3] =	sbarrier.arrive $0xFFFF;
	s2 =	simm.s32 @!p0 $0x1C03  }
0x38c: {  	[timem:s3], [sflag:s2] =	dma.local @!p0 [hbm:s0], s1  }
0x38d: {  	s0 =	simm.s32 @!p0 $0x3  }
0x38e: {  	_ =	swait.ge @!p0 [sflag:s0], s1  }
0x38f: {  	s1 =	ssub.s32 @!p0 $0x0, s1;
	[sflag:s0] =	ssyncset.done @!p0 $0x0  }
0x390: {  	[sflag:s0] =	ssyncadd.s32 @!p0 s1  }
0x391: {  	[bflag:$0x3] =	sbarrier.arrive $0xFFFF  }
0x392: {  	_ =	shalt  }

</sc_bundles>
